<compile_context>
chip_gen: v7x
topology: tpu7x:2x2x1
jax: 0.10.2.dev20260603
libtpu: 0.0.44.dev20260713+nightly
codegen_flags: <defaults>
</compile_context>

<pallas_src>
import functools

import jax
import jax.numpy as jnp
from jax import lax
from jax.experimental import pallas as pl
from jax.experimental.pallas import tpu as pltpu
from jax.experimental.pallas import tpu_sc as plsc

N = 10000
E = 320000
F1 = 128
FH = 128
NC = 2
NS = 16
K = 128
W = 624
ZR = 48
DEGP = 10240

_MESH = plsc.VectorSubcoreMesh(
    core_axis_name="c", subcore_axis_name="s", num_cores=NC, num_subcores=NS
)


def _fill_f32_2d(ref, rows, lanes, val):
    def body(r, carry):
        for l in range(lanes // 16):
            ref[r, pl.ds(l * 16, 16)] = jnp.full((16,), val, jnp.float32)
        return carry
    lax.fori_loop(0, rows, body, 0)


def _fill_f32_1d(ref, n, val):
    def body(i, carry):
        ref[pl.ds(i * 16, 16)] = jnp.full((16,), val, jnp.float32)
        return carry
    lax.fori_loop(0, n // 16, body, 0)


def _agg_prologue(table_hbm, edges_hbm, ebuf, rows, sem_i, sem_g,
                  cbase, row_off=None):
    for i in (0, 1):
        co = cbase + i * NS
        pltpu.async_copy(edges_hbm.at[:, pl.ds(co * K, K)], ebuf[i],
                         sem_i[i])
    pltpu.make_async_copy(edges_hbm.at[:, pl.ds(0, K)], ebuf[0],
                          sem_i[0]).wait()
    if row_off is not None:
        def add_off(j, cy):
            ebuf[0][0, pl.ds(j * 16, 16)] = (
                ebuf[0][0, pl.ds(j * 16, 16)] + row_off)
            return cy
        lax.fori_loop(0, K // 16, add_off, 0)
    pltpu.async_copy(table_hbm.at[ebuf[0].at[0]], rows[0], sem_g[0])


def _agg_pipeline(table_hbm, edges_hbm, acc_sh, ebuf, rows,
                  sem_i, sem_g, sem_s, sem_d, cbase, nchunks, nlim,
                  row_off=None, deg_sh=None, ones=None):
    def issue_loads(i, slot):
        co = cbase + i * NS
        pltpu.async_copy(edges_hbm.at[:, pl.ds(co * K, K)], ebuf[slot],
                         sem_i[slot])

    def wait_loads(slot):
        pltpu.make_async_copy(edges_hbm.at[:, pl.ds(0, K)], ebuf[slot],
                              sem_i[slot]).wait()

    def start_gather(slot, rb):
        if row_off is not None:
            def add_off(j, cy):
                ebuf[slot][0, pl.ds(j * 16, 16)] = (
                    ebuf[slot][0, pl.ds(j * 16, 16)] + row_off)
                return cy
            lax.fori_loop(0, K // 16, add_off, 0)
        pltpu.async_copy(table_hbm.at[ebuf[slot].at[0]], rows[rb], sem_g[rb])

    def wait_gather(rb):
        pltpu.make_async_copy(table_hbm.at[pl.ds(0, K)], rows[rb],
                              sem_g[rb]).wait()

    def start_scatter(slot, rb):
        pltpu.async_copy(rows[rb], acc_sh.at[ebuf[slot].at[1]], sem_s[rb],
                         add=True)
        if deg_sh is not None:
            pltpu.async_copy(ones, deg_sh.at[ebuf[slot].at[1]], sem_d[rb],
                             add=True)

    def wait_scatter(rb):
        pltpu.make_async_copy(rows[rb], acc_sh.at[pl.ds(0, K)],
                              sem_s[rb]).wait()
        if deg_sh is not None:
            pltpu.make_async_copy(ones, deg_sh.at[pl.ds(0, K)],
                                  sem_d[rb]).wait()

    nquads = (nchunks + 3) // 4

    def quad(q, carry):
        for b in range(4):
            i = q * 4 + b
            s_next = (b + 1) % 4
            s_pref = (b + 2) % 4

            @pl.when(i + 1 < nlim)
            def _gather_next():
                wait_loads(s_next)

                @pl.when(i >= 1)
                def _drain_prev_scatter():
                    wait_scatter((b + 1) % 2)

                start_gather(s_next, (b + 1) % 2)

            @pl.when(i + 2 < nlim)
            def _prefetch_idx():
                issue_loads(i + 2, s_pref)

            @pl.when(i < nlim)
            def _scatter():
                wait_gather(b % 2)
                start_scatter(b, b % 2)
        return carry

    lax.fori_loop(0, nquads, quad, 0)

    wait_scatter(0)
    wait_scatter(1)



@functools.partial(
    pl.kernel,
    out_type=[
        jax.ShapeDtypeStruct((NC, N, F1), jnp.float32),
        jax.ShapeDtypeStruct((NC * DEGP,), jnp.float32),
    ],
    mesh=_MESH,
    scratch_types=[
        [pltpu.VMEM((2, K), jnp.int32)] * 4,
        [pltpu.VMEM((K, F1), jnp.float32)] * 2,
        pltpu.VMEM((K,), jnp.float32),
        pltpu.VMEM((ZR, F1), jnp.float32),
        pltpu.VMEM((DEGP // NS,), jnp.float32),
        pltpu.VMEM_SHARED((N, F1), jnp.float32),
        pltpu.VMEM_SHARED((DEGP,), jnp.float32),
        [pltpu.SemaphoreType.DMA] * 4,
        [pltpu.SemaphoreType.DMA] * 2,
        [pltpu.SemaphoreType.DMA] * 2,
        [pltpu.SemaphoreType.DMA] * 2,
    ],
)
def _sc_conv1(x_hbm, edges_hbm, out_hbm, deg_hbm,
              ebuf, rows, ones, zbuf, dzbuf, acc_sh, deg_sh,
              sem_i, sem_g, sem_s, sem_d):
    c = lax.axis_index("c")
    s = lax.axis_index("s")

    cpc = (E // NC) // K
    cbase = c * cpc + s
    nchunks = cpc // NS + 1
    nlim = cpc // NS + (s < cpc % NS).astype(jnp.int32)

    _agg_prologue(x_hbm, edges_hbm, ebuf, rows, sem_i, sem_g, cbase)

    _fill_f32_2d(zbuf, ZR, F1, 0.0)
    _fill_f32_1d(dzbuf, DEGP // NS, 0.0)
    _fill_f32_1d(ones, K, 1.0)
    for k in range(W // ZR):
        pltpu.sync_copy(zbuf, acc_sh.at[pl.ds(s * W + k * ZR, ZR)])

    @pl.when(s == NS - 1)
    def _zero_tail():
        pltpu.sync_copy(zbuf.at[pl.ds(0, N - W * NS)],
                        acc_sh.at[pl.ds(W * NS, N - W * NS)])

    pltpu.sync_copy(dzbuf, deg_sh.at[pl.ds(s * (DEGP // NS), DEGP // NS)])
    plsc.subcore_barrier()

    _agg_pipeline(x_hbm, edges_hbm, acc_sh, ebuf, rows,
                  sem_i, sem_g, sem_s, sem_d, cbase, nchunks, nlim,
                  deg_sh=deg_sh, ones=ones)
    plsc.subcore_barrier()

    pltpu.sync_copy(acc_sh.at[pl.ds(s * W, W)],
                    out_hbm.at[c, pl.ds(s * W, W)])

    @pl.when(s == NS - 1)
    def _writeback_tail():
        pltpu.sync_copy(acc_sh.at[pl.ds(W * NS, N - W * NS)],
                        out_hbm.at[c, pl.ds(W * NS, N - W * NS)])

    DW = DEGP // NS
    pltpu.sync_copy(deg_sh.at[pl.ds(s * DW, DW)], dzbuf)
    pltpu.sync_copy(dzbuf, deg_hbm.at[pl.ds(c * DEGP + s * DW, DW)])



@functools.partial(
    pl.kernel,
    out_type=jax.ShapeDtypeStruct((NC, N, FH), jnp.float32),
    mesh=_MESH,
    scratch_types=[
        [pltpu.VMEM((2, K), jnp.int32)] * 4,
        [pltpu.VMEM((K, FH), jnp.float32)] * 2,
        pltpu.VMEM((ZR, FH), jnp.float32),
        pltpu.VMEM_SHARED((N, FH), jnp.float32),
        [pltpu.SemaphoreType.DMA] * 4,
        [pltpu.SemaphoreType.DMA] * 2,
        [pltpu.SemaphoreType.DMA] * 2,
    ],
)
def _sc_conv2(h_hbm, edges_hbm, out_hbm,
              ebuf, rows, zbuf, acc_sh, sem_i, sem_g, sem_s):
    c = lax.axis_index("c")
    s = lax.axis_index("s")

    cpc = E // K
    cbase = s
    nchunks = cpc // NS + 1
    nlim = cpc // NS + (s < cpc % NS).astype(jnp.int32)
    row_off = c * N

    _agg_prologue(h_hbm, edges_hbm, ebuf, rows, sem_i, sem_g, cbase,
                  row_off=row_off)

    _fill_f32_2d(zbuf, ZR, FH, 0.0)
    for k in range(W // ZR):
        pltpu.sync_copy(zbuf, acc_sh.at[pl.ds(s * W + k * ZR, ZR)])

    @pl.when(s == NS - 1)
    def _zero_tail():
        pltpu.sync_copy(zbuf.at[pl.ds(0, N - W * NS)],
                        acc_sh.at[pl.ds(W * NS, N - W * NS)])

    plsc.subcore_barrier()

    _agg_pipeline(h_hbm, edges_hbm, acc_sh, ebuf, rows,
                  sem_i, sem_g, sem_s, None, cbase, nchunks, nlim,
                  row_off=row_off)
    plsc.subcore_barrier()

    pltpu.sync_copy(acc_sh.at[pl.ds(s * W, W)],
                    out_hbm.at[c, pl.ds(s * W, W)])

    @pl.when(s == NS - 1)
    def _writeback_tail():
        pltpu.sync_copy(acc_sh.at[pl.ds(W * NS, N - W * NS)],
                        out_hbm.at[c, pl.ds(W * NS, N - W * NS)])



_R = 2048
_DR = DEGP // 128


def _bdot(a, b):
    return jnp.dot(a.astype(jnp.bfloat16), b.astype(jnp.bfloat16),
                   preferred_element_type=jnp.float32)


def _tc1_body(x_ref, agg_ref, deg_ref, wl_ref, bl_ref, wr_ref,
              h1_ref, degm_ref):
    a = agg_ref[0] + agg_ref[1]
    dm = jnp.maximum(deg_ref[0] + deg_ref[1], 1.0)
    inv = (1.0 / dm)[:, :, None]
    mean = (a.reshape(_R // 128, 128, F1) * inv).reshape(_R, F1)
    x1 = (_bdot(mean, wl_ref[...])
          + bl_ref[...][None, :]
          + _bdot(x_ref[...], wr_ref[...]))
    h1 = jnp.maximum(x1, 0.0)
    h1_ref[0] = h1[:, :FH]
    h1_ref[1] = h1[:, FH:]
    degm_ref[...] = dm


def _tc1(x, aggpair, degpair, wl, bl, wr):
    grid = (pl.cdiv(N, _R),)
    return pl.pallas_call(
        _tc1_body,
        grid=grid,
        in_specs=[
            pl.BlockSpec((_R, F1), lambda i: (i, 0)),
            pl.BlockSpec((NC, _R, F1), lambda i: (0, i, 0)),
            pl.BlockSpec((NC, _R // 128, 128), lambda i: (0, i, 0)),
            pl.BlockSpec((F1, 2 * FH), lambda i: (0, 0)),
            pl.BlockSpec((2 * FH,), lambda i: (0,)),
            pl.BlockSpec((F1, 2 * FH), lambda i: (0, 0)),
        ],
        out_specs=[
            pl.BlockSpec((NC, _R, FH), lambda i: (0, i, 0)),
            pl.BlockSpec((_R // 128, 128), lambda i: (i, 0)),
        ],
        out_shape=[
            jax.ShapeDtypeStruct((NC, N, FH), jnp.float32),
            jax.ShapeDtypeStruct((_DR, 128), jnp.float32),
        ],
    )(x, aggpair, degpair, wl, bl, wr)



def _tc2_body(x_ref, h1_ref, agg2_ref, degm_ref, wl2_ref, bl2_ref, wr2_ref,
              w1_ref, b1_ref, g_ref, b_ref, w2_ref, b2_ref, out_ref):
    inv = (1.0 / degm_ref[...])[:, :, None]
    h1 = jnp.concatenate([h1_ref[0], h1_ref[1]], axis=1)
    a2 = jnp.concatenate([agg2_ref[0], agg2_ref[1]], axis=1)
    m2 = (a2.reshape(_R // 128, 128, 2 * FH) * inv).reshape(_R, 2 * FH)
    x2 = (_bdot(m2, wl2_ref[...])
          + bl2_ref[...][None, :]
          + _bdot(h1, wr2_ref[...]))
    h2 = jnp.maximum(x2, 0.0)
    h = jnp.concatenate([x_ref[...], h1, h2], axis=1)
    m1 = _bdot(h, w1_ref[...])
    m1 = jnp.maximum(m1 + b1_ref[...][None, :], 0.0)
    mu = jnp.mean(m1, axis=1, keepdims=True)
    var = jnp.mean((m1 - mu) * (m1 - mu), axis=1, keepdims=True)
    ln = (m1 - mu) * lax.rsqrt(var + 1e-5) * g_ref[...][None, :] + b_ref[...][None, :]
    out_ref[...] = _bdot(ln, w2_ref[...]) + b2_ref[...][None, :]


def _tc2(x, h1pair, agg2pair, degm, wl2, bl2, wr2, w1, b1, g, b, w2, b2):
    grid = (pl.cdiv(N, _R),)
    return pl.pallas_call(
        _tc2_body,
        grid=grid,
        in_specs=[
            pl.BlockSpec((_R, F1), lambda i: (i, 0)),
            pl.BlockSpec((NC, _R, FH), lambda i: (0, i, 0)),
            pl.BlockSpec((NC, _R, FH), lambda i: (0, i, 0)),
            pl.BlockSpec((_R // 128, 128), lambda i: (i, 0)),
            pl.BlockSpec((2 * FH, 2 * FH), lambda i: (0, 0)),
            pl.BlockSpec((2 * FH,), lambda i: (0,)),
            pl.BlockSpec((2 * FH, 2 * FH), lambda i: (0, 0)),
            pl.BlockSpec((F1 + 4 * FH, 2 * FH), lambda i: (0, 0)),
            pl.BlockSpec((2 * FH,), lambda i: (0,)),
            pl.BlockSpec((2 * FH,), lambda i: (0,)),
            pl.BlockSpec((2 * FH,), lambda i: (0,)),
            pl.BlockSpec((2 * FH, 2), lambda i: (0, 0)),
            pl.BlockSpec((2,), lambda i: (0,)),
        ],
        out_specs=pl.BlockSpec((_R, 2), lambda i: (i, 0)),
        out_shape=jax.ShapeDtypeStruct((N, 2), jnp.float32),
    )(x, h1pair, agg2pair, degm, wl2, bl2, wr2, w1, b1, g, b, w2, b2)


def kernel(x, edge_index, conv1_Wl, conv1_bl, conv1_Wr, conv2_Wl, conv2_bl,
           conv2_Wr, mlp_W1, mlp_b1, ln_g, ln_b, mlp_W2, mlp_b2):
    ei = edge_index.astype(jnp.int32)

    aggpair, degflat = _sc_conv1(x, ei)
    h1pair, degm = _tc1(x, aggpair, degflat.reshape(NC, _DR, 128),
                        conv1_Wl, conv1_bl, conv1_Wr)
    agg2pair = _sc_conv2(h1pair.reshape(NC * N, FH), ei)
    out = _tc2(x, h1pair, agg2pair, degm, conv2_Wl, conv2_bl, conv2_Wr,
               mlp_W1, mlp_b1, ln_g, ln_b, mlp_W2, mlp_b2)
    return out

# --- scband reference (transcript-rebuilt; emitter-appended) ---
"""Pipeline reference for scband-sagegraph-conv-net-54056458387849 (READ-ONLY COPY).

The authoritative reference and input builder live on the scoring server;
editing this copy changes nothing except your own understanding.
"""

import jax, jax.numpy as jnp
import numpy as np

N_NODES = 10000
N_EDGES = 320000
N_IN = 128
N_HID = 256
N_OUT = 1


def setup_inputs(seed: int = 0) -> dict:
    key = jax.random.key(seed)
    ks = jax.random.split(key, 16)
    x = jax.random.normal(ks[0], (N_NODES, N_IN), dtype=jnp.float32)
    edge_index = jax.random.randint(ks[1], (2, N_EDGES), 0, N_NODES, dtype=jnp.int64)

    def lin(k, fan_in, fan_out):
        return jax.random.normal(k, (fan_in, fan_out), dtype=jnp.float32) / jnp.sqrt(fan_in)

    return {
        "x": x,
        "edge_index": edge_index,
        "conv1_Wl": lin(ks[2], N_IN, N_HID),
        "conv1_bl": jnp.zeros((N_HID,), dtype=jnp.float32),
        "conv1_Wr": lin(ks[3], N_IN, N_HID),
        "conv2_Wl": lin(ks[4], N_HID, N_HID),
        "conv2_bl": jnp.zeros((N_HID,), dtype=jnp.float32),
        "conv2_Wr": lin(ks[5], N_HID, N_HID),
        "mlp_W1": lin(ks[6], N_IN + 2 * N_HID, N_HID),
        "mlp_b1": jnp.zeros((N_HID,), dtype=jnp.float32),
        "ln_g": jnp.ones((N_HID,), dtype=jnp.float32),
        "ln_b": jnp.zeros((N_HID,), dtype=jnp.float32),
        "mlp_W2": lin(ks[7], N_HID, 2 * N_OUT),
        "mlp_b2": jnp.zeros((2 * N_OUT,), dtype=jnp.float32),
    }


def _sage_conv(x, src, dst, Wl, bl, Wr):
    # PyG SAGEConv: out = lin_l(mean_{j in N(i)} x_j) + lin_r(x_i)
    msg = jnp.take(x, src, axis=0)
    agg = jax.ops.segment_sum(msg, dst, num_segments=N_NODES)
    deg = jax.ops.segment_sum(jnp.ones((src.shape[0],), dtype=x.dtype), dst, num_segments=N_NODES)
    mean = agg / jnp.maximum(deg, 1.0)[:, None]
    return mean @ Wl + bl + x @ Wr


def _layernorm(h, g, b, eps=1e-5):
    mu = jnp.mean(h, axis=-1, keepdims=True)
    var = jnp.mean((h - mu) ** 2, axis=-1, keepdims=True)
    return (h - mu) / jnp.sqrt(var + eps) * g + b


def reference(x, edge_index, conv1_Wl, conv1_bl, conv1_Wr, conv2_Wl, conv2_bl, conv2_Wr,
              mlp_W1, mlp_b1, ln_g, ln_b, mlp_W2, mlp_b2):
    src = edge_index[0]
    dst = edge_index[1]
    x1 = _sage_conv(x, src, dst, conv1_Wl, conv1_bl, conv1_Wr)
    x2 = _sage_conv(jax.nn.relu(x1), src, dst, conv2_Wl, conv2_bl, conv2_Wr)
    h = jnp.concatenate([x, jax.nn.relu(x1), jax.nn.relu(x2)], axis=-1)
    h = h @ mlp_W1 + mlp_b1
    h = jax.nn.relu(h)
    h = _layernorm(h, ln_g, ln_b)
    out = h @ mlp_W2 + mlp_b2
    return out

if __name__ == "__main__":
    import jax
    _d = setup_inputs()
    print(jax.jit(kernel)(*tuple(_d.values())))

</pallas_src>

<mosaic_0001>
#map = affine_map<(d0, d1) -> (0, 0)>
#map1 = affine_map<(d0, d1) -> (0, 0, 0)>
#map2 = affine_map<(d0, d1) -> (0)>
module attributes {stable_mosaic.version = 14 : i64} {
  func.func @_sc_conv1(%arg0: i32, %arg1: i32, %arg2: memref<10000x128xf32, #tpu.memory_space<hbm>>, %arg3: memref<2x320000xi32, #tpu.memory_space<hbm>>, %arg4: memref<2x10000x128xf32, #tpu.memory_space<hbm>>, %arg5: memref<20480xf32, #tpu.memory_space<hbm>>, %arg6: memref<2x128xi32, #tpu.memory_space<vmem>>, %arg7: memref<2x128xi32, #tpu.memory_space<vmem>>, %arg8: memref<2x128xi32, #tpu.memory_space<vmem>>, %arg9: memref<2x128xi32, #tpu.memory_space<vmem>>, %arg10: memref<128x128xf32, #tpu.memory_space<vmem>>, %arg11: memref<128x128xf32, #tpu.memory_space<vmem>>, %arg12: memref<128xf32, #tpu.memory_space<vmem>>, %arg13: memref<48x128xf32, #tpu.memory_space<vmem>>, %arg14: memref<640xf32, #tpu.memory_space<vmem>>, %arg15: memref<10000x128xf32, #tpu.memory_space<vmem_shared>>, %arg16: memref<10240xf32, #tpu.memory_space<vmem_shared>>, %arg17: memref<!tpu.dma_semaphore, #tpu.memory_space<semaphore_mem>>, %arg18: memref<!tpu.dma_semaphore, #tpu.memory_space<semaphore_mem>>, %arg19: memref<!tpu.dma_semaphore, #tpu.memory_space<semaphore_mem>>, %arg20: memref<!tpu.dma_semaphore, #tpu.memory_space<semaphore_mem>>, %arg21: memref<!tpu.dma_semaphore, #tpu.memory_space<semaphore_mem>>, %arg22: memref<!tpu.dma_semaphore, #tpu.memory_space<semaphore_mem>>, %arg23: memref<!tpu.dma_semaphore, #tpu.memory_space<semaphore_mem>>, %arg24: memref<!tpu.dma_semaphore, #tpu.memory_space<semaphore_mem>>, %arg25: memref<!tpu.dma_semaphore, #tpu.memory_space<semaphore_mem>>, %arg26: memref<!tpu.dma_semaphore, #tpu.memory_space<semaphore_mem>>) attributes {dimension_semantics = [#tpu.dimension_semantics<core_parallel>, #tpu.dimension_semantics<subcore_parallel>], iteration_bounds = array<i64: 2, 16>, scalar_prefetch = 0 : i64, scratch_operands = 21 : i64, tpu.core_type = #tpu.core_type<sc_vector_subcore>, window_params = [{transform_indices = #map}, {transform_indices = #map}, {transform_indices = #map1}, {transform_indices = #map2}]} {
    %mul3A = arith.constant 1250 : i32
    %mul3A_0 = arith.muli %arg0, %mul3A : i32
    %add3A = arith.addi %mul3A_0, %arg1 : i32
    %lt3A = arith.constant 2 : i32
    %lt3A_1 = arith.cmpi slt, %arg1, %lt3A : i32
    %convert_element_type3A = arith.extui %lt3A_1 : i1 to i32
    %add3A_2 = arith.constant 78 : i32
    %add3A_3 = arith.addi %add3A_2, %convert_element_type3A : i32
    %add3A_4 = arith.constant 0 : i32
    %add3A_5 = arith.addi %add3A, %add3A_4 : i32
    %mul3A_6 = arith.constant 128 : i32
    %mul3A_7 = arith.muli %add3A_5, %mul3A_6 : i32
    %dma_start3A = arith.constant 0 : i32
    %dma_start3A_8 = tpu.memref_slice %arg3[%dma_start3A, %mul3A_7] : memref<2x320000xi32, #tpu.memory_space<hbm>> -> memref<2x128xi32, #tpu.memory_space<hbm>>
    %dma_start3A_9 = arith.constant 0 : i32
    %dma_start3A_10 = tpu.memref_slice %arg3[%dma_start3A_9, %mul3A_7] : memref<2x320000xi32, #tpu.memory_space<hbm>> -> memref<2x128xi32, #tpu.memory_space<hbm>>
    tpu.enqueue_dma source(%dma_start3A_10 : memref<2x128xi32, #tpu.memory_space<hbm>>) target(%arg6 : memref<2x128xi32, #tpu.memory_space<vmem>>) target_semaphore(%arg17 : memref<!tpu.dma_semaphore, #tpu.memory_space<semaphore_mem>>)
    %add3A_11 = arith.constant 16 : i32
    %add3A_12 = arith.addi %add3A, %add3A_11 : i32
    %mul3A_13 = arith.constant 128 : i32
    %mul3A_14 = arith.muli %add3A_12, %mul3A_13 : i32
    %dma_start3A_15 = arith.constant 0 : i32
    %dma_start3A_16 = tpu.memref_slice %arg3[%dma_start3A_15, %mul3A_14] : memref<2x320000xi32, #tpu.memory_space<hbm>> -> memref<2x128xi32, #tpu.memory_space<hbm>>
    %dma_start3A_17 = arith.constant 0 : i32
    %dma_start3A_18 = tpu.memref_slice %arg3[%dma_start3A_17, %mul3A_14] : memref<2x320000xi32, #tpu.memory_space<hbm>> -> memref<2x128xi32, #tpu.memory_space<hbm>>
    tpu.enqueue_dma source(%dma_start3A_18 : memref<2x128xi32, #tpu.memory_space<hbm>>) target(%arg7 : memref<2x128xi32, #tpu.memory_space<vmem>>) target_semaphore(%arg18 : memref<!tpu.dma_semaphore, #tpu.memory_space<semaphore_mem>>)
    %dma_wait3A = arith.constant 0 : i32
    %dma_wait3A_19 = arith.constant 0 : i32
    %dma_wait3A_20 = tpu.memref_slice %arg3[%dma_wait3A, %dma_wait3A_19] : memref<2x320000xi32, #tpu.memory_space<hbm>> -> memref<2x128xi32, #tpu.memory_space<hbm>>
    %dma_wait3A_21 = arith.constant 0 : i32
    %dma_wait3A_22 = arith.constant 0 : i32
    %dma_wait3A_23 = tpu.memref_slice %arg3[%dma_wait3A_21, %dma_wait3A_22] : memref<2x320000xi32, #tpu.memory_space<hbm>> -> memref<2x128xi32, #tpu.memory_space<hbm>>
    tpu.wait_dma2 semaphore(%arg17 : memref<!tpu.dma_semaphore, #tpu.memory_space<semaphore_mem>>) src(%dma_wait3A_23 : memref<2x128xi32, #tpu.memory_space<hbm>>) dst(%arg6 : memref<2x128xi32, #tpu.memory_space<vmem>>)
    %dma_start3A_24 = arith.constant 0 : i32
    %dma_start3A_25 = arith.constant 0 : i32
    %dma_start3A_26 = tpu.memref_slice %arg6[%dma_start3A_24, %dma_start3A_25] : memref<2x128xi32, #tpu.memory_space<vmem>> -> memref<1x128xi32, #tpu.memory_space<vmem>>
    %dma_start3A_27 = tpu.memref_squeeze %dma_start3A_26 : memref<1x128xi32, #tpu.memory_space<vmem>> -> memref<128xi32, #tpu.memory_space<vmem>>
    %dma_start3A_28 = arith.constant 0 : i32
    %dma_start3A_29 = arith.constant 0 : i32
    %dma_start3A_30 = tpu.memref_slice %arg2[%dma_start3A_28, %dma_start3A_29] : memref<10000x128xf32, #tpu.memory_space<hbm>> -> memref<10000x128xf32, #tpu.memory_space<hbm>>
    tpu.enqueue_indirect_dma source(%dma_start3A_30 : memref<10000x128xf32, #tpu.memory_space<hbm>>) target(%arg10 : memref<128x128xf32, #tpu.memory_space<vmem>>) offsets(%dma_start3A_27 : memref<128xi32, #tpu.memory_space<vmem>>) semaphore(%arg21 : memref<!tpu.dma_semaphore, #tpu.memory_space<semaphore_mem>>)
    %scan3A = arith.constant 0 : i32
    %scan3A_31 = arith.constant 0 : i32
    %scan3A_32 = arith.constant 48 : i32
    %scan3A_33 = arith.addi %scan3A_31, %scan3A_32 : i32
    %scan3A_34 = arith.constant 1 : i32
    scf.for %scan3A_148 = %scan3A_31 to %scan3A_33 step %scan3A_34  : i32 {
      %broadcast_in_dim3A = arith.constant 0.000000e+00 : f32
      %broadcast_in_dim3A_149 = vector.broadcast %broadcast_in_dim3A : f32 to vector<16xf32>
      %swap3A = arith.index_cast %scan3A_148 : i32 to index
      %swap3A_150 = arith.constant 0 : index
      %swap3A_151 = tpu.vector_load %arg13[%swap3A, %swap3A_150] {strides = array<i32>} : memref<48x128xf32, #tpu.memory_space<vmem>>, vector<1x16xf32>,
      %swap3A_152 = vector.shape_cast %swap3A_151 : vector<1x16xf32> to vector<16xf32>
      %swap3A_153 = vector.shape_cast %broadcast_in_dim3A_149 : vector<16xf32> to vector<1x16xf32>
      tpu.vector_store %arg13[%swap3A, %swap3A_150], %swap3A_153 {strides = array<i32>} : memref<48x128xf32, #tpu.memory_space<vmem>>, vector<1x16xf32>,
      %broadcast_in_dim3A_154 = arith.constant 0.000000e+00 : f32
      %broadcast_in_dim3A_155 = vector.broadcast %broadcast_in_dim3A_154 : f32 to vector<16xf32>
      %swap3A_156 = arith.index_cast %scan3A_148 : i32 to index
      %swap3A_157 = arith.constant 16 : index
      %swap3A_158 = tpu.vector_load %arg13[%swap3A_156, %swap3A_157] {strides = array<i32>} : memref<48x128xf32, #tpu.memory_space<vmem>>, vector<1x16xf32>,
      %swap3A_159 = vector.shape_cast %swap3A_158 : vector<1x16xf32> to vector<16xf32>
      %swap3A_160 = vector.shape_cast %broadcast_in_dim3A_155 : vector<16xf32> to vector<1x16xf32>
      tpu.vector_store %arg13[%swap3A_156, %swap3A_157], %swap3A_160 {strides = array<i32>} : memref<48x128xf32, #tpu.memory_space<vmem>>, vector<1x16xf32>,
      %broadcast_in_dim3A_161 = arith.constant 0.000000e+00 : f32
      %broadcast_in_dim3A_162 = vector.broadcast %broadcast_in_dim3A_161 : f32 to vector<16xf32>
      %swap3A_163 = arith.index_cast %scan3A_148 : i32 to index
      %swap3A_164 = arith.constant 32 : index
      %swap3A_165 = tpu.vector_load %arg13[%swap3A_163, %swap3A_164] {strides = array<i32>} : memref<48x128xf32, #tpu.memory_space<vmem>>, vector<1x16xf32>,
      %swap3A_166 = vector.shape_cast %swap3A_165 : vector<1x16xf32> to vector<16xf32>
      %swap3A_167 = vector.shape_cast %broadcast_in_dim3A_162 : vector<16xf32> to vector<1x16xf32>
      tpu.vector_store %arg13[%swap3A_163, %swap3A_164], %swap3A_167 {strides = array<i32>} : memref<48x128xf32, #tpu.memory_space<vmem>>, vector<1x16xf32>,
      %broadcast_in_dim3A_168 = arith.constant 0.000000e+00 : f32
      %broadcast_in_dim3A_169 = vector.broadcast %broadcast_in_dim3A_168 : f32 to vector<16xf32>
      %swap3A_170 = arith.index_cast %scan3A_148 : i32 to index
      %swap3A_171 = arith.constant 48 : index
      %swap3A_172 = tpu.vector_load %arg13[%swap3A_170, %swap3A_171] {strides = array<i32>} : memref<48x128xf32, #tpu.memory_space<vmem>>, vector<1x16xf32>,
      %swap3A_173 = vector.shape_cast %swap3A_172 : vector<1x16xf32> to vector<16xf32>
      %swap3A_174 = vector.shape_cast %broadcast_in_dim3A_169 : vector<16xf32> to vector<1x16xf32>
      tpu.vector_store %arg13[%swap3A_170, %swap3A_171], %swap3A_174 {strides = array<i32>} : memref<48x128xf32, #tpu.memory_space<vmem>>, vector<1x16xf32>,
      %broadcast_in_dim3A_175 = arith.constant 0.000000e+00 : f32
      %broadcast_in_dim3A_176 = vector.broadcast %broadcast_in_dim3A_175 : f32 to vector<16xf32>
      %swap3A_177 = arith.index_cast %scan3A_148 : i32 to index
      %swap3A_178 = arith.constant 64 : index
      %swap3A_179 = tpu.vector_load %arg13[%swap3A_177, %swap3A_178] {strides = array<i32>} : memref<48x128xf32, #tpu.memory_space<vmem>>, vector<1x16xf32>,
      %swap3A_180 = vector.shape_cast %swap3A_179 : vector<1x16xf32> to vector<16xf32>
      %swap3A_181 = vector.shape_cast %broadcast_in_dim3A_176 : vector<16xf32> to vector<1x16xf32>
      tpu.vector_store %arg13[%swap3A_177, %swap3A_178], %swap3A_181 {strides = array<i32>} : memref<48x128xf32, #tpu.memory_space<vmem>>, vector<1x16xf32>,
      %broadcast_in_dim3A_182 = arith.constant 0.000000e+00 : f32
      %broadcast_in_dim3A_183 = vector.broadcast %broadcast_in_dim3A_182 : f32 to vector<16xf32>
      %swap3A_184 = arith.index_cast %scan3A_148 : i32 to index
      %swap3A_185 = arith.constant 80 : index
      %swap3A_186 = tpu.vector_load %arg13[%swap3A_184, %swap3A_185] {strides = array<i32>} : memref<48x128xf32, #tpu.memory_space<vmem>>, vector<1x16xf32>,
      %swap3A_187 = vector.shape_cast %swap3A_186 : vector<1x16xf32> to vector<16xf32>
      %swap3A_188 = vector.shape_cast %broadcast_in_dim3A_183 : vector<16xf32> to vector<1x16xf32>
      tpu.vector_store %arg13[%swap3A_184, %swap3A_185], %swap3A_188 {strides = array<i32>} : memref<48x128xf32, #tpu.memory_space<vmem>>, vector<1x16xf32>,
      %broadcast_in_dim3A_189 = arith.constant 0.000000e+00 : f32
      %broadcast_in_dim3A_190 = vector.broadcast %broadcast_in_dim3A_189 : f32 to vector<16xf32>
      %swap3A_191 = arith.index_cast %scan3A_148 : i32 to index
      %swap3A_192 = arith.constant 96 : index
      %swap3A_193 = tpu.vector_load %arg13[%swap3A_191, %swap3A_192] {strides = array<i32>} : memref<48x128xf32, #tpu.memory_space<vmem>>, vector<1x16xf32>,
      %swap3A_194 = vector.shape_cast %swap3A_193 : vector<1x16xf32> to vector<16xf32>
      %swap3A_195 = vector.shape_cast %broadcast_in_dim3A_190 : vector<16xf32> to vector<1x16xf32>
      tpu.vector_store %arg13[%swap3A_191, %swap3A_192], %swap3A_195 {strides = array<i32>} : memref<48x128xf32, #tpu.memory_space<vmem>>, vector<1x16xf32>,
      %broadcast_in_dim3A_196 = arith.constant 0.000000e+00 : f32
      %broadcast_in_dim3A_197 = vector.broadcast %broadcast_in_dim3A_196 : f32 to vector<16xf32>
      %swap3A_198 = arith.index_cast %scan3A_148 : i32 to index
      %swap3A_199 = arith.constant 112 : index
      %swap3A_200 = tpu.vector_load %arg13[%swap3A_198, %swap3A_199] {strides = array<i32>} : memref<48x128xf32, #tpu.memory_space<vmem>>, vector<1x16xf32>,
      %swap3A_201 = vector.shape_cast %swap3A_200 : vector<1x16xf32> to vector<16xf32>
      %swap3A_202 = vector.shape_cast %broadcast_in_dim3A_197 : vector<16xf32> to vector<1x16xf32>
      tpu.vector_store %arg13[%swap3A_198, %swap3A_199], %swap3A_202 {strides = array<i32>} : memref<48x128xf32, #tpu.memory_space<vmem>>, vector<1x16xf32>,
    }
    %scan3A_35 = arith.constant 48 : i32
    %scan3A_36 = arith.constant 0 : i32
    %scan3A_37 = arith.constant 0 : i32
    %scan3A_38 = arith.constant 40 : i32
    %scan3A_39 = arith.addi %scan3A_37, %scan3A_38 : i32
    %scan3A_40 = arith.constant 1 : i32
    scf.for %scan3A_148 = %scan3A_37 to %scan3A_39 step %scan3A_40  : i32 {
      %broadcast_in_dim3A = arith.constant 0.000000e+00 : f32
      %broadcast_in_dim3A_149 = vector.broadcast %broadcast_in_dim3A : f32 to vector<16xf32>
      %mul3A_150 = arith.constant 16 : i32
      %mul3A_151 = arith.muli %scan3A_148, %mul3A_150 : i32
      %swap3A = arith.index_cast %mul3A_151 : i32 to index
      %swap3A_152 = tpu.vector_load %arg14[%swap3A] {strides = array<i32>} : memref<640xf32, #tpu.memory_space<vmem>>, vector<16xf32>,
      %swap3A_153 = vector.shape_cast %swap3A_152 : vector<16xf32> to vector<16xf32>
      %swap3A_154 = vector.shape_cast %broadcast_in_dim3A_149 : vector<16xf32> to vector<16xf32>
      tpu.vector_store %arg14[%swap3A], %swap3A_154 {strides = array<i32>} : memref<640xf32, #tpu.memory_space<vmem>>, vector<16xf32>,
    }
    %scan3A_41 = arith.constant 40 : i32
    %scan3A_42 = arith.constant 0 : i32
    %scan3A_43 = arith.constant 0 : i32
    %scan3A_44 = arith.constant 8 : i32
    %scan3A_45 = arith.addi %scan3A_43, %scan3A_44 : i32
    %scan3A_46 = arith.constant 1 : i32
    scf.for %scan3A_148 = %scan3A_43 to %scan3A_45 step %scan3A_46  : i32 {
      %broadcast_in_dim3A = arith.constant 1.000000e+00 : f32
      %broadcast_in_dim3A_149 = vector.broadcast %broadcast_in_dim3A : f32 to vector<16xf32>
      %mul3A_150 = arith.constant 16 : i32
      %mul3A_151 = arith.muli %scan3A_148, %mul3A_150 : i32
      %swap3A = arith.index_cast %mul3A_151 : i32 to index
      %swap3A_152 = tpu.vector_load %arg12[%swap3A] {strides = array<i32>} : memref<128xf32, #tpu.memory_space<vmem>>, vector<16xf32>,
      %swap3A_153 = vector.shape_cast %swap3A_152 : vector<16xf32> to vector<16xf32>
      %swap3A_154 = vector.shape_cast %broadcast_in_dim3A_149 : vector<16xf32> to vector<16xf32>
      tpu.vector_store %arg12[%swap3A], %swap3A_154 {strides = array<i32>} : memref<128xf32, #tpu.memory_space<vmem>>, vector<16xf32>,
    }
    %scan3A_47 = arith.constant 8 : i32
    %mul3A_48 = arith.constant 624 : i32
    %mul3A_49 = arith.muli %arg1, %mul3A_48 : i32
    %add3A_50 = arith.constant 0 : i32
    %add3A_51 = arith.addi %mul3A_49, %add3A_50 : i32
    "tpu.region"() ({
      %run_scoped3A = tpu.sem_alloc : memref<!tpu.dma_semaphore, #tpu.memory_space<semaphore_mem>>
      %dma_start3A_148 = arith.constant 0 : i32
      %dma_start3A_149 = tpu.memref_slice %arg15[%add3A_51, %dma_start3A_148] : memref<10000x128xf32, #tpu.memory_space<vmem_shared>> -> memref<48x128xf32, #tpu.memory_space<vmem_shared>>
      %dma_start3A_150 = arith.constant 0 : i32
      %dma_start3A_151 = tpu.memref_slice %arg15[%add3A_51, %dma_start3A_150] : memref<10000x128xf32, #tpu.memory_space<vmem_shared>> -> memref<48x128xf32, #tpu.memory_space<vmem_shared>>
      tpu.enqueue_dma source(%arg13 : memref<48x128xf32, #tpu.memory_space<vmem>>) target(%dma_start3A_151 : memref<48x128xf32, #tpu.memory_space<vmem_shared>>) target_semaphore(%run_scoped3A : memref<!tpu.dma_semaphore, #tpu.memory_space<semaphore_mem>>)
      %dma_wait3A_152 = arith.constant 0 : i32
      %dma_wait3A_153 = tpu.memref_slice %arg15[%add3A_51, %dma_wait3A_152] : memref<10000x128xf32, #tpu.memory_space<vmem_shared>> -> memref<48x128xf32, #tpu.memory_space<vmem_shared>>
      %dma_wait3A_154 = arith.constant 0 : i32
      %dma_wait3A_155 = tpu.memref_slice %arg15[%add3A_51, %dma_wait3A_154] : memref<10000x128xf32, #tpu.memory_space<vmem_shared>> -> memref<48x128xf32, #tpu.memory_space<vmem_shared>>
      tpu.wait_dma2 semaphore(%run_scoped3A : memref<!tpu.dma_semaphore, #tpu.memory_space<semaphore_mem>>) src(%arg13 : memref<48x128xf32, #tpu.memory_space<vmem>>) dst(%dma_wait3A_155 : memref<48x128xf32, #tpu.memory_space<vmem_shared>>)
      tpu.yield
    }) : () -> ()
    %mul3A_52 = arith.constant 624 : i32
    %mul3A_53 = arith.muli %arg1, %mul3A_52 : i32
    %add3A_54 = arith.constant 48 : i32
    %add3A_55 = arith.addi %mul3A_53, %add3A_54 : i32
    "tpu.region"() ({
      %run_scoped3A = tpu.sem_alloc : memref<!tpu.dma_semaphore, #tpu.memory_space<semaphore_mem>>
      %dma_start3A_148 = arith.constant 0 : i32
      %dma_start3A_149 = tpu.memref_slice %arg15[%add3A_55, %dma_start3A_148] : memref<10000x128xf32, #tpu.memory_space<vmem_shared>> -> memref<48x128xf32, #tpu.memory_space<vmem_shared>>
      %dma_start3A_150 = arith.constant 0 : i32
      %dma_start3A_151 = tpu.memref_slice %arg15[%add3A_55, %dma_start3A_150] : memref<10000x128xf32, #tpu.memory_space<vmem_shared>> -> memref<48x128xf32, #tpu.memory_space<vmem_shared>>
      tpu.enqueue_dma source(%arg13 : memref<48x128xf32, #tpu.memory_space<vmem>>) target(%dma_start3A_151 : memref<48x128xf32, #tpu.memory_space<vmem_shared>>) target_semaphore(%run_scoped3A : memref<!tpu.dma_semaphore, #tpu.memory_space<semaphore_mem>>)
      %dma_wait3A_152 = arith.constant 0 : i32
      %dma_wait3A_153 = tpu.memref_slice %arg15[%add3A_55, %dma_wait3A_152] : memref<10000x128xf32, #tpu.memory_space<vmem_shared>> -> memref<48x128xf32, #tpu.memory_space<vmem_shared>>
      %dma_wait3A_154 = arith.constant 0 : i32
      %dma_wait3A_155 = tpu.memref_slice %arg15[%add3A_55, %dma_wait3A_154] : memref<10000x128xf32, #tpu.memory_space<vmem_shared>> -> memref<48x128xf32, #tpu.memory_space<vmem_shared>>
      tpu.wait_dma2 semaphore(%run_scoped3A : memref<!tpu.dma_semaphore, #tpu.memory_space<semaphore_mem>>) src(%arg13 : memref<48x128xf32, #tpu.memory_space<vmem>>) dst(%dma_wait3A_155 : memref<48x128xf32, #tpu.memory_space<vmem_shared>>)
      tpu.yield
    }) : () -> ()
    %mul3A_56 = arith.constant 624 : i32
    %mul3A_57 = arith.muli %arg1, %mul3A_56 : i32
    %add3A_58 = arith.constant 96 : i32
    %add3A_59 = arith.addi %mul3A_57, %add3A_58 : i32
    "tpu.region"() ({
      %run_scoped3A = tpu.sem_alloc : memref<!tpu.dma_semaphore, #tpu.memory_space<semaphore_mem>>
      %dma_start3A_148 = arith.constant 0 : i32
      %dma_start3A_149 = tpu.memref_slice %arg15[%add3A_59, %dma_start3A_148] : memref<10000x128xf32, #tpu.memory_space<vmem_shared>> -> memref<48x128xf32, #tpu.memory_space<vmem_shared>>
      %dma_start3A_150 = arith.constant 0 : i32
      %dma_start3A_151 = tpu.memref_slice %arg15[%add3A_59, %dma_start3A_150] : memref<10000x128xf32, #tpu.memory_space<vmem_shared>> -> memref<48x128xf32, #tpu.memory_space<vmem_shared>>
      tpu.enqueue_dma source(%arg13 : memref<48x128xf32, #tpu.memory_space<vmem>>) target(%dma_start3A_151 : memref<48x128xf32, #tpu.memory_space<vmem_shared>>) target_semaphore(%run_scoped3A : memref<!tpu.dma_semaphore, #tpu.memory_space<semaphore_mem>>)
      %dma_wait3A_152 = arith.constant 0 : i32
      %dma_wait3A_153 = tpu.memref_slice %arg15[%add3A_59, %dma_wait3A_152] : memref<10000x128xf32, #tpu.memory_space<vmem_shared>> -> memref<48x128xf32, #tpu.memory_space<vmem_shared>>
      %dma_wait3A_154 = arith.constant 0 : i32
      %dma_wait3A_155 = tpu.memref_slice %arg15[%add3A_59, %dma_wait3A_154] : memref<10000x128xf32, #tpu.memory_space<vmem_shared>> -> memref<48x128xf32, #tpu.memory_space<vmem_shared>>
      tpu.wait_dma2 semaphore(%run_scoped3A : memref<!tpu.dma_semaphore, #tpu.memory_space<semaphore_mem>>) src(%arg13 : memref<48x128xf32, #tpu.memory_space<vmem>>) dst(%dma_wait3A_155 : memref<48x128xf32, #tpu.memory_space<vmem_shared>>)
      tpu.yield
    }) : () -> ()
    %mul3A_60 = arith.constant 624 : i32
    %mul3A_61 = arith.muli %arg1, %mul3A_60 : i32
    %add3A_62 = arith.constant 144 : i32
    %add3A_63 = arith.addi %mul3A_61, %add3A_62 : i32
    "tpu.region"() ({
      %run_scoped3A = tpu.sem_alloc : memref<!tpu.dma_semaphore, #tpu.memory_space<semaphore_mem>>
      %dma_start3A_148 = arith.constant 0 : i32
      %dma_start3A_149 = tpu.memref_slice %arg15[%add3A_63, %dma_start3A_148] : memref<10000x128xf32, #tpu.memory_space<vmem_shared>> -> memref<48x128xf32, #tpu.memory_space<vmem_shared>>
      %dma_start3A_150 = arith.constant 0 : i32
      %dma_start3A_151 = tpu.memref_slice %arg15[%add3A_63, %dma_start3A_150] : memref<10000x128xf32, #tpu.memory_space<vmem_shared>> -> memref<48x128xf32, #tpu.memory_space<vmem_shared>>
      tpu.enqueue_dma source(%arg13 : memref<48x128xf32, #tpu.memory_space<vmem>>) target(%dma_start3A_151 : memref<48x128xf32, #tpu.memory_space<vmem_shared>>) target_semaphore(%run_scoped3A : memref<!tpu.dma_semaphore, #tpu.memory_space<semaphore_mem>>)
      %dma_wait3A_152 = arith.constant 0 : i32
      %dma_wait3A_153 = tpu.memref_slice %arg15[%add3A_63, %dma_wait3A_152] : memref<10000x128xf32, #tpu.memory_space<vmem_shared>> -> memref<48x128xf32, #tpu.memory_space<vmem_shared>>
      %dma_wait3A_154 = arith.constant 0 : i32
      %dma_wait3A_155 = tpu.memref_slice %arg15[%add3A_63, %dma_wait3A_154] : memref<10000x128xf32, #tpu.memory_space<vmem_shared>> -> memref<48x128xf32, #tpu.memory_space<vmem_shared>>
      tpu.wait_dma2 semaphore(%run_scoped3A : memref<!tpu.dma_semaphore, #tpu.memory_space<semaphore_mem>>) src(%arg13 : memref<48x128xf32, #tpu.memory_space<vmem>>) dst(%dma_wait3A_155 : memref<48x128xf32, #tpu.memory_space<vmem_shared>>)
      tpu.yield
    }) : () -> ()
    %mul3A_64 = arith.constant 624 : i32
    %mul3A_65 = arith.muli %arg1, %mul3A_64 : i32
    %add3A_66 = arith.constant 192 : i32
    %add3A_67 = arith.addi %mul3A_65, %add3A_66 : i32
    "tpu.region"() ({
      %run_scoped3A = tpu.sem_alloc : memref<!tpu.dma_semaphore, #tpu.memory_space<semaphore_mem>>
      %dma_start3A_148 = arith.constant 0 : i32
      %dma_start3A_149 = tpu.memref_slice %arg15[%add3A_67, %dma_start3A_148] : memref<10000x128xf32, #tpu.memory_space<vmem_shared>> -> memref<48x128xf32, #tpu.memory_space<vmem_shared>>
      %dma_start3A_150 = arith.constant 0 : i32
      %dma_start3A_151 = tpu.memref_slice %arg15[%add3A_67, %dma_start3A_150] : memref<10000x128xf32, #tpu.memory_space<vmem_shared>> -> memref<48x128xf32, #tpu.memory_space<vmem_shared>>
      tpu.enqueue_dma source(%arg13 : memref<48x128xf32, #tpu.memory_space<vmem>>) target(%dma_start3A_151 : memref<48x128xf32, #tpu.memory_space<vmem_shared>>) target_semaphore(%run_scoped3A : memref<!tpu.dma_semaphore, #tpu.memory_space<semaphore_mem>>)
      %dma_wait3A_152 = arith.constant 0 : i32
      %dma_wait3A_153 = tpu.memref_slice %arg15[%add3A_67, %dma_wait3A_152] : memref<10000x128xf32, #tpu.memory_space<vmem_shared>> -> memref<48x128xf32, #tpu.memory_space<vmem_shared>>
      %dma_wait3A_154 = arith.constant 0 : i32
      %dma_wait3A_155 = tpu.memref_slice %arg15[%add3A_67, %dma_wait3A_154] : memref<10000x128xf32, #tpu.memory_space<vmem_shared>> -> memref<48x128xf32, #tpu.memory_space<vmem_shared>>
      tpu.wait_dma2 semaphore(%run_scoped3A : memref<!tpu.dma_semaphore, #tpu.memory_space<semaphore_mem>>) src(%arg13 : memref<48x128xf32, #tpu.memory_space<vmem>>) dst(%dma_wait3A_155 : memref<48x128xf32, #tpu.memory_space<vmem_shared>>)
      tpu.yield
    }) : () -> ()
    %mul3A_68 = arith.constant 624 : i32
    %mul3A_69 = arith.muli %arg1, %mul3A_68 : i32
    %add3A_70 = arith.constant 240 : i32
    %add3A_71 = arith.addi %mul3A_69, %add3A_70 : i32
    "tpu.region"() ({
      %run_scoped3A = tpu.sem_alloc : memref<!tpu.dma_semaphore, #tpu.memory_space<semaphore_mem>>
      %dma_start3A_148 = arith.constant 0 : i32
      %dma_start3A_149 = tpu.memref_slice %arg15[%add3A_71, %dma_start3A_148] : memref<10000x128xf32, #tpu.memory_space<vmem_shared>> -> memref<48x128xf32, #tpu.memory_space<vmem_shared>>
      %dma_start3A_150 = arith.constant 0 : i32
      %dma_start3A_151 = tpu.memref_slice %arg15[%add3A_71, %dma_start3A_150] : memref<10000x128xf32, #tpu.memory_space<vmem_shared>> -> memref<48x128xf32, #tpu.memory_space<vmem_shared>>
      tpu.enqueue_dma source(%arg13 : memref<48x128xf32, #tpu.memory_space<vmem>>) target(%dma_start3A_151 : memref<48x128xf32, #tpu.memory_space<vmem_shared>>) target_semaphore(%run_scoped3A : memref<!tpu.dma_semaphore, #tpu.memory_space<semaphore_mem>>)
      %dma_wait3A_152 = arith.constant 0 : i32
      %dma_wait3A_153 = tpu.memref_slice %arg15[%add3A_71, %dma_wait3A_152] : memref<10000x128xf32, #tpu.memory_space<vmem_shared>> -> memref<48x128xf32, #tpu.memory_space<vmem_shared>>
      %dma_wait3A_154 = arith.constant 0 : i32
      %dma_wait3A_155 = tpu.memref_slice %arg15[%add3A_71, %dma_wait3A_154] : memref<10000x128xf32, #tpu.memory_space<vmem_shared>> -> memref<48x128xf32, #tpu.memory_space<vmem_shared>>
      tpu.wait_dma2 semaphore(%run_scoped3A : memref<!tpu.dma_semaphore, #tpu.memory_space<semaphore_mem>>) src(%arg13 : memref<48x128xf32, #tpu.memory_space<vmem>>) dst(%dma_wait3A_155 : memref<48x128xf32, #tpu.memory_space<vmem_shared>>)
      tpu.yield
    }) : () -> ()
    %mul3A_72 = arith.constant 624 : i32
    %mul3A_73 = arith.muli %arg1, %mul3A_72 : i32
    %add3A_74 = arith.constant 288 : i32
    %add3A_75 = arith.addi %mul3A_73, %add3A_74 : i32
    "tpu.region"() ({
      %run_scoped3A = tpu.sem_alloc : memref<!tpu.dma_semaphore, #tpu.memory_space<semaphore_mem>>
      %dma_start3A_148 = arith.constant 0 : i32
      %dma_start3A_149 = tpu.memref_slice %arg15[%add3A_75, %dma_start3A_148] : memref<10000x128xf32, #tpu.memory_space<vmem_shared>> -> memref<48x128xf32, #tpu.memory_space<vmem_shared>>
      %dma_start3A_150 = arith.constant 0 : i32
      %dma_start3A_151 = tpu.memref_slice %arg15[%add3A_75, %dma_start3A_150] : memref<10000x128xf32, #tpu.memory_space<vmem_shared>> -> memref<48x128xf32, #tpu.memory_space<vmem_shared>>
      tpu.enqueue_dma source(%arg13 : memref<48x128xf32, #tpu.memory_space<vmem>>) target(%dma_start3A_151 : memref<48x128xf32, #tpu.memory_space<vmem_shared>>) target_semaphore(%run_scoped3A : memref<!tpu.dma_semaphore, #tpu.memory_space<semaphore_mem>>)
      %dma_wait3A_152 = arith.constant 0 : i32
      %dma_wait3A_153 = tpu.memref_slice %arg15[%add3A_75, %dma_wait3A_152] : memref<10000x128xf32, #tpu.memory_space<vmem_shared>> -> memref<48x128xf32, #tpu.memory_space<vmem_shared>>
      %dma_wait3A_154 = arith.constant 0 : i32
      %dma_wait3A_155 = tpu.memref_slice %arg15[%add3A_75, %dma_wait3A_154] : memref<10000x128xf32, #tpu.memory_space<vmem_shared>> -> memref<48x128xf32, #tpu.memory_space<vmem_shared>>
      tpu.wait_dma2 semaphore(%run_scoped3A : memref<!tpu.dma_semaphore, #tpu.memory_space<semaphore_mem>>) src(%arg13 : memref<48x128xf32, #tpu.memory_space<vmem>>) dst(%dma_wait3A_155 : memref<48x128xf32, #tpu.memory_space<vmem_shared>>)
      tpu.yield
    }) : () -> ()
    %mul3A_76 = arith.constant 624 : i32
    %mul3A_77 = arith.muli %arg1, %mul3A_76 : i32
    %add3A_78 = arith.constant 336 : i32
    %add3A_79 = arith.addi %mul3A_77, %add3A_78 : i32
    "tpu.region"() ({
      %run_scoped3A = tpu.sem_alloc : memref<!tpu.dma_semaphore, #tpu.memory_space<semaphore_mem>>
      %dma_start3A_148 = arith.constant 0 : i32
      %dma_start3A_149 = tpu.memref_slice %arg15[%add3A_79, %dma_start3A_148] : memref<10000x128xf32, #tpu.memory_space<vmem_shared>> -> memref<48x128xf32, #tpu.memory_space<vmem_shared>>
      %dma_start3A_150 = arith.constant 0 : i32
      %dma_start3A_151 = tpu.memref_slice %arg15[%add3A_79, %dma_start3A_150] : memref<10000x128xf32, #tpu.memory_space<vmem_shared>> -> memref<48x128xf32, #tpu.memory_space<vmem_shared>>
      tpu.enqueue_dma source(%arg13 : memref<48x128xf32, #tpu.memory_space<vmem>>) target(%dma_start3A_151 : memref<48x128xf32, #tpu.memory_space<vmem_shared>>) target_semaphore(%run_scoped3A : memref<!tpu.dma_semaphore, #tpu.memory_space<semaphore_mem>>)
      %dma_wait3A_152 = arith.constant 0 : i32
      %dma_wait3A_153 = tpu.memref_slice %arg15[%add3A_79, %dma_wait3A_152] : memref<10000x128xf32, #tpu.memory_space<vmem_shared>> -> memref<48x128xf32, #tpu.memory_space<vmem_shared>>
      %dma_wait3A_154 = arith.constant 0 : i32
      %dma_wait3A_155 = tpu.memref_slice %arg15[%add3A_79, %dma_wait3A_154] : memref<10000x128xf32, #tpu.memory_space<vmem_shared>> -> memref<48x128xf32, #tpu.memory_space<vmem_shared>>
      tpu.wait_dma2 semaphore(%run_scoped3A : memref<!tpu.dma_semaphore, #tpu.memory_space<semaphore_mem>>) src(%arg13 : memref<48x128xf32, #tpu.memory_space<vmem>>) dst(%dma_wait3A_155 : memref<48x128xf32, #tpu.memory_space<vmem_shared>>)
      tpu.yield
    }) : () -> ()
    %mul3A_80 = arith.constant 624 : i32
    %mul3A_81 = arith.muli %arg1, %mul3A_80 : i32
    %add3A_82 = arith.constant 384 : i32
    %add3A_83 = arith.addi %mul3A_81, %add3A_82 : i32
    "tpu.region"() ({
      %run_scoped3A = tpu.sem_alloc : memref<!tpu.dma_semaphore, #tpu.memory_space<semaphore_mem>>
      %dma_start3A_148 = arith.constant 0 : i32
      %dma_start3A_149 = tpu.memref_slice %arg15[%add3A_83, %dma_start3A_148] : memref<10000x128xf32, #tpu.memory_space<vmem_shared>> -> memref<48x128xf32, #tpu.memory_space<vmem_shared>>
      %dma_start3A_150 = arith.constant 0 : i32
      %dma_start3A_151 = tpu.memref_slice %arg15[%add3A_83, %dma_start3A_150] : memref<10000x128xf32, #tpu.memory_space<vmem_shared>> -> memref<48x128xf32, #tpu.memory_space<vmem_shared>>
      tpu.enqueue_dma source(%arg13 : memref<48x128xf32, #tpu.memory_space<vmem>>) target(%dma_start3A_151 : memref<48x128xf32, #tpu.memory_space<vmem_shared>>) target_semaphore(%run_scoped3A : memref<!tpu.dma_semaphore, #tpu.memory_space<semaphore_mem>>)
      %dma_wait3A_152 = arith.constant 0 : i32
      %dma_wait3A_153 = tpu.memref_slice %arg15[%add3A_83, %dma_wait3A_152] : memref<10000x128xf32, #tpu.memory_space<vmem_shared>> -> memref<48x128xf32, #tpu.memory_space<vmem_shared>>
      %dma_wait3A_154 = arith.constant 0 : i32
      %dma_wait3A_155 = tpu.memref_slice %arg15[%add3A_83, %dma_wait3A_154] : memref<10000x128xf32, #tpu.memory_space<vmem_shared>> -> memref<48x128xf32, #tpu.memory_space<vmem_shared>>
      tpu.wait_dma2 semaphore(%run_scoped3A : memref<!tpu.dma_semaphore, #tpu.memory_space<semaphore_mem>>) src(%arg13 : memref<48x128xf32, #tpu.memory_space<vmem>>) dst(%dma_wait3A_155 : memref<48x128xf32, #tpu.memory_space<vmem_shared>>)
      tpu.yield
    }) : () -> ()
    %mul3A_84 = arith.constant 624 : i32
    %mul3A_85 = arith.muli %arg1, %mul3A_84 : i32
    %add3A_86 = arith.constant 432 : i32
    %add3A_87 = arith.addi %mul3A_85, %add3A_86 : i32
    "tpu.region"() ({
      %run_scoped3A = tpu.sem_alloc : memref<!tpu.dma_semaphore, #tpu.memory_space<semaphore_mem>>
      %dma_start3A_148 = arith.constant 0 : i32
      %dma_start3A_149 = tpu.memref_slice %arg15[%add3A_87, %dma_start3A_148] : memref<10000x128xf32, #tpu.memory_space<vmem_shared>> -> memref<48x128xf32, #tpu.memory_space<vmem_shared>>
      %dma_start3A_150 = arith.constant 0 : i32
      %dma_start3A_151 = tpu.memref_slice %arg15[%add3A_87, %dma_start3A_150] : memref<10000x128xf32, #tpu.memory_space<vmem_shared>> -> memref<48x128xf32, #tpu.memory_space<vmem_shared>>
      tpu.enqueue_dma source(%arg13 : memref<48x128xf32, #tpu.memory_space<vmem>>) target(%dma_start3A_151 : memref<48x128xf32, #tpu.memory_space<vmem_shared>>) target_semaphore(%run_scoped3A : memref<!tpu.dma_semaphore, #tpu.memory_space<semaphore_mem>>)
      %dma_wait3A_152 = arith.constant 0 : i32
      %dma_wait3A_153 = tpu.memref_slice %arg15[%add3A_87, %dma_wait3A_152] : memref<10000x128xf32, #tpu.memory_space<vmem_shared>> -> memref<48x128xf32, #tpu.memory_space<vmem_shared>>
      %dma_wait3A_154 = arith.constant 0 : i32
      %dma_wait3A_155 = tpu.memref_slice %arg15[%add3A_87, %dma_wait3A_154] : memref<10000x128xf32, #tpu.memory_space<vmem_shared>> -> memref<48x128xf32, #tpu.memory_space<vmem_shared>>
      tpu.wait_dma2 semaphore(%run_scoped3A : memref<!tpu.dma_semaphore, #tpu.memory_space<semaphore_mem>>) src(%arg13 : memref<48x128xf32, #tpu.memory_space<vmem>>) dst(%dma_wait3A_155 : memref<48x128xf32, #tpu.memory_space<vmem_shared>>)
      tpu.yield
    }) : () -> ()
    %mul3A_88 = arith.constant 624 : i32
    %mul3A_89 = arith.muli %arg1, %mul3A_88 : i32
    %add3A_90 = arith.constant 480 : i32
    %add3A_91 = arith.addi %mul3A_89, %add3A_90 : i32
    "tpu.region"() ({
      %run_scoped3A = tpu.sem_alloc : memref<!tpu.dma_semaphore, #tpu.memory_space<semaphore_mem>>
      %dma_start3A_148 = arith.constant 0 : i32
      %dma_start3A_149 = tpu.memref_slice %arg15[%add3A_91, %dma_start3A_148] : memref<10000x128xf32, #tpu.memory_space<vmem_shared>> -> memref<48x128xf32, #tpu.memory_space<vmem_shared>>
      %dma_start3A_150 = arith.constant 0 : i32
      %dma_start3A_151 = tpu.memref_slice %arg15[%add3A_91, %dma_start3A_150] : memref<10000x128xf32, #tpu.memory_space<vmem_shared>> -> memref<48x128xf32, #tpu.memory_space<vmem_shared>>
      tpu.enqueue_dma source(%arg13 : memref<48x128xf32, #tpu.memory_space<vmem>>) target(%dma_start3A_151 : memref<48x128xf32, #tpu.memory_space<vmem_shared>>) target_semaphore(%run_scoped3A : memref<!tpu.dma_semaphore, #tpu.memory_space<semaphore_mem>>)
      %dma_wait3A_152 = arith.constant 0 : i32
      %dma_wait3A_153 = tpu.memref_slice %arg15[%add3A_91, %dma_wait3A_152] : memref<10000x128xf32, #tpu.memory_space<vmem_shared>> -> memref<48x128xf32, #tpu.memory_space<vmem_shared>>
      %dma_wait3A_154 = arith.constant 0 : i32
      %dma_wait3A_155 = tpu.memref_slice %arg15[%add3A_91, %dma_wait3A_154] : memref<10000x128xf32, #tpu.memory_space<vmem_shared>> -> memref<48x128xf32, #tpu.memory_space<vmem_shared>>
      tpu.wait_dma2 semaphore(%run_scoped3A : memref<!tpu.dma_semaphore, #tpu.memory_space<semaphore_mem>>) src(%arg13 : memref<48x128xf32, #tpu.memory_space<vmem>>) dst(%dma_wait3A_155 : memref<48x128xf32, #tpu.memory_space<vmem_shared>>)
      tpu.yield
    }) : () -> ()
    %mul3A_92 = arith.constant 624 : i32
    %mul3A_93 = arith.muli %arg1, %mul3A_92 : i32
    %add3A_94 = arith.constant 528 : i32
    %add3A_95 = arith.addi %mul3A_93, %add3A_94 : i32
    "tpu.region"() ({
      %run_scoped3A = tpu.sem_alloc : memref<!tpu.dma_semaphore, #tpu.memory_space<semaphore_mem>>
      %dma_start3A_148 = arith.constant 0 : i32
      %dma_start3A_149 = tpu.memref_slice %arg15[%add3A_95, %dma_start3A_148] : memref<10000x128xf32, #tpu.memory_space<vmem_shared>> -> memref<48x128xf32, #tpu.memory_space<vmem_shared>>
      %dma_start3A_150 = arith.constant 0 : i32
      %dma_start3A_151 = tpu.memref_slice %arg15[%add3A_95, %dma_start3A_150] : memref<10000x128xf32, #tpu.memory_space<vmem_shared>> -> memref<48x128xf32, #tpu.memory_space<vmem_shared>>
      tpu.enqueue_dma source(%arg13 : memref<48x128xf32, #tpu.memory_space<vmem>>) target(%dma_start3A_151 : memref<48x128xf32, #tpu.memory_space<vmem_shared>>) target_semaphore(%run_scoped3A : memref<!tpu.dma_semaphore, #tpu.memory_space<semaphore_mem>>)
      %dma_wait3A_152 = arith.constant 0 : i32
      %dma_wait3A_153 = tpu.memref_slice %arg15[%add3A_95, %dma_wait3A_152] : memref<10000x128xf32, #tpu.memory_space<vmem_shared>> -> memref<48x128xf32, #tpu.memory_space<vmem_shared>>
      %dma_wait3A_154 = arith.constant 0 : i32
      %dma_wait3A_155 = tpu.memref_slice %arg15[%add3A_95, %dma_wait3A_154] : memref<10000x128xf32, #tpu.memory_space<vmem_shared>> -> memref<48x128xf32, #tpu.memory_space<vmem_shared>>
      tpu.wait_dma2 semaphore(%run_scoped3A : memref<!tpu.dma_semaphore, #tpu.memory_space<semaphore_mem>>) src(%arg13 : memref<48x128xf32, #tpu.memory_space<vmem>>) dst(%dma_wait3A_155 : memref<48x128xf32, #tpu.memory_space<vmem_shared>>)
      tpu.yield
    }) : () -> ()
    %mul3A_96 = arith.constant 624 : i32
    %mul3A_97 = arith.muli %arg1, %mul3A_96 : i32
    %add3A_98 = arith.constant 576 : i32
    %add3A_99 = arith.addi %mul3A_97, %add3A_98 : i32
    "tpu.region"() ({
      %run_scoped3A = tpu.sem_alloc : memref<!tpu.dma_semaphore, #tpu.memory_space<semaphore_mem>>
      %dma_start3A_148 = arith.constant 0 : i32
      %dma_start3A_149 = tpu.memref_slice %arg15[%add3A_99, %dma_start3A_148] : memref<10000x128xf32, #tpu.memory_space<vmem_shared>> -> memref<48x128xf32, #tpu.memory_space<vmem_shared>>
      %dma_start3A_150 = arith.constant 0 : i32
      %dma_start3A_151 = tpu.memref_slice %arg15[%add3A_99, %dma_start3A_150] : memref<10000x128xf32, #tpu.memory_space<vmem_shared>> -> memref<48x128xf32, #tpu.memory_space<vmem_shared>>
      tpu.enqueue_dma source(%arg13 : memref<48x128xf32, #tpu.memory_space<vmem>>) target(%dma_start3A_151 : memref<48x128xf32, #tpu.memory_space<vmem_shared>>) target_semaphore(%run_scoped3A : memref<!tpu.dma_semaphore, #tpu.memory_space<semaphore_mem>>)
      %dma_wait3A_152 = arith.constant 0 : i32
      %dma_wait3A_153 = tpu.memref_slice %arg15[%add3A_99, %dma_wait3A_152] : memref<10000x128xf32, #tpu.memory_space<vmem_shared>> -> memref<48x128xf32, #tpu.memory_space<vmem_shared>>
      %dma_wait3A_154 = arith.constant 0 : i32
      %dma_wait3A_155 = tpu.memref_slice %arg15[%add3A_99, %dma_wait3A_154] : memref<10000x128xf32, #tpu.memory_space<vmem_shared>> -> memref<48x128xf32, #tpu.memory_space<vmem_shared>>
      tpu.wait_dma2 semaphore(%run_scoped3A : memref<!tpu.dma_semaphore, #tpu.memory_space<semaphore_mem>>) src(%arg13 : memref<48x128xf32, #tpu.memory_space<vmem>>) dst(%dma_wait3A_155 : memref<48x128xf32, #tpu.memory_space<vmem_shared>>)
      tpu.yield
    }) : () -> ()
    %eq3A = arith.constant 15 : i32
    %eq3A_100 = arith.cmpi eq, %arg1, %eq3A : i32
    %convert_element_type3A_101 = arith.extui %eq3A_100 : i1 to i32
    %cond3A = arith.constant 0 : i32
    %cond3A_102 = arith.cmpi ne, %convert_element_type3A_101, %cond3A : i32
    scf.if %cond3A_102 {
      "tpu.region"() ({
        %run_scoped3A = tpu.sem_alloc : memref<!tpu.dma_semaphore, #tpu.memory_space<semaphore_mem>>
        %dma_start3A_148 = arith.constant 0 : i32
        %dma_start3A_149 = arith.constant 0 : i32
        %dma_start3A_150 = tpu.memref_slice %arg13[%dma_start3A_148, %dma_start3A_149] : memref<48x128xf32, #tpu.memory_space<vmem>> -> memref<16x128xf32, #tpu.memory_space<vmem>>
        %dma_start3A_151 = arith.constant 9984 : i32
        %dma_start3A_152 = arith.constant 0 : i32
        %dma_start3A_153 = tpu.memref_slice %arg15[%dma_start3A_151, %dma_start3A_152] : memref<10000x128xf32, #tpu.memory_space<vmem_shared>> -> memref<16x128xf32, #tpu.memory_space<vmem_shared>>
        %dma_start3A_154 = arith.constant 9984 : i32
        %dma_start3A_155 = arith.constant 0 : i32
        %dma_start3A_156 = tpu.memref_slice %arg15[%dma_start3A_154, %dma_start3A_155] : memref<10000x128xf32, #tpu.memory_space<vmem_shared>> -> memref<16x128xf32, #tpu.memory_space<vmem_shared>>
        %dma_start3A_157 = arith.constant 0 : i32
        %dma_start3A_158 = arith.constant 0 : i32
        %dma_start3A_159 = tpu.memref_slice %arg13[%dma_start3A_157, %dma_start3A_158] : memref<48x128xf32, #tpu.memory_space<vmem>> -> memref<16x128xf32, #tpu.memory_space<vmem>>
        tpu.enqueue_dma source(%dma_start3A_159 : memref<16x128xf32, #tpu.memory_space<vmem>>) target(%dma_start3A_156 : memref<16x128xf32, #tpu.memory_space<vmem_shared>>) target_semaphore(%run_scoped3A : memref<!tpu.dma_semaphore, #tpu.memory_space<semaphore_mem>>)
        %dma_wait3A_160 = arith.constant 0 : i32
        %dma_wait3A_161 = arith.constant 0 : i32
        %dma_wait3A_162 = tpu.memref_slice %arg13[%dma_wait3A_160, %dma_wait3A_161] : memref<48x128xf32, #tpu.memory_space<vmem>> -> memref<16x128xf32, #tpu.memory_space<vmem>>
        %dma_wait3A_163 = arith.constant 9984 : i32
        %dma_wait3A_164 = arith.constant 0 : i32
        %dma_wait3A_165 = tpu.memref_slice %arg15[%dma_wait3A_163, %dma_wait3A_164] : memref<10000x128xf32, #tpu.memory_space<vmem_shared>> -> memref<16x128xf32, #tpu.memory_space<vmem_shared>>
        %dma_wait3A_166 = arith.constant 9984 : i32
        %dma_wait3A_167 = arith.constant 0 : i32
        %dma_wait3A_168 = tpu.memref_slice %arg15[%dma_wait3A_166, %dma_wait3A_167] : memref<10000x128xf32, #tpu.memory_space<vmem_shared>> -> memref<16x128xf32, #tpu.memory_space<vmem_shared>>
        %dma_wait3A_169 = arith.constant 0 : i32
        %dma_wait3A_170 = arith.constant 0 : i32
        %dma_wait3A_171 = tpu.memref_slice %arg13[%dma_wait3A_169, %dma_wait3A_170] : memref<48x128xf32, #tpu.memory_space<vmem>> -> memref<16x128xf32, #tpu.memory_space<vmem>>
        tpu.wait_dma2 semaphore(%run_scoped3A : memref<!tpu.dma_semaphore, #tpu.memory_space<semaphore_mem>>) src(%dma_wait3A_171 : memref<16x128xf32, #tpu.memory_space<vmem>>) dst(%dma_wait3A_168 : memref<16x128xf32, #tpu.memory_space<vmem_shared>>)
        tpu.yield
      }) : () -> ()
    } else {
    }
    %mul3A_103 = arith.constant 640 : i32
    %mul3A_104 = arith.muli %arg1, %mul3A_103 : i32
    "tpu.region"() ({
      %run_scoped3A = tpu.sem_alloc : memref<!tpu.dma_semaphore, #tpu.memory_space<semaphore_mem>>
      %dma_start3A_148 = tpu.memref_slice %arg16[%mul3A_104] : memref<10240xf32, #tpu.memory_space<vmem_shared>> -> memref<640xf32, #tpu.memory_space<vmem_shared>>
      %dma_start3A_149 = tpu.memref_slice %arg16[%mul3A_104] : memref<10240xf32, #tpu.memory_space<vmem_shared>> -> memref<640xf32, #tpu.memory_space<vmem_shared>>
      tpu.enqueue_dma source(%arg14 : memref<640xf32, #tpu.memory_space<vmem>>) target(%dma_start3A_149 : memref<640xf32, #tpu.memory_space<vmem_shared>>) target_semaphore(%run_scoped3A : memref<!tpu.dma_semaphore, #tpu.memory_space<semaphore_mem>>)
      %dma_wait3A_150 = tpu.memref_slice %arg16[%mul3A_104] : memref<10240xf32, #tpu.memory_space<vmem_shared>> -> memref<640xf32, #tpu.memory_space<vmem_shared>>
      %dma_wait3A_151 = tpu.memref_slice %arg16[%mul3A_104] : memref<10240xf32, #tpu.memory_space<vmem_shared>> -> memref<640xf32, #tpu.memory_space<vmem_shared>>
      tpu.wait_dma2 semaphore(%run_scoped3A : memref<!tpu.dma_semaphore, #tpu.memory_space<semaphore_mem>>) src(%arg14 : memref<640xf32, #tpu.memory_space<vmem>>) dst(%dma_wait3A_151 : memref<640xf32, #tpu.memory_space<vmem_shared>>)
      tpu.yield
    }) : () -> ()
    %barrier3A = arith.constant 0 : index
    tpu.barrier barrier_id(%barrier3A)
    %scan3A_105 = arith.constant 0 : i32
    %scan3A_106 = arith.constant 0 : i32
    %scan3A_107 = arith.constant 20 : i32
    %scan3A_108 = arith.addi %scan3A_106, %scan3A_107 : i32
    %scan3A_109 = arith.constant 1 : i32
    scf.for %scan3A_148 = %scan3A_106 to %scan3A_108 step %scan3A_109  : i32 {
      %mul3A_149 = arith.constant 4 : i32
      %mul3A_150 = arith.muli %scan3A_148, %mul3A_149 : i32
      %add3A_151 = arith.constant 0 : i32
      %add3A_152 = arith.addi %mul3A_150, %add3A_151 : i32
      %add3A_153 = arith.constant 1 : i32
      %add3A_154 = arith.addi %add3A_152, %add3A_153 : i32
      %lt3A_155 = arith.cmpi slt, %add3A_154, %add3A_3 : i32
      %convert_element_type3A_156 = arith.extui %lt3A_155 : i1 to i32
      %cond3A_157 = arith.constant 0 : i32
      %cond3A_158 = arith.cmpi ne, %convert_element_type3A_156, %cond3A_157 : i32
      scf.if %cond3A_158 {
        %dma_wait3A_229 = arith.constant 0 : i32
        %dma_wait3A_230 = arith.constant 0 : i32
        %dma_wait3A_231 = tpu.memref_slice %arg3[%dma_wait3A_229, %dma_wait3A_230] : memref<2x320000xi32, #tpu.memory_space<hbm>> -> memref<2x128xi32, #tpu.memory_space<hbm>>
        %dma_wait3A_232 = arith.constant 0 : i32
        %dma_wait3A_233 = arith.constant 0 : i32
        %dma_wait3A_234 = tpu.memref_slice %arg3[%dma_wait3A_232, %dma_wait3A_233] : memref<2x320000xi32, #tpu.memory_space<hbm>> -> memref<2x128xi32, #tpu.memory_space<hbm>>
        tpu.wait_dma2 semaphore(%arg18 : memref<!tpu.dma_semaphore, #tpu.memory_space<semaphore_mem>>) src(%dma_wait3A_234 : memref<2x128xi32, #tpu.memory_space<hbm>>) dst(%arg7 : memref<2x128xi32, #tpu.memory_space<vmem>>)
        %ge3A = arith.constant 1 : i32
        %ge3A_235 = arith.cmpi sge, %add3A_152, %ge3A : i32
        %convert_element_type3A_236 = arith.extui %ge3A_235 : i1 to i32
        %cond3A_237 = arith.constant 0 : i32
        %cond3A_238 = arith.cmpi ne, %convert_element_type3A_236, %cond3A_237 : i32
        scf.if %cond3A_238 {
          %dma_wait3A_246 = arith.constant 0 : i32
          %dma_wait3A_247 = arith.constant 0 : i32
          %dma_wait3A_248 = tpu.memref_slice %arg15[%dma_wait3A_246, %dma_wait3A_247] : memref<10000x128xf32, #tpu.memory_space<vmem_shared>> -> memref<128x128xf32, #tpu.memory_space<vmem_shared>>
          %dma_wait3A_249 = arith.constant 0 : i32
          %dma_wait3A_250 = arith.constant 0 : i32
          %dma_wait3A_251 = tpu.memref_slice %arg15[%dma_wait3A_249, %dma_wait3A_250] : memref<10000x128xf32, #tpu.memory_space<vmem_shared>> -> memref<128x128xf32, #tpu.memory_space<vmem_shared>>
          tpu.wait_dma2 semaphore(%arg24 : memref<!tpu.dma_semaphore, #tpu.memory_space<semaphore_mem>>) src(%arg11 : memref<128x128xf32, #tpu.memory_space<vmem>>) dst(%dma_wait3A_251 : memref<128x128xf32, #tpu.memory_space<vmem_shared>>)
          %dma_wait3A_252 = arith.constant 0 : i32
          %dma_wait3A_253 = tpu.memref_slice %arg16[%dma_wait3A_252] : memref<10240xf32, #tpu.memory_space<vmem_shared>> -> memref<128xf32, #tpu.memory_space<vmem_shared>>
          %dma_wait3A_254 = arith.constant 0 : i32
          %dma_wait3A_255 = tpu.memref_slice %arg16[%dma_wait3A_254] : memref<10240xf32, #tpu.memory_space<vmem_shared>> -> memref<128xf32, #tpu.memory_space<vmem_shared>>
          tpu.wait_dma2 semaphore(%arg26 : memref<!tpu.dma_semaphore, #tpu.memory_space<semaphore_mem>>) src(%arg12 : memref<128xf32, #tpu.memory_space<vmem>>) dst(%dma_wait3A_255 : memref<128xf32, #tpu.memory_space<vmem_shared>>)
        } else {
        }
        %dma_start3A_239 = arith.constant 0 : i32
        %dma_start3A_240 = arith.constant 0 : i32
        %dma_start3A_241 = tpu.memref_slice %arg7[%dma_start3A_239, %dma_start3A_240] : memref<2x128xi32, #tpu.memory_space<vmem>> -> memref<1x128xi32, #tpu.memory_space<vmem>>
        %dma_start3A_242 = tpu.memref_squeeze %dma_start3A_241 : memref<1x128xi32, #tpu.memory_space<vmem>> -> memref<128xi32, #tpu.memory_space<vmem>>
        %dma_start3A_243 = arith.constant 0 : i32
        %dma_start3A_244 = arith.constant 0 : i32
        %dma_start3A_245 = tpu.memref_slice %arg2[%dma_start3A_243, %dma_start3A_244] : memref<10000x128xf32, #tpu.memory_space<hbm>> -> memref<10000x128xf32, #tpu.memory_space<hbm>>
        tpu.enqueue_indirect_dma source(%dma_start3A_245 : memref<10000x128xf32, #tpu.memory_space<hbm>>) target(%arg11 : memref<128x128xf32, #tpu.memory_space<vmem>>) offsets(%dma_start3A_242 : memref<128xi32, #tpu.memory_space<vmem>>) semaphore(%arg22 : memref<!tpu.dma_semaphore, #tpu.memory_space<semaphore_mem>>)
      } else {
      }
      %add3A_159 = arith.constant 2 : i32
      %add3A_160 = arith.addi %add3A_152, %add3A_159 : i32
      %lt3A_161 = arith.cmpi slt, %add3A_160, %add3A_3 : i32
      %convert_element_type3A_162 = arith.extui %lt3A_161 : i1 to i32
      %cond3A_163 = arith.constant 0 : i32
      %cond3A_164 = arith.cmpi ne, %convert_element_type3A_162, %cond3A_163 : i32
      scf.if %cond3A_164 {
        %add3A_229 = arith.constant 2 : i32
        %add3A_230 = arith.addi %add3A_152, %add3A_229 : i32
        %mul3A_231 = arith.constant 16 : i32
        %mul3A_232 = arith.muli %add3A_230, %mul3A_231 : i32
        %add3A_233 = arith.addi %add3A, %mul3A_232 : i32
        %mul3A_234 = arith.constant 128 : i32
        %mul3A_235 = arith.muli %add3A_233, %mul3A_234 : i32
        %dma_start3A_236 = arith.constant 0 : i32
        %dma_start3A_237 = tpu.memref_slice %arg3[%dma_start3A_236, %mul3A_235] : memref<2x320000xi32, #tpu.memory_space<hbm>> -> memref<2x128xi32, #tpu.memory_space<hbm>>
        %dma_start3A_238 = arith.constant 0 : i32
        %dma_start3A_239 = tpu.memref_slice %arg3[%dma_start3A_238, %mul3A_235] : memref<2x320000xi32, #tpu.memory_space<hbm>> -> memref<2x128xi32, #tpu.memory_space<hbm>>
        tpu.enqueue_dma source(%dma_start3A_239 : memref<2x128xi32, #tpu.memory_space<hbm>>) target(%arg8 : memref<2x128xi32, #tpu.memory_space<vmem>>) target_semaphore(%arg19 : memref<!tpu.dma_semaphore, #tpu.memory_space<semaphore_mem>>)
      } else {
      }
      %lt3A_165 = arith.cmpi slt, %add3A_152, %add3A_3 : i32
      %convert_element_type3A_166 = arith.extui %lt3A_165 : i1 to i32
      %cond3A_167 = arith.constant 0 : i32
      %cond3A_168 = arith.cmpi ne, %convert_element_type3A_166, %cond3A_167 : i32
      scf.if %cond3A_168 {
        %dma_wait3A_229 = arith.constant 0 : i32
        %dma_wait3A_230 = arith.constant 0 : i32
        %dma_wait3A_231 = tpu.memref_slice %arg2[%dma_wait3A_229, %dma_wait3A_230] : memref<10000x128xf32, #tpu.memory_space<hbm>> -> memref<128x128xf32, #tpu.memory_space<hbm>>
        %dma_wait3A_232 = arith.constant 0 : i32
        %dma_wait3A_233 = arith.constant 0 : i32
        %dma_wait3A_234 = tpu.memref_slice %arg2[%dma_wait3A_232, %dma_wait3A_233] : memref<10000x128xf32, #tpu.memory_space<hbm>> -> memref<128x128xf32, #tpu.memory_space<hbm>>
        tpu.wait_dma2 semaphore(%arg21 : memref<!tpu.dma_semaphore, #tpu.memory_space<semaphore_mem>>) src(%dma_wait3A_234 : memref<128x128xf32, #tpu.memory_space<hbm>>) dst(%arg10 : memref<128x128xf32, #tpu.memory_space<vmem>>)
        %dma_start3A_235 = arith.constant 1 : i32
        %dma_start3A_236 = arith.constant 0 : i32
        %dma_start3A_237 = tpu.memref_slice %arg6[%dma_start3A_235, %dma_start3A_236] : memref<2x128xi32, #tpu.memory_space<vmem>> -> memref<1x128xi32, #tpu.memory_space<vmem>>
        %dma_start3A_238 = tpu.memref_squeeze %dma_start3A_237 : memref<1x128xi32, #tpu.memory_space<vmem>> -> memref<128xi32, #tpu.memory_space<vmem>>
        %dma_start3A_239 = arith.constant 0 : i32
        %dma_start3A_240 = arith.constant 0 : i32
        %dma_start3A_241 = tpu.memref_slice %arg15[%dma_start3A_239, %dma_start3A_240] : memref<10000x128xf32, #tpu.memory_space<vmem_shared>> -> memref<10000x128xf32, #tpu.memory_space<vmem_shared>>
        tpu.enqueue_indirect_dma source(%arg10 : memref<128x128xf32, #tpu.memory_space<vmem>>) target(%dma_start3A_241 : memref<10000x128xf32, #tpu.memory_space<vmem_shared>>) offsets(%dma_start3A_238 : memref<128xi32, #tpu.memory_space<vmem>>) semaphore(%arg23 : memref<!tpu.dma_semaphore, #tpu.memory_space<semaphore_mem>>) {add = true}
        %dma_start3A_242 = arith.constant 1 : i32
        %dma_start3A_243 = arith.constant 0 : i32
        %dma_start3A_244 = tpu.memref_slice %arg6[%dma_start3A_242, %dma_start3A_243] : memref<2x128xi32, #tpu.memory_space<vmem>> -> memref<1x128xi32, #tpu.memory_space<vmem>>
        %dma_start3A_245 = tpu.memref_squeeze %dma_start3A_244 : memref<1x128xi32, #tpu.memory_space<vmem>> -> memref<128xi32, #tpu.memory_space<vmem>>
        %dma_start3A_246 = arith.constant 0 : i32
        %dma_start3A_247 = tpu.memref_slice %arg16[%dma_start3A_246] : memref<10240xf32, #tpu.memory_space<vmem_shared>> -> memref<10240xf32, #tpu.memory_space<vmem_shared>>
        tpu.enqueue_indirect_dma source(%arg12 : memref<128xf32, #tpu.memory_space<vmem>>) target(%dma_start3A_247 : memref<10240xf32, #tpu.memory_space<vmem_shared>>) offsets(%dma_start3A_245 : memref<128xi32, #tpu.memory_space<vmem>>) semaphore(%arg25 : memref<!tpu.dma_semaphore, #tpu.memory_space<semaphore_mem>>) {add = true}
      } else {
      }
      %mul3A_169 = arith.constant 4 : i32
      %mul3A_170 = arith.muli %scan3A_148, %mul3A_169 : i32
      %add3A_171 = arith.constant 1 : i32
      %add3A_172 = arith.addi %mul3A_170, %add3A_171 : i32
      %add3A_173 = arith.constant 1 : i32
      %add3A_174 = arith.addi %add3A_172, %add3A_173 : i32
      %lt3A_175 = arith.cmpi slt, %add3A_174, %add3A_3 : i32
      %convert_element_type3A_176 = arith.extui %lt3A_175 : i1 to i32
      %cond3A_177 = arith.constant 0 : i32
      %cond3A_178 = arith.cmpi ne, %convert_element_type3A_176, %cond3A_177 : i32
      scf.if %cond3A_178 {
        %dma_wait3A_229 = arith.constant 0 : i32
        %dma_wait3A_230 = arith.constant 0 : i32
        %dma_wait3A_231 = tpu.memref_slice %arg3[%dma_wait3A_229, %dma_wait3A_230] : memref<2x320000xi32, #tpu.memory_space<hbm>> -> memref<2x128xi32, #tpu.memory_space<hbm>>
        %dma_wait3A_232 = arith.constant 0 : i32
        %dma_wait3A_233 = arith.constant 0 : i32
        %dma_wait3A_234 = tpu.memref_slice %arg3[%dma_wait3A_232, %dma_wait3A_233] : memref<2x320000xi32, #tpu.memory_space<hbm>> -> memref<2x128xi32, #tpu.memory_space<hbm>>
        tpu.wait_dma2 semaphore(%arg19 : memref<!tpu.dma_semaphore, #tpu.memory_space<semaphore_mem>>) src(%dma_wait3A_234 : memref<2x128xi32, #tpu.memory_space<hbm>>) dst(%arg8 : memref<2x128xi32, #tpu.memory_space<vmem>>)
        %ge3A = arith.constant 1 : i32
        %ge3A_235 = arith.cmpi sge, %add3A_172, %ge3A : i32
        %convert_element_type3A_236 = arith.extui %ge3A_235 : i1 to i32
        %cond3A_237 = arith.constant 0 : i32
        %cond3A_238 = arith.cmpi ne, %convert_element_type3A_236, %cond3A_237 : i32
        scf.if %cond3A_238 {
          %dma_wait3A_246 = arith.constant 0 : i32
          %dma_wait3A_247 = arith.constant 0 : i32
          %dma_wait3A_248 = tpu.memref_slice %arg15[%dma_wait3A_246, %dma_wait3A_247] : memref<10000x128xf32, #tpu.memory_space<vmem_shared>> -> memref<128x128xf32, #tpu.memory_space<vmem_shared>>
          %dma_wait3A_249 = arith.constant 0 : i32
          %dma_wait3A_250 = arith.constant 0 : i32
          %dma_wait3A_251 = tpu.memref_slice %arg15[%dma_wait3A_249, %dma_wait3A_250] : memref<10000x128xf32, #tpu.memory_space<vmem_shared>> -> memref<128x128xf32, #tpu.memory_space<vmem_shared>>
          tpu.wait_dma2 semaphore(%arg23 : memref<!tpu.dma_semaphore, #tpu.memory_space<semaphore_mem>>) src(%arg10 : memref<128x128xf32, #tpu.memory_space<vmem>>) dst(%dma_wait3A_251 : memref<128x128xf32, #tpu.memory_space<vmem_shared>>)
          %dma_wait3A_252 = arith.constant 0 : i32
          %dma_wait3A_253 = tpu.memref_slice %arg16[%dma_wait3A_252] : memref<10240xf32, #tpu.memory_space<vmem_shared>> -> memref<128xf32, #tpu.memory_space<vmem_shared>>
          %dma_wait3A_254 = arith.constant 0 : i32
          %dma_wait3A_255 = tpu.memref_slice %arg16[%dma_wait3A_254] : memref<10240xf32, #tpu.memory_space<vmem_shared>> -> memref<128xf32, #tpu.memory_space<vmem_shared>>
          tpu.wait_dma2 semaphore(%arg25 : memref<!tpu.dma_semaphore, #tpu.memory_space<semaphore_mem>>) src(%arg12 : memref<128xf32, #tpu.memory_space<vmem>>) dst(%dma_wait3A_255 : memref<128xf32, #tpu.memory_space<vmem_shared>>)
        } else {
        }
        %dma_start3A_239 = arith.constant 0 : i32
        %dma_start3A_240 = arith.constant 0 : i32
        %dma_start3A_241 = tpu.memref_slice %arg8[%dma_start3A_239, %dma_start3A_240] : memref<2x128xi32, #tpu.memory_space<vmem>> -> memref<1x128xi32, #tpu.memory_space<vmem>>
        %dma_start3A_242 = tpu.memref_squeeze %dma_start3A_241 : memref<1x128xi32, #tpu.memory_space<vmem>> -> memref<128xi32, #tpu.memory_space<vmem>>
        %dma_start3A_243 = arith.constant 0 : i32
        %dma_start3A_244 = arith.constant 0 : i32
        %dma_start3A_245 = tpu.memref_slice %arg2[%dma_start3A_243, %dma_start3A_244] : memref<10000x128xf32, #tpu.memory_space<hbm>> -> memref<10000x128xf32, #tpu.memory_space<hbm>>
        tpu.enqueue_indirect_dma source(%dma_start3A_245 : memref<10000x128xf32, #tpu.memory_space<hbm>>) target(%arg10 : memref<128x128xf32, #tpu.memory_space<vmem>>) offsets(%dma_start3A_242 : memref<128xi32, #tpu.memory_space<vmem>>) semaphore(%arg21 : memref<!tpu.dma_semaphore, #tpu.memory_space<semaphore_mem>>)
      } else {
      }
      %add3A_179 = arith.constant 2 : i32
      %add3A_180 = arith.addi %add3A_172, %add3A_179 : i32
      %lt3A_181 = arith.cmpi slt, %add3A_180, %add3A_3 : i32
      %convert_element_type3A_182 = arith.extui %lt3A_181 : i1 to i32
      %cond3A_183 = arith.constant 0 : i32
      %cond3A_184 = arith.cmpi ne, %convert_element_type3A_182, %cond3A_183 : i32
      scf.if %cond3A_184 {
        %add3A_229 = arith.constant 2 : i32
        %add3A_230 = arith.addi %add3A_172, %add3A_229 : i32
        %mul3A_231 = arith.constant 16 : i32
        %mul3A_232 = arith.muli %add3A_230, %mul3A_231 : i32
        %add3A_233 = arith.addi %add3A, %mul3A_232 : i32
        %mul3A_234 = arith.constant 128 : i32
        %mul3A_235 = arith.muli %add3A_233, %mul3A_234 : i32
        %dma_start3A_236 = arith.constant 0 : i32
        %dma_start3A_237 = tpu.memref_slice %arg3[%dma_start3A_236, %mul3A_235] : memref<2x320000xi32, #tpu.memory_space<hbm>> -> memref<2x128xi32, #tpu.memory_space<hbm>>
        %dma_start3A_238 = arith.constant 0 : i32
        %dma_start3A_239 = tpu.memref_slice %arg3[%dma_start3A_238, %mul3A_235] : memref<2x320000xi32, #tpu.memory_space<hbm>> -> memref<2x128xi32, #tpu.memory_space<hbm>>
        tpu.enqueue_dma source(%dma_start3A_239 : memref<2x128xi32, #tpu.memory_space<hbm>>) target(%arg9 : memref<2x128xi32, #tpu.memory_space<vmem>>) target_semaphore(%arg20 : memref<!tpu.dma_semaphore, #tpu.memory_space<semaphore_mem>>)
      } else {
      }
      %lt3A_185 = arith.cmpi slt, %add3A_172, %add3A_3 : i32
      %convert_element_type3A_186 = arith.extui %lt3A_185 : i1 to i32
      %cond3A_187 = arith.constant 0 : i32
      %cond3A_188 = arith.cmpi ne, %convert_element_type3A_186, %cond3A_187 : i32
      scf.if %cond3A_188 {
        %dma_wait3A_229 = arith.constant 0 : i32
        %dma_wait3A_230 = arith.constant 0 : i32
        %dma_wait3A_231 = tpu.memref_slice %arg2[%dma_wait3A_229, %dma_wait3A_230] : memref<10000x128xf32, #tpu.memory_space<hbm>> -> memref<128x128xf32, #tpu.memory_space<hbm>>
        %dma_wait3A_232 = arith.constant 0 : i32
        %dma_wait3A_233 = arith.constant 0 : i32
        %dma_wait3A_234 = tpu.memref_slice %arg2[%dma_wait3A_232, %dma_wait3A_233] : memref<10000x128xf32, #tpu.memory_space<hbm>> -> memref<128x128xf32, #tpu.memory_space<hbm>>
        tpu.wait_dma2 semaphore(%arg22 : memref<!tpu.dma_semaphore, #tpu.memory_space<semaphore_mem>>) src(%dma_wait3A_234 : memref<128x128xf32, #tpu.memory_space<hbm>>) dst(%arg11 : memref<128x128xf32, #tpu.memory_space<vmem>>)
        %dma_start3A_235 = arith.constant 1 : i32
        %dma_start3A_236 = arith.constant 0 : i32
        %dma_start3A_237 = tpu.memref_slice %arg7[%dma_start3A_235, %dma_start3A_236] : memref<2x128xi32, #tpu.memory_space<vmem>> -> memref<1x128xi32, #tpu.memory_space<vmem>>
        %dma_start3A_238 = tpu.memref_squeeze %dma_start3A_237 : memref<1x128xi32, #tpu.memory_space<vmem>> -> memref<128xi32, #tpu.memory_space<vmem>>
        %dma_start3A_239 = arith.constant 0 : i32
        %dma_start3A_240 = arith.constant 0 : i32
        %dma_start3A_241 = tpu.memref_slice %arg15[%dma_start3A_239, %dma_start3A_240] : memref<10000x128xf32, #tpu.memory_space<vmem_shared>> -> memref<10000x128xf32, #tpu.memory_space<vmem_shared>>
        tpu.enqueue_indirect_dma source(%arg11 : memref<128x128xf32, #tpu.memory_space<vmem>>) target(%dma_start3A_241 : memref<10000x128xf32, #tpu.memory_space<vmem_shared>>) offsets(%dma_start3A_238 : memref<128xi32, #tpu.memory_space<vmem>>) semaphore(%arg24 : memref<!tpu.dma_semaphore, #tpu.memory_space<semaphore_mem>>) {add = true}
        %dma_start3A_242 = arith.constant 1 : i32
        %dma_start3A_243 = arith.constant 0 : i32
        %dma_start3A_244 = tpu.memref_slice %arg7[%dma_start3A_242, %dma_start3A_243] : memref<2x128xi32, #tpu.memory_space<vmem>> -> memref<1x128xi32, #tpu.memory_space<vmem>>
        %dma_start3A_245 = tpu.memref_squeeze %dma_start3A_244 : memref<1x128xi32, #tpu.memory_space<vmem>> -> memref<128xi32, #tpu.memory_space<vmem>>
        %dma_start3A_246 = arith.constant 0 : i32
        %dma_start3A_247 = tpu.memref_slice %arg16[%dma_start3A_246] : memref<10240xf32, #tpu.memory_space<vmem_shared>> -> memref<10240xf32, #tpu.memory_space<vmem_shared>>
        tpu.enqueue_indirect_dma source(%arg12 : memref<128xf32, #tpu.memory_space<vmem>>) target(%dma_start3A_247 : memref<10240xf32, #tpu.memory_space<vmem_shared>>) offsets(%dma_start3A_245 : memref<128xi32, #tpu.memory_space<vmem>>) semaphore(%arg26 : memref<!tpu.dma_semaphore, #tpu.memory_space<semaphore_mem>>) {add = true}
      } else {
      }
      %mul3A_189 = arith.constant 4 : i32
      %mul3A_190 = arith.muli %scan3A_148, %mul3A_189 : i32
      %add3A_191 = arith.constant 2 : i32
      %add3A_192 = arith.addi %mul3A_190, %add3A_191 : i32
      %add3A_193 = arith.constant 1 : i32
      %add3A_194 = arith.addi %add3A_192, %add3A_193 : i32
      %lt3A_195 = arith.cmpi slt, %add3A_194, %add3A_3 : i32
      %convert_element_type3A_196 = arith.extui %lt3A_195 : i1 to i32
      %cond3A_197 = arith.constant 0 : i32
      %cond3A_198 = arith.cmpi ne, %convert_element_type3A_196, %cond3A_197 : i32
      scf.if %cond3A_198 {
        %dma_wait3A_229 = arith.constant 0 : i32
        %dma_wait3A_230 = arith.constant 0 : i32
        %dma_wait3A_231 = tpu.memref_slice %arg3[%dma_wait3A_229, %dma_wait3A_230] : memref<2x320000xi32, #tpu.memory_space<hbm>> -> memref<2x128xi32, #tpu.memory_space<hbm>>
        %dma_wait3A_232 = arith.constant 0 : i32
        %dma_wait3A_233 = arith.constant 0 : i32
        %dma_wait3A_234 = tpu.memref_slice %arg3[%dma_wait3A_232, %dma_wait3A_233] : memref<2x320000xi32, #tpu.memory_space<hbm>> -> memref<2x128xi32, #tpu.memory_space<hbm>>
        tpu.wait_dma2 semaphore(%arg20 : memref<!tpu.dma_semaphore, #tpu.memory_space<semaphore_mem>>) src(%dma_wait3A_234 : memref<2x128xi32, #tpu.memory_space<hbm>>) dst(%arg9 : memref<2x128xi32, #tpu.memory_space<vmem>>)
        %ge3A = arith.constant 1 : i32
        %ge3A_235 = arith.cmpi sge, %add3A_192, %ge3A : i32
        %convert_element_type3A_236 = arith.extui %ge3A_235 : i1 to i32
        %cond3A_237 = arith.constant 0 : i32
        %cond3A_238 = arith.cmpi ne, %convert_element_type3A_236, %cond3A_237 : i32
        scf.if %cond3A_238 {
          %dma_wait3A_246 = arith.constant 0 : i32
          %dma_wait3A_247 = arith.constant 0 : i32
          %dma_wait3A_248 = tpu.memref_slice %arg15[%dma_wait3A_246, %dma_wait3A_247] : memref<10000x128xf32, #tpu.memory_space<vmem_shared>> -> memref<128x128xf32, #tpu.memory_space<vmem_shared>>
          %dma_wait3A_249 = arith.constant 0 : i32
          %dma_wait3A_250 = arith.constant 0 : i32
          %dma_wait3A_251 = tpu.memref_slice %arg15[%dma_wait3A_249, %dma_wait3A_250] : memref<10000x128xf32, #tpu.memory_space<vmem_shared>> -> memref<128x128xf32, #tpu.memory_space<vmem_shared>>
          tpu.wait_dma2 semaphore(%arg24 : memref<!tpu.dma_semaphore, #tpu.memory_space<semaphore_mem>>) src(%arg11 : memref<128x128xf32, #tpu.memory_space<vmem>>) dst(%dma_wait3A_251 : memref<128x128xf32, #tpu.memory_space<vmem_shared>>)
          %dma_wait3A_252 = arith.constant 0 : i32
          %dma_wait3A_253 = tpu.memref_slice %arg16[%dma_wait3A_252] : memref<10240xf32, #tpu.memory_space<vmem_shared>> -> memref<128xf32, #tpu.memory_space<vmem_shared>>
          %dma_wait3A_254 = arith.constant 0 : i32
          %dma_wait3A_255 = tpu.memref_slice %arg16[%dma_wait3A_254] : memref<10240xf32, #tpu.memory_space<vmem_shared>> -> memref<128xf32, #tpu.memory_space<vmem_shared>>
          tpu.wait_dma2 semaphore(%arg26 : memref<!tpu.dma_semaphore, #tpu.memory_space<semaphore_mem>>) src(%arg12 : memref<128xf32, #tpu.memory_space<vmem>>) dst(%dma_wait3A_255 : memref<128xf32, #tpu.memory_space<vmem_shared>>)
        } else {
        }
        %dma_start3A_239 = arith.constant 0 : i32
        %dma_start3A_240 = arith.constant 0 : i32
        %dma_start3A_241 = tpu.memref_slice %arg9[%dma_start3A_239, %dma_start3A_240] : memref<2x128xi32, #tpu.memory_space<vmem>> -> memref<1x128xi32, #tpu.memory_space<vmem>>
        %dma_start3A_242 = tpu.memref_squeeze %dma_start3A_241 : memref<1x128xi32, #tpu.memory_space<vmem>> -> memref<128xi32, #tpu.memory_space<vmem>>
        %dma_start3A_243 = arith.constant 0 : i32
        %dma_start3A_244 = arith.constant 0 : i32
        %dma_start3A_245 = tpu.memref_slice %arg2[%dma_start3A_243, %dma_start3A_244] : memref<10000x128xf32, #tpu.memory_space<hbm>> -> memref<10000x128xf32, #tpu.memory_space<hbm>>
        tpu.enqueue_indirect_dma source(%dma_start3A_245 : memref<10000x128xf32, #tpu.memory_space<hbm>>) target(%arg11 : memref<128x128xf32, #tpu.memory_space<vmem>>) offsets(%dma_start3A_242 : memref<128xi32, #tpu.memory_space<vmem>>) semaphore(%arg22 : memref<!tpu.dma_semaphore, #tpu.memory_space<semaphore_mem>>)
      } else {
      }
      %add3A_199 = arith.constant 2 : i32
      %add3A_200 = arith.addi %add3A_192, %add3A_199 : i32
      %lt3A_201 = arith.cmpi slt, %add3A_200, %add3A_3 : i32
      %convert_element_type3A_202 = arith.extui %lt3A_201 : i1 to i32
      %cond3A_203 = arith.constant 0 : i32
      %cond3A_204 = arith.cmpi ne, %convert_element_type3A_202, %cond3A_203 : i32
      scf.if %cond3A_204 {
        %add3A_229 = arith.constant 2 : i32
        %add3A_230 = arith.addi %add3A_192, %add3A_229 : i32
        %mul3A_231 = arith.constant 16 : i32
        %mul3A_232 = arith.muli %add3A_230, %mul3A_231 : i32
        %add3A_233 = arith.addi %add3A, %mul3A_232 : i32
        %mul3A_234 = arith.constant 128 : i32
        %mul3A_235 = arith.muli %add3A_233, %mul3A_234 : i32
        %dma_start3A_236 = arith.constant 0 : i32
        %dma_start3A_237 = tpu.memref_slice %arg3[%dma_start3A_236, %mul3A_235] : memref<2x320000xi32, #tpu.memory_space<hbm>> -> memref<2x128xi32, #tpu.memory_space<hbm>>
        %dma_start3A_238 = arith.constant 0 : i32
        %dma_start3A_239 = tpu.memref_slice %arg3[%dma_start3A_238, %mul3A_235] : memref<2x320000xi32, #tpu.memory_space<hbm>> -> memref<2x128xi32, #tpu.memory_space<hbm>>
        tpu.enqueue_dma source(%dma_start3A_239 : memref<2x128xi32, #tpu.memory_space<hbm>>) target(%arg6 : memref<2x128xi32, #tpu.memory_space<vmem>>) target_semaphore(%arg17 : memref<!tpu.dma_semaphore, #tpu.memory_space<semaphore_mem>>)
      } else {
      }
      %lt3A_205 = arith.cmpi slt, %add3A_192, %add3A_3 : i32
      %convert_element_type3A_206 = arith.extui %lt3A_205 : i1 to i32
      %cond3A_207 = arith.constant 0 : i32
      %cond3A_208 = arith.cmpi ne, %convert_element_type3A_206, %cond3A_207 : i32
      scf.if %cond3A_208 {
        %dma_wait3A_229 = arith.constant 0 : i32
        %dma_wait3A_230 = arith.constant 0 : i32
        %dma_wait3A_231 = tpu.memref_slice %arg2[%dma_wait3A_229, %dma_wait3A_230] : memref<10000x128xf32, #tpu.memory_space<hbm>> -> memref<128x128xf32, #tpu.memory_space<hbm>>
        %dma_wait3A_232 = arith.constant 0 : i32
        %dma_wait3A_233 = arith.constant 0 : i32
        %dma_wait3A_234 = tpu.memref_slice %arg2[%dma_wait3A_232, %dma_wait3A_233] : memref<10000x128xf32, #tpu.memory_space<hbm>> -> memref<128x128xf32, #tpu.memory_space<hbm>>
        tpu.wait_dma2 semaphore(%arg21 : memref<!tpu.dma_semaphore, #tpu.memory_space<semaphore_mem>>) src(%dma_wait3A_234 : memref<128x128xf32, #tpu.memory_space<hbm>>) dst(%arg10 : memref<128x128xf32, #tpu.memory_space<vmem>>)
        %dma_start3A_235 = arith.constant 1 : i32
        %dma_start3A_236 = arith.constant 0 : i32
        %dma_start3A_237 = tpu.memref_slice %arg8[%dma_start3A_235, %dma_start3A_236] : memref<2x128xi32, #tpu.memory_space<vmem>> -> memref<1x128xi32, #tpu.memory_space<vmem>>
        %dma_start3A_238 = tpu.memref_squeeze %dma_start3A_237 : memref<1x128xi32, #tpu.memory_space<vmem>> -> memref<128xi32, #tpu.memory_space<vmem>>
        %dma_start3A_239 = arith.constant 0 : i32
        %dma_start3A_240 = arith.constant 0 : i32
        %dma_start3A_241 = tpu.memref_slice %arg15[%dma_start3A_239, %dma_start3A_240] : memref<10000x128xf32, #tpu.memory_space<vmem_shared>> -> memref<10000x128xf32, #tpu.memory_space<vmem_shared>>
        tpu.enqueue_indirect_dma source(%arg10 : memref<128x128xf32, #tpu.memory_space<vmem>>) target(%dma_start3A_241 : memref<10000x128xf32, #tpu.memory_space<vmem_shared>>) offsets(%dma_start3A_238 : memref<128xi32, #tpu.memory_space<vmem>>) semaphore(%arg23 : memref<!tpu.dma_semaphore, #tpu.memory_space<semaphore_mem>>) {add = true}
        %dma_start3A_242 = arith.constant 1 : i32
        %dma_start3A_243 = arith.constant 0 : i32
        %dma_start3A_244 = tpu.memref_slice %arg8[%dma_start3A_242, %dma_start3A_243] : memref<2x128xi32, #tpu.memory_space<vmem>> -> memref<1x128xi32, #tpu.memory_space<vmem>>
        %dma_start3A_245 = tpu.memref_squeeze %dma_start3A_244 : memref<1x128xi32, #tpu.memory_space<vmem>> -> memref<128xi32, #tpu.memory_space<vmem>>
        %dma_start3A_246 = arith.constant 0 : i32
        %dma_start3A_247 = tpu.memref_slice %arg16[%dma_start3A_246] : memref<10240xf32, #tpu.memory_space<vmem_shared>> -> memref<10240xf32, #tpu.memory_space<vmem_shared>>
        tpu.enqueue_indirect_dma source(%arg12 : memref<128xf32, #tpu.memory_space<vmem>>) target(%dma_start3A_247 : memref<10240xf32, #tpu.memory_space<vmem_shared>>) offsets(%dma_start3A_245 : memref<128xi32, #tpu.memory_space<vmem>>) semaphore(%arg25 : memref<!tpu.dma_semaphore, #tpu.memory_space<semaphore_mem>>) {add = true}
      } else {
      }
      %mul3A_209 = arith.constant 4 : i32
      %mul3A_210 = arith.muli %scan3A_148, %mul3A_209 : i32
      %add3A_211 = arith.constant 3 : i32
      %add3A_212 = arith.addi %mul3A_210, %add3A_211 : i32
      %add3A_213 = arith.constant 1 : i32
      %add3A_214 = arith.addi %add3A_212, %add3A_213 : i32
      %lt3A_215 = arith.cmpi slt, %add3A_214, %add3A_3 : i32
      %convert_element_type3A_216 = arith.extui %lt3A_215 : i1 to i32
      %cond3A_217 = arith.constant 0 : i32
      %cond3A_218 = arith.cmpi ne, %convert_element_type3A_216, %cond3A_217 : i32
      scf.if %cond3A_218 {
        %dma_wait3A_229 = arith.constant 0 : i32
        %dma_wait3A_230 = arith.constant 0 : i32
        %dma_wait3A_231 = tpu.memref_slice %arg3[%dma_wait3A_229, %dma_wait3A_230] : memref<2x320000xi32, #tpu.memory_space<hbm>> -> memref<2x128xi32, #tpu.memory_space<hbm>>
        %dma_wait3A_232 = arith.constant 0 : i32
        %dma_wait3A_233 = arith.constant 0 : i32
        %dma_wait3A_234 = tpu.memref_slice %arg3[%dma_wait3A_232, %dma_wait3A_233] : memref<2x320000xi32, #tpu.memory_space<hbm>> -> memref<2x128xi32, #tpu.memory_space<hbm>>
        tpu.wait_dma2 semaphore(%arg17 : memref<!tpu.dma_semaphore, #tpu.memory_space<semaphore_mem>>) src(%dma_wait3A_234 : memref<2x128xi32, #tpu.memory_space<hbm>>) dst(%arg6 : memref<2x128xi32, #tpu.memory_space<vmem>>)
        %ge3A = arith.constant 1 : i32
        %ge3A_235 = arith.cmpi sge, %add3A_212, %ge3A : i32
        %convert_element_type3A_236 = arith.extui %ge3A_235 : i1 to i32
        %cond3A_237 = arith.constant 0 : i32
        %cond3A_238 = arith.cmpi ne, %convert_element_type3A_236, %cond3A_237 : i32
        scf.if %cond3A_238 {
          %dma_wait3A_246 = arith.constant 0 : i32
          %dma_wait3A_247 = arith.constant 0 : i32
          %dma_wait3A_248 = tpu.memref_slice %arg15[%dma_wait3A_246, %dma_wait3A_247] : memref<10000x128xf32, #tpu.memory_space<vmem_shared>> -> memref<128x128xf32, #tpu.memory_space<vmem_shared>>
          %dma_wait3A_249 = arith.constant 0 : i32
          %dma_wait3A_250 = arith.constant 0 : i32
          %dma_wait3A_251 = tpu.memref_slice %arg15[%dma_wait3A_249, %dma_wait3A_250] : memref<10000x128xf32, #tpu.memory_space<vmem_shared>> -> memref<128x128xf32, #tpu.memory_space<vmem_shared>>
          tpu.wait_dma2 semaphore(%arg23 : memref<!tpu.dma_semaphore, #tpu.memory_space<semaphore_mem>>) src(%arg10 : memref<128x128xf32, #tpu.memory_space<vmem>>) dst(%dma_wait3A_251 : memref<128x128xf32, #tpu.memory_space<vmem_shared>>)
          %dma_wait3A_252 = arith.constant 0 : i32
          %dma_wait3A_253 = tpu.memref_slice %arg16[%dma_wait3A_252] : memref<10240xf32, #tpu.memory_space<vmem_shared>> -> memref<128xf32, #tpu.memory_space<vmem_shared>>
          %dma_wait3A_254 = arith.constant 0 : i32
          %dma_wait3A_255 = tpu.memref_slice %arg16[%dma_wait3A_254] : memref<10240xf32, #tpu.memory_space<vmem_shared>> -> memref<128xf32, #tpu.memory_space<vmem_shared>>
          tpu.wait_dma2 semaphore(%arg25 : memref<!tpu.dma_semaphore, #tpu.memory_space<semaphore_mem>>) src(%arg12 : memref<128xf32, #tpu.memory_space<vmem>>) dst(%dma_wait3A_255 : memref<128xf32, #tpu.memory_space<vmem_shared>>)
        } else {
        }
        %dma_start3A_239 = arith.constant 0 : i32
        %dma_start3A_240 = arith.constant 0 : i32
        %dma_start3A_241 = tpu.memref_slice %arg6[%dma_start3A_239, %dma_start3A_240] : memref<2x128xi32, #tpu.memory_space<vmem>> -> memref<1x128xi32, #tpu.memory_space<vmem>>
        %dma_start3A_242 = tpu.memref_squeeze %dma_start3A_241 : memref<1x128xi32, #tpu.memory_space<vmem>> -> memref<128xi32, #tpu.memory_space<vmem>>
        %dma_start3A_243 = arith.constant 0 : i32
        %dma_start3A_244 = arith.constant 0 : i32
        %dma_start3A_245 = tpu.memref_slice %arg2[%dma_start3A_243, %dma_start3A_244] : memref<10000x128xf32, #tpu.memory_space<hbm>> -> memref<10000x128xf32, #tpu.memory_space<hbm>>
        tpu.enqueue_indirect_dma source(%dma_start3A_245 : memref<10000x128xf32, #tpu.memory_space<hbm>>) target(%arg10 : memref<128x128xf32, #tpu.memory_space<vmem>>) offsets(%dma_start3A_242 : memref<128xi32, #tpu.memory_space<vmem>>) semaphore(%arg21 : memref<!tpu.dma_semaphore, #tpu.memory_space<semaphore_mem>>)
      } else {
      }
      %add3A_219 = arith.constant 2 : i32
      %add3A_220 = arith.addi %add3A_212, %add3A_219 : i32
      %lt3A_221 = arith.cmpi slt, %add3A_220, %add3A_3 : i32
      %convert_element_type3A_222 = arith.extui %lt3A_221 : i1 to i32
      %cond3A_223 = arith.constant 0 : i32
      %cond3A_224 = arith.cmpi ne, %convert_element_type3A_222, %cond3A_223 : i32
      scf.if %cond3A_224 {
        %add3A_229 = arith.constant 2 : i32
        %add3A_230 = arith.addi %add3A_212, %add3A_229 : i32
        %mul3A_231 = arith.constant 16 : i32
        %mul3A_232 = arith.muli %add3A_230, %mul3A_231 : i32
        %add3A_233 = arith.addi %add3A, %mul3A_232 : i32
        %mul3A_234 = arith.constant 128 : i32
        %mul3A_235 = arith.muli %add3A_233, %mul3A_234 : i32
        %dma_start3A_236 = arith.constant 0 : i32
        %dma_start3A_237 = tpu.memref_slice %arg3[%dma_start3A_236, %mul3A_235] : memref<2x320000xi32, #tpu.memory_space<hbm>> -> memref<2x128xi32, #tpu.memory_space<hbm>>
        %dma_start3A_238 = arith.constant 0 : i32
        %dma_start3A_239 = tpu.memref_slice %arg3[%dma_start3A_238, %mul3A_235] : memref<2x320000xi32, #tpu.memory_space<hbm>> -> memref<2x128xi32, #tpu.memory_space<hbm>>
        tpu.enqueue_dma source(%dma_start3A_239 : memref<2x128xi32, #tpu.memory_space<hbm>>) target(%arg7 : memref<2x128xi32, #tpu.memory_space<vmem>>) target_semaphore(%arg18 : memref<!tpu.dma_semaphore, #tpu.memory_space<semaphore_mem>>)
      } else {
      }
      %lt3A_225 = arith.cmpi slt, %add3A_212, %add3A_3 : i32
      %convert_element_type3A_226 = arith.extui %lt3A_225 : i1 to i32
      %cond3A_227 = arith.constant 0 : i32
      %cond3A_228 = arith.cmpi ne, %convert_element_type3A_226, %cond3A_227 : i32
      scf.if %cond3A_228 {
        %dma_wait3A_229 = arith.constant 0 : i32
        %dma_wait3A_230 = arith.constant 0 : i32
        %dma_wait3A_231 = tpu.memref_slice %arg2[%dma_wait3A_229, %dma_wait3A_230] : memref<10000x128xf32, #tpu.memory_space<hbm>> -> memref<128x128xf32, #tpu.memory_space<hbm>>
        %dma_wait3A_232 = arith.constant 0 : i32
        %dma_wait3A_233 = arith.constant 0 : i32
        %dma_wait3A_234 = tpu.memref_slice %arg2[%dma_wait3A_232, %dma_wait3A_233] : memref<10000x128xf32, #tpu.memory_space<hbm>> -> memref<128x128xf32, #tpu.memory_space<hbm>>
        tpu.wait_dma2 semaphore(%arg22 : memref<!tpu.dma_semaphore, #tpu.memory_space<semaphore_mem>>) src(%dma_wait3A_234 : memref<128x128xf32, #tpu.memory_space<hbm>>) dst(%arg11 : memref<128x128xf32, #tpu.memory_space<vmem>>)
        %dma_start3A_235 = arith.constant 1 : i32
        %dma_start3A_236 = arith.constant 0 : i32
        %dma_start3A_237 = tpu.memref_slice %arg9[%dma_start3A_235, %dma_start3A_236] : memref<2x128xi32, #tpu.memory_space<vmem>> -> memref<1x128xi32, #tpu.memory_space<vmem>>
        %dma_start3A_238 = tpu.memref_squeeze %dma_start3A_237 : memref<1x128xi32, #tpu.memory_space<vmem>> -> memref<128xi32, #tpu.memory_space<vmem>>
        %dma_start3A_239 = arith.constant 0 : i32
        %dma_start3A_240 = arith.constant 0 : i32
        %dma_start3A_241 = tpu.memref_slice %arg15[%dma_start3A_239, %dma_start3A_240] : memref<10000x128xf32, #tpu.memory_space<vmem_shared>> -> memref<10000x128xf32, #tpu.memory_space<vmem_shared>>
        tpu.enqueue_indirect_dma source(%arg11 : memref<128x128xf32, #tpu.memory_space<vmem>>) target(%dma_start3A_241 : memref<10000x128xf32, #tpu.memory_space<vmem_shared>>) offsets(%dma_start3A_238 : memref<128xi32, #tpu.memory_space<vmem>>) semaphore(%arg24 : memref<!tpu.dma_semaphore, #tpu.memory_space<semaphore_mem>>) {add = true}
        %dma_start3A_242 = arith.constant 1 : i32
        %dma_start3A_243 = arith.constant 0 : i32
        %dma_start3A_244 = tpu.memref_slice %arg9[%dma_start3A_242, %dma_start3A_243] : memref<2x128xi32, #tpu.memory_space<vmem>> -> memref<1x128xi32, #tpu.memory_space<vmem>>
        %dma_start3A_245 = tpu.memref_squeeze %dma_start3A_244 : memref<1x128xi32, #tpu.memory_space<vmem>> -> memref<128xi32, #tpu.memory_space<vmem>>
        %dma_start3A_246 = arith.constant 0 : i32
        %dma_start3A_247 = tpu.memref_slice %arg16[%dma_start3A_246] : memref<10240xf32, #tpu.memory_space<vmem_shared>> -> memref<10240xf32, #tpu.memory_space<vmem_shared>>
        tpu.enqueue_indirect_dma source(%arg12 : memref<128xf32, #tpu.memory_space<vmem>>) target(%dma_start3A_247 : memref<10240xf32, #tpu.memory_space<vmem_shared>>) offsets(%dma_start3A_245 : memref<128xi32, #tpu.memory_space<vmem>>) semaphore(%arg26 : memref<!tpu.dma_semaphore, #tpu.memory_space<semaphore_mem>>) {add = true}
      } else {
      }
    }
    %scan3A_110 = arith.constant 20 : i32
    %dma_wait3A_111 = arith.constant 0 : i32
    %dma_wait3A_112 = arith.constant 0 : i32
    %dma_wait3A_113 = tpu.memref_slice %arg15[%dma_wait3A_111, %dma_wait3A_112] : memref<10000x128xf32, #tpu.memory_space<vmem_shared>> -> memref<128x128xf32, #tpu.memory_space<vmem_shared>>
    %dma_wait3A_114 = arith.constant 0 : i32
    %dma_wait3A_115 = arith.constant 0 : i32
    %dma_wait3A_116 = tpu.memref_slice %arg15[%dma_wait3A_114, %dma_wait3A_115] : memref<10000x128xf32, #tpu.memory_space<vmem_shared>> -> memref<128x128xf32, #tpu.memory_space<vmem_shared>>
    tpu.wait_dma2 semaphore(%arg23 : memref<!tpu.dma_semaphore, #tpu.memory_space<semaphore_mem>>) src(%arg10 : memref<128x128xf32, #tpu.memory_space<vmem>>) dst(%dma_wait3A_116 : memref<128x128xf32, #tpu.memory_space<vmem_shared>>)
    %dma_wait3A_117 = arith.constant 0 : i32
    %dma_wait3A_118 = tpu.memref_slice %arg16[%dma_wait3A_117] : memref<10240xf32, #tpu.memory_space<vmem_shared>> -> memref<128xf32, #tpu.memory_space<vmem_shared>>
    %dma_wait3A_119 = arith.constant 0 : i32
    %dma_wait3A_120 = tpu.memref_slice %arg16[%dma_wait3A_119] : memref<10240xf32, #tpu.memory_space<vmem_shared>> -> memref<128xf32, #tpu.memory_space<vmem_shared>>
    tpu.wait_dma2 semaphore(%arg25 : memref<!tpu.dma_semaphore, #tpu.memory_space<semaphore_mem>>) src(%arg12 : memref<128xf32, #tpu.memory_space<vmem>>) dst(%dma_wait3A_120 : memref<128xf32, #tpu.memory_space<vmem_shared>>)
    %dma_wait3A_121 = arith.constant 0 : i32
    %dma_wait3A_122 = arith.constant 0 : i32
    %dma_wait3A_123 = tpu.memref_slice %arg15[%dma_wait3A_121, %dma_wait3A_122] : memref<10000x128xf32, #tpu.memory_space<vmem_shared>> -> memref<128x128xf32, #tpu.memory_space<vmem_shared>>
    %dma_wait3A_124 = arith.constant 0 : i32
    %dma_wait3A_125 = arith.constant 0 : i32
    %dma_wait3A_126 = tpu.memref_slice %arg15[%dma_wait3A_124, %dma_wait3A_125] : memref<10000x128xf32, #tpu.memory_space<vmem_shared>> -> memref<128x128xf32, #tpu.memory_space<vmem_shared>>
    tpu.wait_dma2 semaphore(%arg24 : memref<!tpu.dma_semaphore, #tpu.memory_space<semaphore_mem>>) src(%arg11 : memref<128x128xf32, #tpu.memory_space<vmem>>) dst(%dma_wait3A_126 : memref<128x128xf32, #tpu.memory_space<vmem_shared>>)
    %dma_wait3A_127 = arith.constant 0 : i32
    %dma_wait3A_128 = tpu.memref_slice %arg16[%dma_wait3A_127] : memref<10240xf32, #tpu.memory_space<vmem_shared>> -> memref<128xf32, #tpu.memory_space<vmem_shared>>
    %dma_wait3A_129 = arith.constant 0 : i32
    %dma_wait3A_130 = tpu.memref_slice %arg16[%dma_wait3A_129] : memref<10240xf32, #tpu.memory_space<vmem_shared>> -> memref<128xf32, #tpu.memory_space<vmem_shared>>
    tpu.wait_dma2 semaphore(%arg26 : memref<!tpu.dma_semaphore, #tpu.memory_space<semaphore_mem>>) src(%arg12 : memref<128xf32, #tpu.memory_space<vmem>>) dst(%dma_wait3A_130 : memref<128xf32, #tpu.memory_space<vmem_shared>>)
    %barrier3A_131 = arith.constant 0 : index
    tpu.barrier barrier_id(%barrier3A_131)
    %mul3A_132 = arith.constant 624 : i32
    %mul3A_133 = arith.muli %arg1, %mul3A_132 : i32
    %mul3A_134 = arith.constant 624 : i32
    %mul3A_135 = arith.muli %arg1, %mul3A_134 : i32
    "tpu.region"() ({
      %run_scoped3A = tpu.sem_alloc : memref<!tpu.dma_semaphore, #tpu.memory_space<semaphore_mem>>
      %dma_start3A_148 = arith.constant 0 : i32
      %dma_start3A_149 = tpu.memref_slice %arg4[%arg0, %mul3A_135, %dma_start3A_148] : memref<2x10000x128xf32, #tpu.memory_space<hbm>> -> memref<1x624x128xf32, #tpu.memory_space<hbm>>
      %dma_start3A_150 = tpu.memref_squeeze %dma_start3A_149 : memref<1x624x128xf32, #tpu.memory_space<hbm>> -> memref<624x128xf32, #tpu.memory_space<hbm>>
      %dma_start3A_151 = arith.constant 0 : i32
      %dma_start3A_152 = tpu.memref_slice %arg15[%mul3A_133, %dma_start3A_151] : memref<10000x128xf32, #tpu.memory_space<vmem_shared>> -> memref<624x128xf32, #tpu.memory_space<vmem_shared>>
      tpu.enqueue_dma source(%dma_start3A_152 : memref<624x128xf32, #tpu.memory_space<vmem_shared>>) target(%dma_start3A_150 : memref<624x128xf32, #tpu.memory_space<hbm>>) target_semaphore(%run_scoped3A : memref<!tpu.dma_semaphore, #tpu.memory_space<semaphore_mem>>)
      %dma_wait3A_153 = arith.constant 0 : i32
      %dma_wait3A_154 = tpu.memref_slice %arg4[%arg0, %mul3A_135, %dma_wait3A_153] : memref<2x10000x128xf32, #tpu.memory_space<hbm>> -> memref<1x624x128xf32, #tpu.memory_space<hbm>>
      %dma_wait3A_155 = tpu.memref_squeeze %dma_wait3A_154 : memref<1x624x128xf32, #tpu.memory_space<hbm>> -> memref<624x128xf32, #tpu.memory_space<hbm>>
      %dma_wait3A_156 = arith.constant 0 : i32
      %dma_wait3A_157 = tpu.memref_slice %arg15[%mul3A_133, %dma_wait3A_156] : memref<10000x128xf32, #tpu.memory_space<vmem_shared>> -> memref<624x128xf32, #tpu.memory_space<vmem_shared>>
      tpu.wait_dma2 semaphore(%run_scoped3A : memref<!tpu.dma_semaphore, #tpu.memory_space<semaphore_mem>>) src(%dma_wait3A_157 : memref<624x128xf32, #tpu.memory_space<vmem_shared>>) dst(%dma_wait3A_155 : memref<624x128xf32, #tpu.memory_space<hbm>>)
      tpu.yield
    }) : () -> ()
    %eq3A_136 = arith.constant 15 : i32
    %eq3A_137 = arith.cmpi eq, %arg1, %eq3A_136 : i32
    %convert_element_type3A_138 = arith.extui %eq3A_137 : i1 to i32
    %cond3A_139 = arith.constant 0 : i32
    %cond3A_140 = arith.cmpi ne, %convert_element_type3A_138, %cond3A_139 : i32
    scf.if %cond3A_140 {
      "tpu.region"() ({
        %run_scoped3A = tpu.sem_alloc : memref<!tpu.dma_semaphore, #tpu.memory_space<semaphore_mem>>
        %dma_start3A_148 = arith.constant 9984 : i32
        %dma_start3A_149 = arith.constant 0 : i32
        %dma_start3A_150 = tpu.memref_slice %arg4[%arg0, %dma_start3A_148, %dma_start3A_149] : memref<2x10000x128xf32, #tpu.memory_space<hbm>> -> memref<1x16x128xf32, #tpu.memory_space<hbm>>
        %dma_start3A_151 = tpu.memref_squeeze %dma_start3A_150 : memref<1x16x128xf32, #tpu.memory_space<hbm>> -> memref<16x128xf32, #tpu.memory_space<hbm>>
        %dma_start3A_152 = arith.constant 9984 : i32
        %dma_start3A_153 = arith.constant 0 : i32
        %dma_start3A_154 = tpu.memref_slice %arg15[%dma_start3A_152, %dma_start3A_153] : memref<10000x128xf32, #tpu.memory_space<vmem_shared>> -> memref<16x128xf32, #tpu.memory_space<vmem_shared>>
        tpu.enqueue_dma source(%dma_start3A_154 : memref<16x128xf32, #tpu.memory_space<vmem_shared>>) target(%dma_start3A_151 : memref<16x128xf32, #tpu.memory_space<hbm>>) target_semaphore(%run_scoped3A : memref<!tpu.dma_semaphore, #tpu.memory_space<semaphore_mem>>)
        %dma_wait3A_155 = arith.constant 9984 : i32
        %dma_wait3A_156 = arith.constant 0 : i32
        %dma_wait3A_157 = tpu.memref_slice %arg4[%arg0, %dma_wait3A_155, %dma_wait3A_156] : memref<2x10000x128xf32, #tpu.memory_space<hbm>> -> memref<1x16x128xf32, #tpu.memory_space<hbm>>
        %dma_wait3A_158 = tpu.memref_squeeze %dma_wait3A_157 : memref<1x16x128xf32, #tpu.memory_space<hbm>> -> memref<16x128xf32, #tpu.memory_space<hbm>>
        %dma_wait3A_159 = arith.constant 9984 : i32
        %dma_wait3A_160 = arith.constant 0 : i32
        %dma_wait3A_161 = tpu.memref_slice %arg15[%dma_wait3A_159, %dma_wait3A_160] : memref<10000x128xf32, #tpu.memory_space<vmem_shared>> -> memref<16x128xf32, #tpu.memory_space<vmem_shared>>
        tpu.wait_dma2 semaphore(%run_scoped3A : memref<!tpu.dma_semaphore, #tpu.memory_space<semaphore_mem>>) src(%dma_wait3A_161 : memref<16x128xf32, #tpu.memory_space<vmem_shared>>) dst(%dma_wait3A_158 : memref<16x128xf32, #tpu.memory_space<hbm>>)
        tpu.yield
      }) : () -> ()
    } else {
    }
    %mul3A_141 = arith.constant 640 : i32
    %mul3A_142 = arith.muli %arg1, %mul3A_141 : i32
    "tpu.region"() ({
      %run_scoped3A = tpu.sem_alloc : memref<!tpu.dma_semaphore, #tpu.memory_space<semaphore_mem>>
      %dma_start3A_148 = tpu.memref_slice %arg16[%mul3A_142] : memref<10240xf32, #tpu.memory_space<vmem_shared>> -> memref<640xf32, #tpu.memory_space<vmem_shared>>
      %dma_start3A_149 = tpu.memref_slice %arg16[%mul3A_142] : memref<10240xf32, #tpu.memory_space<vmem_shared>> -> memref<640xf32, #tpu.memory_space<vmem_shared>>
      tpu.enqueue_dma source(%dma_start3A_149 : memref<640xf32, #tpu.memory_space<vmem_shared>>) target(%arg14 : memref<640xf32, #tpu.memory_space<vmem>>) target_semaphore(%run_scoped3A : memref<!tpu.dma_semaphore, #tpu.memory_space<semaphore_mem>>)
      %dma_wait3A_150 = tpu.memref_slice %arg16[%mul3A_142] : memref<10240xf32, #tpu.memory_space<vmem_shared>> -> memref<640xf32, #tpu.memory_space<vmem_shared>>
      %dma_wait3A_151 = tpu.memref_slice %arg16[%mul3A_142] : memref<10240xf32, #tpu.memory_space<vmem_shared>> -> memref<640xf32, #tpu.memory_space<vmem_shared>>
      tpu.wait_dma2 semaphore(%run_scoped3A : memref<!tpu.dma_semaphore, #tpu.memory_space<semaphore_mem>>) src(%dma_wait3A_151 : memref<640xf32, #tpu.memory_space<vmem_shared>>) dst(%arg14 : memref<640xf32, #tpu.memory_space<vmem>>)
      tpu.yield
    }) : () -> ()
    %mul3A_143 = arith.constant 10240 : i32
    %mul3A_144 = arith.muli %arg0, %mul3A_143 : i32
    %mul3A_145 = arith.constant 640 : i32
    %mul3A_146 = arith.muli %arg1, %mul3A_145 : i32
    %add3A_147 = arith.addi %mul3A_144, %mul3A_146 : i32
    "tpu.region"() ({
      %run_scoped3A = tpu.sem_alloc : memref<!tpu.dma_semaphore, #tpu.memory_space<semaphore_mem>>
      %dma_start3A_148 = tpu.memref_slice %arg5[%add3A_147] : memref<20480xf32, #tpu.memory_space<hbm>> -> memref<640xf32, #tpu.memory_space<hbm>>
      %dma_start3A_149 = tpu.memref_slice %arg5[%add3A_147] : memref<20480xf32, #tpu.memory_space<hbm>> -> memref<640xf32, #tpu.memory_space<hbm>>
      tpu.enqueue_dma source(%arg14 : memref<640xf32, #tpu.memory_space<vmem>>) target(%dma_start3A_149 : memref<640xf32, #tpu.memory_space<hbm>>) target_semaphore(%run_scoped3A : memref<!tpu.dma_semaphore, #tpu.memory_space<semaphore_mem>>)
      %dma_wait3A_150 = tpu.memref_slice %arg5[%add3A_147] : memref<20480xf32, #tpu.memory_space<hbm>> -> memref<640xf32, #tpu.memory_space<hbm>>
      %dma_wait3A_151 = tpu.memref_slice %arg5[%add3A_147] : memref<20480xf32, #tpu.memory_space<hbm>> -> memref<640xf32, #tpu.memory_space<hbm>>
      tpu.wait_dma2 semaphore(%run_scoped3A : memref<!tpu.dma_semaphore, #tpu.memory_space<semaphore_mem>>) src(%arg14 : memref<640xf32, #tpu.memory_space<vmem>>) dst(%dma_wait3A_151 : memref<640xf32, #tpu.memory_space<hbm>>)
      tpu.yield
    }) : () -> ()
    return
  }
}

#map = affine_map<(d0, d1) -> (0, 0)>
#map1 = affine_map<(d0, d1) -> (0, 0, 0)>
module attributes {stable_mosaic.version = 14 : i64} {
  func.func @_sc_conv2(%arg0: i32, %arg1: i32, %arg2: memref<20000x128xf32, #tpu.memory_space<hbm>>, %arg3: memref<2x320000xi32, #tpu.memory_space<hbm>>, %arg4: memref<2x10000x128xf32, #tpu.memory_space<hbm>>, %arg5: memref<2x128xi32, #tpu.memory_space<vmem>>, %arg6: memref<2x128xi32, #tpu.memory_space<vmem>>, %arg7: memref<2x128xi32, #tpu.memory_space<vmem>>, %arg8: memref<2x128xi32, #tpu.memory_space<vmem>>, %arg9: memref<128x128xf32, #tpu.memory_space<vmem>>, %arg10: memref<128x128xf32, #tpu.memory_space<vmem>>, %arg11: memref<48x128xf32, #tpu.memory_space<vmem>>, %arg12: memref<10000x128xf32, #tpu.memory_space<vmem_shared>>, %arg13: memref<!tpu.dma_semaphore, #tpu.memory_space<semaphore_mem>>, %arg14: memref<!tpu.dma_semaphore, #tpu.memory_space<semaphore_mem>>, %arg15: memref<!tpu.dma_semaphore, #tpu.memory_space<semaphore_mem>>, %arg16: memref<!tpu.dma_semaphore, #tpu.memory_space<semaphore_mem>>, %arg17: memref<!tpu.dma_semaphore, #tpu.memory_space<semaphore_mem>>, %arg18: memref<!tpu.dma_semaphore, #tpu.memory_space<semaphore_mem>>, %arg19: memref<!tpu.dma_semaphore, #tpu.memory_space<semaphore_mem>>, %arg20: memref<!tpu.dma_semaphore, #tpu.memory_space<semaphore_mem>>) attributes {dimension_semantics = [#tpu.dimension_semantics<core_parallel>, #tpu.dimension_semantics<subcore_parallel>], iteration_bounds = array<i64: 2, 16>, scalar_prefetch = 0 : i64, scratch_operands = 16 : i64, tpu.core_type = #tpu.core_type<sc_vector_subcore>, window_params = [{transform_indices = #map}, {transform_indices = #map}, {transform_indices = #map1}]} {
    %lt3A = arith.constant 4 : i32
    %lt3A_0 = arith.cmpi slt, %arg1, %lt3A : i32
    %convert_element_type3A = arith.extui %lt3A_0 : i1 to i32
    %add3A = arith.constant 156 : i32
    %add3A_1 = arith.addi %add3A, %convert_element_type3A : i32
    %mul3A = arith.constant 10000 : i32
    %mul3A_2 = arith.muli %arg0, %mul3A : i32
    %add3A_3 = arith.constant 0 : i32
    %add3A_4 = arith.addi %arg1, %add3A_3 : i32
    %mul3A_5 = arith.constant 128 : i32
    %mul3A_6 = arith.muli %add3A_4, %mul3A_5 : i32
    %dma_start3A = arith.constant 0 : i32
    %dma_start3A_7 = tpu.memref_slice %arg3[%dma_start3A, %mul3A_6] : memref<2x320000xi32, #tpu.memory_space<hbm>> -> memref<2x128xi32, #tpu.memory_space<hbm>>
    %dma_start3A_8 = arith.constant 0 : i32
    %dma_start3A_9 = tpu.memref_slice %arg3[%dma_start3A_8, %mul3A_6] : memref<2x320000xi32, #tpu.memory_space<hbm>> -> memref<2x128xi32, #tpu.memory_space<hbm>>
    tpu.enqueue_dma source(%dma_start3A_9 : memref<2x128xi32, #tpu.memory_space<hbm>>) target(%arg5 : memref<2x128xi32, #tpu.memory_space<vmem>>) target_semaphore(%arg13 : memref<!tpu.dma_semaphore, #tpu.memory_space<semaphore_mem>>)
    %add3A_10 = arith.constant 16 : i32
    %add3A_11 = arith.addi %arg1, %add3A_10 : i32
    %mul3A_12 = arith.constant 128 : i32
    %mul3A_13 = arith.muli %add3A_11, %mul3A_12 : i32
    %dma_start3A_14 = arith.constant 0 : i32
    %dma_start3A_15 = tpu.memref_slice %arg3[%dma_start3A_14, %mul3A_13] : memref<2x320000xi32, #tpu.memory_space<hbm>> -> memref<2x128xi32, #tpu.memory_space<hbm>>
    %dma_start3A_16 = arith.constant 0 : i32
    %dma_start3A_17 = tpu.memref_slice %arg3[%dma_start3A_16, %mul3A_13] : memref<2x320000xi32, #tpu.memory_space<hbm>> -> memref<2x128xi32, #tpu.memory_space<hbm>>
    tpu.enqueue_dma source(%dma_start3A_17 : memref<2x128xi32, #tpu.memory_space<hbm>>) target(%arg6 : memref<2x128xi32, #tpu.memory_space<vmem>>) target_semaphore(%arg14 : memref<!tpu.dma_semaphore, #tpu.memory_space<semaphore_mem>>)
    %dma_wait3A = arith.constant 0 : i32
    %dma_wait3A_18 = arith.constant 0 : i32
    %dma_wait3A_19 = tpu.memref_slice %arg3[%dma_wait3A, %dma_wait3A_18] : memref<2x320000xi32, #tpu.memory_space<hbm>> -> memref<2x128xi32, #tpu.memory_space<hbm>>
    %dma_wait3A_20 = arith.constant 0 : i32
    %dma_wait3A_21 = arith.constant 0 : i32
    %dma_wait3A_22 = tpu.memref_slice %arg3[%dma_wait3A_20, %dma_wait3A_21] : memref<2x320000xi32, #tpu.memory_space<hbm>> -> memref<2x128xi32, #tpu.memory_space<hbm>>
    tpu.wait_dma2 semaphore(%arg13 : memref<!tpu.dma_semaphore, #tpu.memory_space<semaphore_mem>>) src(%dma_wait3A_22 : memref<2x128xi32, #tpu.memory_space<hbm>>) dst(%arg5 : memref<2x128xi32, #tpu.memory_space<vmem>>)
    %scan3A = arith.constant 0 : i32
    %scan3A_23 = arith.constant 0 : i32
    %scan3A_24 = arith.constant 8 : i32
    %scan3A_25 = arith.addi %scan3A_23, %scan3A_24 : i32
    %scan3A_26 = arith.constant 1 : i32
    scf.for %scan3A_124 = %scan3A_23 to %scan3A_25 step %scan3A_26  : i32 {
      %mul3A_125 = arith.constant 16 : i32
      %mul3A_126 = arith.muli %scan3A_124, %mul3A_125 : i32
      %get3A = arith.constant 0 : i32
      %get3A_127 = arith.index_cast %get3A : i32 to index
      %get3A_128 = arith.index_cast %mul3A_126 : i32 to index
      %get3A_129 = tpu.vector_load %arg5[%get3A_127, %get3A_128] {strides = array<i32>} : memref<2x128xi32, #tpu.memory_space<vmem>>, vector<1x16xi32>,
      %get3A_130 = vector.shape_cast %get3A_129 : vector<1x16xi32> to vector<16xi32>
      %add3A_131 = vector.broadcast %mul3A_2 : i32 to vector<16xi32>
      %add3A_132 = arith.addi %get3A_130, %add3A_131 : vector<16xi32>
      %mul3A_133 = arith.constant 16 : i32
      %mul3A_134 = arith.muli %scan3A_124, %mul3A_133 : i32
      %swap3A = arith.constant 0 : i32
      %swap3A_135 = arith.index_cast %swap3A : i32 to index
      %swap3A_136 = arith.index_cast %mul3A_134 : i32 to index
      %swap3A_137 = tpu.vector_load %arg5[%swap3A_135, %swap3A_136] {strides = array<i32>} : memref<2x128xi32, #tpu.memory_space<vmem>>, vector<1x16xi32>,
      %swap3A_138 = vector.shape_cast %swap3A_137 : vector<1x16xi32> to vector<16xi32>
      %swap3A_139 = vector.shape_cast %add3A_132 : vector<16xi32> to vector<1x16xi32>
      tpu.vector_store %arg5[%swap3A_135, %swap3A_136], %swap3A_139 {strides = array<i32>} : memref<2x128xi32, #tpu.memory_space<vmem>>, vector<1x16xi32>,
    }
    %scan3A_27 = arith.constant 8 : i32
    %dma_start3A_28 = arith.constant 0 : i32
    %dma_start3A_29 = arith.constant 0 : i32
    %dma_start3A_30 = tpu.memref_slice %arg5[%dma_start3A_28, %dma_start3A_29] : memref<2x128xi32, #tpu.memory_space<vmem>> -> memref<1x128xi32, #tpu.memory_space<vmem>>
    %dma_start3A_31 = tpu.memref_squeeze %dma_start3A_30 : memref<1x128xi32, #tpu.memory_space<vmem>> -> memref<128xi32, #tpu.memory_space<vmem>>
    %dma_start3A_32 = arith.constant 0 : i32
    %dma_start3A_33 = arith.constant 0 : i32
    %dma_start3A_34 = tpu.memref_slice %arg2[%dma_start3A_32, %dma_start3A_33] : memref<20000x128xf32, #tpu.memory_space<hbm>> -> memref<20000x128xf32, #tpu.memory_space<hbm>>
    tpu.enqueue_indirect_dma source(%dma_start3A_34 : memref<20000x128xf32, #tpu.memory_space<hbm>>) target(%arg9 : memref<128x128xf32, #tpu.memory_space<vmem>>) offsets(%dma_start3A_31 : memref<128xi32, #tpu.memory_space<vmem>>) semaphore(%arg17 : memref<!tpu.dma_semaphore, #tpu.memory_space<semaphore_mem>>)
    %scan3A_35 = arith.constant 0 : i32
    %scan3A_36 = arith.constant 0 : i32
    %scan3A_37 = arith.constant 48 : i32
    %scan3A_38 = arith.addi %scan3A_36, %scan3A_37 : i32
    %scan3A_39 = arith.constant 1 : i32
    scf.for %scan3A_124 = %scan3A_36 to %scan3A_38 step %scan3A_39  : i32 {
      %broadcast_in_dim3A = arith.constant 0.000000e+00 : f32
      %broadcast_in_dim3A_125 = vector.broadcast %broadcast_in_dim3A : f32 to vector<16xf32>
      %swap3A = arith.index_cast %scan3A_124 : i32 to index
      %swap3A_126 = arith.constant 0 : index
      %swap3A_127 = tpu.vector_load %arg11[%swap3A, %swap3A_126] {strides = array<i32>} : memref<48x128xf32, #tpu.memory_space<vmem>>, vector<1x16xf32>,
      %swap3A_128 = vector.shape_cast %swap3A_127 : vector<1x16xf32> to vector<16xf32>
      %swap3A_129 = vector.shape_cast %broadcast_in_dim3A_125 : vector<16xf32> to vector<1x16xf32>
      tpu.vector_store %arg11[%swap3A, %swap3A_126], %swap3A_129 {strides = array<i32>} : memref<48x128xf32, #tpu.memory_space<vmem>>, vector<1x16xf32>,
      %broadcast_in_dim3A_130 = arith.constant 0.000000e+00 : f32
      %broadcast_in_dim3A_131 = vector.broadcast %broadcast_in_dim3A_130 : f32 to vector<16xf32>
      %swap3A_132 = arith.index_cast %scan3A_124 : i32 to index
      %swap3A_133 = arith.constant 16 : index
      %swap3A_134 = tpu.vector_load %arg11[%swap3A_132, %swap3A_133] {strides = array<i32>} : memref<48x128xf32, #tpu.memory_space<vmem>>, vector<1x16xf32>,
      %swap3A_135 = vector.shape_cast %swap3A_134 : vector<1x16xf32> to vector<16xf32>
      %swap3A_136 = vector.shape_cast %broadcast_in_dim3A_131 : vector<16xf32> to vector<1x16xf32>
      tpu.vector_store %arg11[%swap3A_132, %swap3A_133], %swap3A_136 {strides = array<i32>} : memref<48x128xf32, #tpu.memory_space<vmem>>, vector<1x16xf32>,
      %broadcast_in_dim3A_137 = arith.constant 0.000000e+00 : f32
      %broadcast_in_dim3A_138 = vector.broadcast %broadcast_in_dim3A_137 : f32 to vector<16xf32>
      %swap3A_139 = arith.index_cast %scan3A_124 : i32 to index
      %swap3A_140 = arith.constant 32 : index
      %swap3A_141 = tpu.vector_load %arg11[%swap3A_139, %swap3A_140] {strides = array<i32>} : memref<48x128xf32, #tpu.memory_space<vmem>>, vector<1x16xf32>,
      %swap3A_142 = vector.shape_cast %swap3A_141 : vector<1x16xf32> to vector<16xf32>
      %swap3A_143 = vector.shape_cast %broadcast_in_dim3A_138 : vector<16xf32> to vector<1x16xf32>
      tpu.vector_store %arg11[%swap3A_139, %swap3A_140], %swap3A_143 {strides = array<i32>} : memref<48x128xf32, #tpu.memory_space<vmem>>, vector<1x16xf32>,
      %broadcast_in_dim3A_144 = arith.constant 0.000000e+00 : f32
      %broadcast_in_dim3A_145 = vector.broadcast %broadcast_in_dim3A_144 : f32 to vector<16xf32>
      %swap3A_146 = arith.index_cast %scan3A_124 : i32 to index
      %swap3A_147 = arith.constant 48 : index
      %swap3A_148 = tpu.vector_load %arg11[%swap3A_146, %swap3A_147] {strides = array<i32>} : memref<48x128xf32, #tpu.memory_space<vmem>>, vector<1x16xf32>,
      %swap3A_149 = vector.shape_cast %swap3A_148 : vector<1x16xf32> to vector<16xf32>
      %swap3A_150 = vector.shape_cast %broadcast_in_dim3A_145 : vector<16xf32> to vector<1x16xf32>
      tpu.vector_store %arg11[%swap3A_146, %swap3A_147], %swap3A_150 {strides = array<i32>} : memref<48x128xf32, #tpu.memory_space<vmem>>, vector<1x16xf32>,
      %broadcast_in_dim3A_151 = arith.constant 0.000000e+00 : f32
      %broadcast_in_dim3A_152 = vector.broadcast %broadcast_in_dim3A_151 : f32 to vector<16xf32>
      %swap3A_153 = arith.index_cast %scan3A_124 : i32 to index
      %swap3A_154 = arith.constant 64 : index
      %swap3A_155 = tpu.vector_load %arg11[%swap3A_153, %swap3A_154] {strides = array<i32>} : memref<48x128xf32, #tpu.memory_space<vmem>>, vector<1x16xf32>,
      %swap3A_156 = vector.shape_cast %swap3A_155 : vector<1x16xf32> to vector<16xf32>
      %swap3A_157 = vector.shape_cast %broadcast_in_dim3A_152 : vector<16xf32> to vector<1x16xf32>
      tpu.vector_store %arg11[%swap3A_153, %swap3A_154], %swap3A_157 {strides = array<i32>} : memref<48x128xf32, #tpu.memory_space<vmem>>, vector<1x16xf32>,
      %broadcast_in_dim3A_158 = arith.constant 0.000000e+00 : f32
      %broadcast_in_dim3A_159 = vector.broadcast %broadcast_in_dim3A_158 : f32 to vector<16xf32>
      %swap3A_160 = arith.index_cast %scan3A_124 : i32 to index
      %swap3A_161 = arith.constant 80 : index
      %swap3A_162 = tpu.vector_load %arg11[%swap3A_160, %swap3A_161] {strides = array<i32>} : memref<48x128xf32, #tpu.memory_space<vmem>>, vector<1x16xf32>,
      %swap3A_163 = vector.shape_cast %swap3A_162 : vector<1x16xf32> to vector<16xf32>
      %swap3A_164 = vector.shape_cast %broadcast_in_dim3A_159 : vector<16xf32> to vector<1x16xf32>
      tpu.vector_store %arg11[%swap3A_160, %swap3A_161], %swap3A_164 {strides = array<i32>} : memref<48x128xf32, #tpu.memory_space<vmem>>, vector<1x16xf32>,
      %broadcast_in_dim3A_165 = arith.constant 0.000000e+00 : f32
      %broadcast_in_dim3A_166 = vector.broadcast %broadcast_in_dim3A_165 : f32 to vector<16xf32>
      %swap3A_167 = arith.index_cast %scan3A_124 : i32 to index
      %swap3A_168 = arith.constant 96 : index
      %swap3A_169 = tpu.vector_load %arg11[%swap3A_167, %swap3A_168] {strides = array<i32>} : memref<48x128xf32, #tpu.memory_space<vmem>>, vector<1x16xf32>,
      %swap3A_170 = vector.shape_cast %swap3A_169 : vector<1x16xf32> to vector<16xf32>
      %swap3A_171 = vector.shape_cast %broadcast_in_dim3A_166 : vector<16xf32> to vector<1x16xf32>
      tpu.vector_store %arg11[%swap3A_167, %swap3A_168], %swap3A_171 {strides = array<i32>} : memref<48x128xf32, #tpu.memory_space<vmem>>, vector<1x16xf32>,
      %broadcast_in_dim3A_172 = arith.constant 0.000000e+00 : f32
      %broadcast_in_dim3A_173 = vector.broadcast %broadcast_in_dim3A_172 : f32 to vector<16xf32>
      %swap3A_174 = arith.index_cast %scan3A_124 : i32 to index
      %swap3A_175 = arith.constant 112 : index
      %swap3A_176 = tpu.vector_load %arg11[%swap3A_174, %swap3A_175] {strides = array<i32>} : memref<48x128xf32, #tpu.memory_space<vmem>>, vector<1x16xf32>,
      %swap3A_177 = vector.shape_cast %swap3A_176 : vector<1x16xf32> to vector<16xf32>
      %swap3A_178 = vector.shape_cast %broadcast_in_dim3A_173 : vector<16xf32> to vector<1x16xf32>
      tpu.vector_store %arg11[%swap3A_174, %swap3A_175], %swap3A_178 {strides = array<i32>} : memref<48x128xf32, #tpu.memory_space<vmem>>, vector<1x16xf32>,
    }
    %scan3A_40 = arith.constant 48 : i32
    %mul3A_41 = arith.constant 624 : i32
    %mul3A_42 = arith.muli %arg1, %mul3A_41 : i32
    %add3A_43 = arith.constant 0 : i32
    %add3A_44 = arith.addi %mul3A_42, %add3A_43 : i32
    "tpu.region"() ({
      %run_scoped3A = tpu.sem_alloc : memref<!tpu.dma_semaphore, #tpu.memory_space<semaphore_mem>>
      %dma_start3A_124 = arith.constant 0 : i32
      %dma_start3A_125 = tpu.memref_slice %arg12[%add3A_44, %dma_start3A_124] : memref<10000x128xf32, #tpu.memory_space<vmem_shared>> -> memref<48x128xf32, #tpu.memory_space<vmem_shared>>
      %dma_start3A_126 = arith.constant 0 : i32
      %dma_start3A_127 = tpu.memref_slice %arg12[%add3A_44, %dma_start3A_126] : memref<10000x128xf32, #tpu.memory_space<vmem_shared>> -> memref<48x128xf32, #tpu.memory_space<vmem_shared>>
      tpu.enqueue_dma source(%arg11 : memref<48x128xf32, #tpu.memory_space<vmem>>) target(%dma_start3A_127 : memref<48x128xf32, #tpu.memory_space<vmem_shared>>) target_semaphore(%run_scoped3A : memref<!tpu.dma_semaphore, #tpu.memory_space<semaphore_mem>>)
      %dma_wait3A_128 = arith.constant 0 : i32
      %dma_wait3A_129 = tpu.memref_slice %arg12[%add3A_44, %dma_wait3A_128] : memref<10000x128xf32, #tpu.memory_space<vmem_shared>> -> memref<48x128xf32, #tpu.memory_space<vmem_shared>>
      %dma_wait3A_130 = arith.constant 0 : i32
      %dma_wait3A_131 = tpu.memref_slice %arg12[%add3A_44, %dma_wait3A_130] : memref<10000x128xf32, #tpu.memory_space<vmem_shared>> -> memref<48x128xf32, #tpu.memory_space<vmem_shared>>
      tpu.wait_dma2 semaphore(%run_scoped3A : memref<!tpu.dma_semaphore, #tpu.memory_space<semaphore_mem>>) src(%arg11 : memref<48x128xf32, #tpu.memory_space<vmem>>) dst(%dma_wait3A_131 : memref<48x128xf32, #tpu.memory_space<vmem_shared>>)
      tpu.yield
    }) : () -> ()
    %mul3A_45 = arith.constant 624 : i32
    %mul3A_46 = arith.muli %arg1, %mul3A_45 : i32
    %add3A_47 = arith.constant 48 : i32
    %add3A_48 = arith.addi %mul3A_46, %add3A_47 : i32
    "tpu.region"() ({
      %run_scoped3A = tpu.sem_alloc : memref<!tpu.dma_semaphore, #tpu.memory_space<semaphore_mem>>
      %dma_start3A_124 = arith.constant 0 : i32
      %dma_start3A_125 = tpu.memref_slice %arg12[%add3A_48, %dma_start3A_124] : memref<10000x128xf32, #tpu.memory_space<vmem_shared>> -> memref<48x128xf32, #tpu.memory_space<vmem_shared>>
      %dma_start3A_126 = arith.constant 0 : i32
      %dma_start3A_127 = tpu.memref_slice %arg12[%add3A_48, %dma_start3A_126] : memref<10000x128xf32, #tpu.memory_space<vmem_shared>> -> memref<48x128xf32, #tpu.memory_space<vmem_shared>>
      tpu.enqueue_dma source(%arg11 : memref<48x128xf32, #tpu.memory_space<vmem>>) target(%dma_start3A_127 : memref<48x128xf32, #tpu.memory_space<vmem_shared>>) target_semaphore(%run_scoped3A : memref<!tpu.dma_semaphore, #tpu.memory_space<semaphore_mem>>)
      %dma_wait3A_128 = arith.constant 0 : i32
      %dma_wait3A_129 = tpu.memref_slice %arg12[%add3A_48, %dma_wait3A_128] : memref<10000x128xf32, #tpu.memory_space<vmem_shared>> -> memref<48x128xf32, #tpu.memory_space<vmem_shared>>
      %dma_wait3A_130 = arith.constant 0 : i32
      %dma_wait3A_131 = tpu.memref_slice %arg12[%add3A_48, %dma_wait3A_130] : memref<10000x128xf32, #tpu.memory_space<vmem_shared>> -> memref<48x128xf32, #tpu.memory_space<vmem_shared>>
      tpu.wait_dma2 semaphore(%run_scoped3A : memref<!tpu.dma_semaphore, #tpu.memory_space<semaphore_mem>>) src(%arg11 : memref<48x128xf32, #tpu.memory_space<vmem>>) dst(%dma_wait3A_131 : memref<48x128xf32, #tpu.memory_space<vmem_shared>>)
      tpu.yield
    }) : () -> ()
    %mul3A_49 = arith.constant 624 : i32
    %mul3A_50 = arith.muli %arg1, %mul3A_49 : i32
    %add3A_51 = arith.constant 96 : i32
    %add3A_52 = arith.addi %mul3A_50, %add3A_51 : i32
    "tpu.region"() ({
      %run_scoped3A = tpu.sem_alloc : memref<!tpu.dma_semaphore, #tpu.memory_space<semaphore_mem>>
      %dma_start3A_124 = arith.constant 0 : i32
      %dma_start3A_125 = tpu.memref_slice %arg12[%add3A_52, %dma_start3A_124] : memref<10000x128xf32, #tpu.memory_space<vmem_shared>> -> memref<48x128xf32, #tpu.memory_space<vmem_shared>>
      %dma_start3A_126 = arith.constant 0 : i32
      %dma_start3A_127 = tpu.memref_slice %arg12[%add3A_52, %dma_start3A_126] : memref<10000x128xf32, #tpu.memory_space<vmem_shared>> -> memref<48x128xf32, #tpu.memory_space<vmem_shared>>
      tpu.enqueue_dma source(%arg11 : memref<48x128xf32, #tpu.memory_space<vmem>>) target(%dma_start3A_127 : memref<48x128xf32, #tpu.memory_space<vmem_shared>>) target_semaphore(%run_scoped3A : memref<!tpu.dma_semaphore, #tpu.memory_space<semaphore_mem>>)
      %dma_wait3A_128 = arith.constant 0 : i32
      %dma_wait3A_129 = tpu.memref_slice %arg12[%add3A_52, %dma_wait3A_128] : memref<10000x128xf32, #tpu.memory_space<vmem_shared>> -> memref<48x128xf32, #tpu.memory_space<vmem_shared>>
      %dma_wait3A_130 = arith.constant 0 : i32
      %dma_wait3A_131 = tpu.memref_slice %arg12[%add3A_52, %dma_wait3A_130] : memref<10000x128xf32, #tpu.memory_space<vmem_shared>> -> memref<48x128xf32, #tpu.memory_space<vmem_shared>>
      tpu.wait_dma2 semaphore(%run_scoped3A : memref<!tpu.dma_semaphore, #tpu.memory_space<semaphore_mem>>) src(%arg11 : memref<48x128xf32, #tpu.memory_space<vmem>>) dst(%dma_wait3A_131 : memref<48x128xf32, #tpu.memory_space<vmem_shared>>)
      tpu.yield
    }) : () -> ()
    %mul3A_53 = arith.constant 624 : i32
    %mul3A_54 = arith.muli %arg1, %mul3A_53 : i32
    %add3A_55 = arith.constant 144 : i32
    %add3A_56 = arith.addi %mul3A_54, %add3A_55 : i32
    "tpu.region"() ({
      %run_scoped3A = tpu.sem_alloc : memref<!tpu.dma_semaphore, #tpu.memory_space<semaphore_mem>>
      %dma_start3A_124 = arith.constant 0 : i32
      %dma_start3A_125 = tpu.memref_slice %arg12[%add3A_56, %dma_start3A_124] : memref<10000x128xf32, #tpu.memory_space<vmem_shared>> -> memref<48x128xf32, #tpu.memory_space<vmem_shared>>
      %dma_start3A_126 = arith.constant 0 : i32
      %dma_start3A_127 = tpu.memref_slice %arg12[%add3A_56, %dma_start3A_126] : memref<10000x128xf32, #tpu.memory_space<vmem_shared>> -> memref<48x128xf32, #tpu.memory_space<vmem_shared>>
      tpu.enqueue_dma source(%arg11 : memref<48x128xf32, #tpu.memory_space<vmem>>) target(%dma_start3A_127 : memref<48x128xf32, #tpu.memory_space<vmem_shared>>) target_semaphore(%run_scoped3A : memref<!tpu.dma_semaphore, #tpu.memory_space<semaphore_mem>>)
      %dma_wait3A_128 = arith.constant 0 : i32
      %dma_wait3A_129 = tpu.memref_slice %arg12[%add3A_56, %dma_wait3A_128] : memref<10000x128xf32, #tpu.memory_space<vmem_shared>> -> memref<48x128xf32, #tpu.memory_space<vmem_shared>>
      %dma_wait3A_130 = arith.constant 0 : i32
      %dma_wait3A_131 = tpu.memref_slice %arg12[%add3A_56, %dma_wait3A_130] : memref<10000x128xf32, #tpu.memory_space<vmem_shared>> -> memref<48x128xf32, #tpu.memory_space<vmem_shared>>
      tpu.wait_dma2 semaphore(%run_scoped3A : memref<!tpu.dma_semaphore, #tpu.memory_space<semaphore_mem>>) src(%arg11 : memref<48x128xf32, #tpu.memory_space<vmem>>) dst(%dma_wait3A_131 : memref<48x128xf32, #tpu.memory_space<vmem_shared>>)
      tpu.yield
    }) : () -> ()
    %mul3A_57 = arith.constant 624 : i32
    %mul3A_58 = arith.muli %arg1, %mul3A_57 : i32
    %add3A_59 = arith.constant 192 : i32
    %add3A_60 = arith.addi %mul3A_58, %add3A_59 : i32
    "tpu.region"() ({
      %run_scoped3A = tpu.sem_alloc : memref<!tpu.dma_semaphore, #tpu.memory_space<semaphore_mem>>
      %dma_start3A_124 = arith.constant 0 : i32
      %dma_start3A_125 = tpu.memref_slice %arg12[%add3A_60, %dma_start3A_124] : memref<10000x128xf32, #tpu.memory_space<vmem_shared>> -> memref<48x128xf32, #tpu.memory_space<vmem_shared>>
      %dma_start3A_126 = arith.constant 0 : i32
      %dma_start3A_127 = tpu.memref_slice %arg12[%add3A_60, %dma_start3A_126] : memref<10000x128xf32, #tpu.memory_space<vmem_shared>> -> memref<48x128xf32, #tpu.memory_space<vmem_shared>>
      tpu.enqueue_dma source(%arg11 : memref<48x128xf32, #tpu.memory_space<vmem>>) target(%dma_start3A_127 : memref<48x128xf32, #tpu.memory_space<vmem_shared>>) target_semaphore(%run_scoped3A : memref<!tpu.dma_semaphore, #tpu.memory_space<semaphore_mem>>)
      %dma_wait3A_128 = arith.constant 0 : i32
      %dma_wait3A_129 = tpu.memref_slice %arg12[%add3A_60, %dma_wait3A_128] : memref<10000x128xf32, #tpu.memory_space<vmem_shared>> -> memref<48x128xf32, #tpu.memory_space<vmem_shared>>
      %dma_wait3A_130 = arith.constant 0 : i32
      %dma_wait3A_131 = tpu.memref_slice %arg12[%add3A_60, %dma_wait3A_130] : memref<10000x128xf32, #tpu.memory_space<vmem_shared>> -> memref<48x128xf32, #tpu.memory_space<vmem_shared>>
      tpu.wait_dma2 semaphore(%run_scoped3A : memref<!tpu.dma_semaphore, #tpu.memory_space<semaphore_mem>>) src(%arg11 : memref<48x128xf32, #tpu.memory_space<vmem>>) dst(%dma_wait3A_131 : memref<48x128xf32, #tpu.memory_space<vmem_shared>>)
      tpu.yield
    }) : () -> ()
    %mul3A_61 = arith.constant 624 : i32
    %mul3A_62 = arith.muli %arg1, %mul3A_61 : i32
    %add3A_63 = arith.constant 240 : i32
    %add3A_64 = arith.addi %mul3A_62, %add3A_63 : i32
    "tpu.region"() ({
      %run_scoped3A = tpu.sem_alloc : memref<!tpu.dma_semaphore, #tpu.memory_space<semaphore_mem>>
      %dma_start3A_124 = arith.constant 0 : i32
      %dma_start3A_125 = tpu.memref_slice %arg12[%add3A_64, %dma_start3A_124] : memref<10000x128xf32, #tpu.memory_space<vmem_shared>> -> memref<48x128xf32, #tpu.memory_space<vmem_shared>>
      %dma_start3A_126 = arith.constant 0 : i32
      %dma_start3A_127 = tpu.memref_slice %arg12[%add3A_64, %dma_start3A_126] : memref<10000x128xf32, #tpu.memory_space<vmem_shared>> -> memref<48x128xf32, #tpu.memory_space<vmem_shared>>
      tpu.enqueue_dma source(%arg11 : memref<48x128xf32, #tpu.memory_space<vmem>>) target(%dma_start3A_127 : memref<48x128xf32, #tpu.memory_space<vmem_shared>>) target_semaphore(%run_scoped3A : memref<!tpu.dma_semaphore, #tpu.memory_space<semaphore_mem>>)
      %dma_wait3A_128 = arith.constant 0 : i32
      %dma_wait3A_129 = tpu.memref_slice %arg12[%add3A_64, %dma_wait3A_128] : memref<10000x128xf32, #tpu.memory_space<vmem_shared>> -> memref<48x128xf32, #tpu.memory_space<vmem_shared>>
      %dma_wait3A_130 = arith.constant 0 : i32
      %dma_wait3A_131 = tpu.memref_slice %arg12[%add3A_64, %dma_wait3A_130] : memref<10000x128xf32, #tpu.memory_space<vmem_shared>> -> memref<48x128xf32, #tpu.memory_space<vmem_shared>>
      tpu.wait_dma2 semaphore(%run_scoped3A : memref<!tpu.dma_semaphore, #tpu.memory_space<semaphore_mem>>) src(%arg11 : memref<48x128xf32, #tpu.memory_space<vmem>>) dst(%dma_wait3A_131 : memref<48x128xf32, #tpu.memory_space<vmem_shared>>)
      tpu.yield
    }) : () -> ()
    %mul3A_65 = arith.constant 624 : i32
    %mul3A_66 = arith.muli %arg1, %mul3A_65 : i32
    %add3A_67 = arith.constant 288 : i32
    %add3A_68 = arith.addi %mul3A_66, %add3A_67 : i32
    "tpu.region"() ({
      %run_scoped3A = tpu.sem_alloc : memref<!tpu.dma_semaphore, #tpu.memory_space<semaphore_mem>>
      %dma_start3A_124 = arith.constant 0 : i32
      %dma_start3A_125 = tpu.memref_slice %arg12[%add3A_68, %dma_start3A_124] : memref<10000x128xf32, #tpu.memory_space<vmem_shared>> -> memref<48x128xf32, #tpu.memory_space<vmem_shared>>
      %dma_start3A_126 = arith.constant 0 : i32
      %dma_start3A_127 = tpu.memref_slice %arg12[%add3A_68, %dma_start3A_126] : memref<10000x128xf32, #tpu.memory_space<vmem_shared>> -> memref<48x128xf32, #tpu.memory_space<vmem_shared>>
      tpu.enqueue_dma source(%arg11 : memref<48x128xf32, #tpu.memory_space<vmem>>) target(%dma_start3A_127 : memref<48x128xf32, #tpu.memory_space<vmem_shared>>) target_semaphore(%run_scoped3A : memref<!tpu.dma_semaphore, #tpu.memory_space<semaphore_mem>>)
      %dma_wait3A_128 = arith.constant 0 : i32
      %dma_wait3A_129 = tpu.memref_slice %arg12[%add3A_68, %dma_wait3A_128] : memref<10000x128xf32, #tpu.memory_space<vmem_shared>> -> memref<48x128xf32, #tpu.memory_space<vmem_shared>>
      %dma_wait3A_130 = arith.constant 0 : i32
      %dma_wait3A_131 = tpu.memref_slice %arg12[%add3A_68, %dma_wait3A_130] : memref<10000x128xf32, #tpu.memory_space<vmem_shared>> -> memref<48x128xf32, #tpu.memory_space<vmem_shared>>
      tpu.wait_dma2 semaphore(%run_scoped3A : memref<!tpu.dma_semaphore, #tpu.memory_space<semaphore_mem>>) src(%arg11 : memref<48x128xf32, #tpu.memory_space<vmem>>) dst(%dma_wait3A_131 : memref<48x128xf32, #tpu.memory_space<vmem_shared>>)
      tpu.yield
    }) : () -> ()
    %mul3A_69 = arith.constant 624 : i32
    %mul3A_70 = arith.muli %arg1, %mul3A_69 : i32
    %add3A_71 = arith.constant 336 : i32
    %add3A_72 = arith.addi %mul3A_70, %add3A_71 : i32
    "tpu.region"() ({
      %run_scoped3A = tpu.sem_alloc : memref<!tpu.dma_semaphore, #tpu.memory_space<semaphore_mem>>
      %dma_start3A_124 = arith.constant 0 : i32
      %dma_start3A_125 = tpu.memref_slice %arg12[%add3A_72, %dma_start3A_124] : memref<10000x128xf32, #tpu.memory_space<vmem_shared>> -> memref<48x128xf32, #tpu.memory_space<vmem_shared>>
      %dma_start3A_126 = arith.constant 0 : i32
      %dma_start3A_127 = tpu.memref_slice %arg12[%add3A_72, %dma_start3A_126] : memref<10000x128xf32, #tpu.memory_space<vmem_shared>> -> memref<48x128xf32, #tpu.memory_space<vmem_shared>>
      tpu.enqueue_dma source(%arg11 : memref<48x128xf32, #tpu.memory_space<vmem>>) target(%dma_start3A_127 : memref<48x128xf32, #tpu.memory_space<vmem_shared>>) target_semaphore(%run_scoped3A : memref<!tpu.dma_semaphore, #tpu.memory_space<semaphore_mem>>)
      %dma_wait3A_128 = arith.constant 0 : i32
      %dma_wait3A_129 = tpu.memref_slice %arg12[%add3A_72, %dma_wait3A_128] : memref<10000x128xf32, #tpu.memory_space<vmem_shared>> -> memref<48x128xf32, #tpu.memory_space<vmem_shared>>
      %dma_wait3A_130 = arith.constant 0 : i32
      %dma_wait3A_131 = tpu.memref_slice %arg12[%add3A_72, %dma_wait3A_130] : memref<10000x128xf32, #tpu.memory_space<vmem_shared>> -> memref<48x128xf32, #tpu.memory_space<vmem_shared>>
      tpu.wait_dma2 semaphore(%run_scoped3A : memref<!tpu.dma_semaphore, #tpu.memory_space<semaphore_mem>>) src(%arg11 : memref<48x128xf32, #tpu.memory_space<vmem>>) dst(%dma_wait3A_131 : memref<48x128xf32, #tpu.memory_space<vmem_shared>>)
      tpu.yield
    }) : () -> ()
    %mul3A_73 = arith.constant 624 : i32
    %mul3A_74 = arith.muli %arg1, %mul3A_73 : i32
    %add3A_75 = arith.constant 384 : i32
    %add3A_76 = arith.addi %mul3A_74, %add3A_75 : i32
    "tpu.region"() ({
      %run_scoped3A = tpu.sem_alloc : memref<!tpu.dma_semaphore, #tpu.memory_space<semaphore_mem>>
      %dma_start3A_124 = arith.constant 0 : i32
      %dma_start3A_125 = tpu.memref_slice %arg12[%add3A_76, %dma_start3A_124] : memref<10000x128xf32, #tpu.memory_space<vmem_shared>> -> memref<48x128xf32, #tpu.memory_space<vmem_shared>>
      %dma_start3A_126 = arith.constant 0 : i32
      %dma_start3A_127 = tpu.memref_slice %arg12[%add3A_76, %dma_start3A_126] : memref<10000x128xf32, #tpu.memory_space<vmem_shared>> -> memref<48x128xf32, #tpu.memory_space<vmem_shared>>
      tpu.enqueue_dma source(%arg11 : memref<48x128xf32, #tpu.memory_space<vmem>>) target(%dma_start3A_127 : memref<48x128xf32, #tpu.memory_space<vmem_shared>>) target_semaphore(%run_scoped3A : memref<!tpu.dma_semaphore, #tpu.memory_space<semaphore_mem>>)
      %dma_wait3A_128 = arith.constant 0 : i32
      %dma_wait3A_129 = tpu.memref_slice %arg12[%add3A_76, %dma_wait3A_128] : memref<10000x128xf32, #tpu.memory_space<vmem_shared>> -> memref<48x128xf32, #tpu.memory_space<vmem_shared>>
      %dma_wait3A_130 = arith.constant 0 : i32
      %dma_wait3A_131 = tpu.memref_slice %arg12[%add3A_76, %dma_wait3A_130] : memref<10000x128xf32, #tpu.memory_space<vmem_shared>> -> memref<48x128xf32, #tpu.memory_space<vmem_shared>>
      tpu.wait_dma2 semaphore(%run_scoped3A : memref<!tpu.dma_semaphore, #tpu.memory_space<semaphore_mem>>) src(%arg11 : memref<48x128xf32, #tpu.memory_space<vmem>>) dst(%dma_wait3A_131 : memref<48x128xf32, #tpu.memory_space<vmem_shared>>)
      tpu.yield
    }) : () -> ()
    %mul3A_77 = arith.constant 624 : i32
    %mul3A_78 = arith.muli %arg1, %mul3A_77 : i32
    %add3A_79 = arith.constant 432 : i32
    %add3A_80 = arith.addi %mul3A_78, %add3A_79 : i32
    "tpu.region"() ({
      %run_scoped3A = tpu.sem_alloc : memref<!tpu.dma_semaphore, #tpu.memory_space<semaphore_mem>>
      %dma_start3A_124 = arith.constant 0 : i32
      %dma_start3A_125 = tpu.memref_slice %arg12[%add3A_80, %dma_start3A_124] : memref<10000x128xf32, #tpu.memory_space<vmem_shared>> -> memref<48x128xf32, #tpu.memory_space<vmem_shared>>
      %dma_start3A_126 = arith.constant 0 : i32
      %dma_start3A_127 = tpu.memref_slice %arg12[%add3A_80, %dma_start3A_126] : memref<10000x128xf32, #tpu.memory_space<vmem_shared>> -> memref<48x128xf32, #tpu.memory_space<vmem_shared>>
      tpu.enqueue_dma source(%arg11 : memref<48x128xf32, #tpu.memory_space<vmem>>) target(%dma_start3A_127 : memref<48x128xf32, #tpu.memory_space<vmem_shared>>) target_semaphore(%run_scoped3A : memref<!tpu.dma_semaphore, #tpu.memory_space<semaphore_mem>>)
      %dma_wait3A_128 = arith.constant 0 : i32
      %dma_wait3A_129 = tpu.memref_slice %arg12[%add3A_80, %dma_wait3A_128] : memref<10000x128xf32, #tpu.memory_space<vmem_shared>> -> memref<48x128xf32, #tpu.memory_space<vmem_shared>>
      %dma_wait3A_130 = arith.constant 0 : i32
      %dma_wait3A_131 = tpu.memref_slice %arg12[%add3A_80, %dma_wait3A_130] : memref<10000x128xf32, #tpu.memory_space<vmem_shared>> -> memref<48x128xf32, #tpu.memory_space<vmem_shared>>
      tpu.wait_dma2 semaphore(%run_scoped3A : memref<!tpu.dma_semaphore, #tpu.memory_space<semaphore_mem>>) src(%arg11 : memref<48x128xf32, #tpu.memory_space<vmem>>) dst(%dma_wait3A_131 : memref<48x128xf32, #tpu.memory_space<vmem_shared>>)
      tpu.yield
    }) : () -> ()
    %mul3A_81 = arith.constant 624 : i32
    %mul3A_82 = arith.muli %arg1, %mul3A_81 : i32
    %add3A_83 = arith.constant 480 : i32
    %add3A_84 = arith.addi %mul3A_82, %add3A_83 : i32
    "tpu.region"() ({
      %run_scoped3A = tpu.sem_alloc : memref<!tpu.dma_semaphore, #tpu.memory_space<semaphore_mem>>
      %dma_start3A_124 = arith.constant 0 : i32
      %dma_start3A_125 = tpu.memref_slice %arg12[%add3A_84, %dma_start3A_124] : memref<10000x128xf32, #tpu.memory_space<vmem_shared>> -> memref<48x128xf32, #tpu.memory_space<vmem_shared>>
      %dma_start3A_126 = arith.constant 0 : i32
      %dma_start3A_127 = tpu.memref_slice %arg12[%add3A_84, %dma_start3A_126] : memref<10000x128xf32, #tpu.memory_space<vmem_shared>> -> memref<48x128xf32, #tpu.memory_space<vmem_shared>>
      tpu.enqueue_dma source(%arg11 : memref<48x128xf32, #tpu.memory_space<vmem>>) target(%dma_start3A_127 : memref<48x128xf32, #tpu.memory_space<vmem_shared>>) target_semaphore(%run_scoped3A : memref<!tpu.dma_semaphore, #tpu.memory_space<semaphore_mem>>)
      %dma_wait3A_128 = arith.constant 0 : i32
      %dma_wait3A_129 = tpu.memref_slice %arg12[%add3A_84, %dma_wait3A_128] : memref<10000x128xf32, #tpu.memory_space<vmem_shared>> -> memref<48x128xf32, #tpu.memory_space<vmem_shared>>
      %dma_wait3A_130 = arith.constant 0 : i32
      %dma_wait3A_131 = tpu.memref_slice %arg12[%add3A_84, %dma_wait3A_130] : memref<10000x128xf32, #tpu.memory_space<vmem_shared>> -> memref<48x128xf32, #tpu.memory_space<vmem_shared>>
      tpu.wait_dma2 semaphore(%run_scoped3A : memref<!tpu.dma_semaphore, #tpu.memory_space<semaphore_mem>>) src(%arg11 : memref<48x128xf32, #tpu.memory_space<vmem>>) dst(%dma_wait3A_131 : memref<48x128xf32, #tpu.memory_space<vmem_shared>>)
      tpu.yield
    }) : () -> ()
    %mul3A_85 = arith.constant 624 : i32
    %mul3A_86 = arith.muli %arg1, %mul3A_85 : i32
    %add3A_87 = arith.constant 528 : i32
    %add3A_88 = arith.addi %mul3A_86, %add3A_87 : i32
    "tpu.region"() ({
      %run_scoped3A = tpu.sem_alloc : memref<!tpu.dma_semaphore, #tpu.memory_space<semaphore_mem>>
      %dma_start3A_124 = arith.constant 0 : i32
      %dma_start3A_125 = tpu.memref_slice %arg12[%add3A_88, %dma_start3A_124] : memref<10000x128xf32, #tpu.memory_space<vmem_shared>> -> memref<48x128xf32, #tpu.memory_space<vmem_shared>>
      %dma_start3A_126 = arith.constant 0 : i32
      %dma_start3A_127 = tpu.memref_slice %arg12[%add3A_88, %dma_start3A_126] : memref<10000x128xf32, #tpu.memory_space<vmem_shared>> -> memref<48x128xf32, #tpu.memory_space<vmem_shared>>
      tpu.enqueue_dma source(%arg11 : memref<48x128xf32, #tpu.memory_space<vmem>>) target(%dma_start3A_127 : memref<48x128xf32, #tpu.memory_space<vmem_shared>>) target_semaphore(%run_scoped3A : memref<!tpu.dma_semaphore, #tpu.memory_space<semaphore_mem>>)
      %dma_wait3A_128 = arith.constant 0 : i32
      %dma_wait3A_129 = tpu.memref_slice %arg12[%add3A_88, %dma_wait3A_128] : memref<10000x128xf32, #tpu.memory_space<vmem_shared>> -> memref<48x128xf32, #tpu.memory_space<vmem_shared>>
      %dma_wait3A_130 = arith.constant 0 : i32
      %dma_wait3A_131 = tpu.memref_slice %arg12[%add3A_88, %dma_wait3A_130] : memref<10000x128xf32, #tpu.memory_space<vmem_shared>> -> memref<48x128xf32, #tpu.memory_space<vmem_shared>>
      tpu.wait_dma2 semaphore(%run_scoped3A : memref<!tpu.dma_semaphore, #tpu.memory_space<semaphore_mem>>) src(%arg11 : memref<48x128xf32, #tpu.memory_space<vmem>>) dst(%dma_wait3A_131 : memref<48x128xf32, #tpu.memory_space<vmem_shared>>)
      tpu.yield
    }) : () -> ()
    %mul3A_89 = arith.constant 624 : i32
    %mul3A_90 = arith.muli %arg1, %mul3A_89 : i32
    %add3A_91 = arith.constant 576 : i32
    %add3A_92 = arith.addi %mul3A_90, %add3A_91 : i32
    "tpu.region"() ({
      %run_scoped3A = tpu.sem_alloc : memref<!tpu.dma_semaphore, #tpu.memory_space<semaphore_mem>>
      %dma_start3A_124 = arith.constant 0 : i32
      %dma_start3A_125 = tpu.memref_slice %arg12[%add3A_92, %dma_start3A_124] : memref<10000x128xf32, #tpu.memory_space<vmem_shared>> -> memref<48x128xf32, #tpu.memory_space<vmem_shared>>
      %dma_start3A_126 = arith.constant 0 : i32
      %dma_start3A_127 = tpu.memref_slice %arg12[%add3A_92, %dma_start3A_126] : memref<10000x128xf32, #tpu.memory_space<vmem_shared>> -> memref<48x128xf32, #tpu.memory_space<vmem_shared>>
      tpu.enqueue_dma source(%arg11 : memref<48x128xf32, #tpu.memory_space<vmem>>) target(%dma_start3A_127 : memref<48x128xf32, #tpu.memory_space<vmem_shared>>) target_semaphore(%run_scoped3A : memref<!tpu.dma_semaphore, #tpu.memory_space<semaphore_mem>>)
      %dma_wait3A_128 = arith.constant 0 : i32
      %dma_wait3A_129 = tpu.memref_slice %arg12[%add3A_92, %dma_wait3A_128] : memref<10000x128xf32, #tpu.memory_space<vmem_shared>> -> memref<48x128xf32, #tpu.memory_space<vmem_shared>>
      %dma_wait3A_130 = arith.constant 0 : i32
      %dma_wait3A_131 = tpu.memref_slice %arg12[%add3A_92, %dma_wait3A_130] : memref<10000x128xf32, #tpu.memory_space<vmem_shared>> -> memref<48x128xf32, #tpu.memory_space<vmem_shared>>
      tpu.wait_dma2 semaphore(%run_scoped3A : memref<!tpu.dma_semaphore, #tpu.memory_space<semaphore_mem>>) src(%arg11 : memref<48x128xf32, #tpu.memory_space<vmem>>) dst(%dma_wait3A_131 : memref<48x128xf32, #tpu.memory_space<vmem_shared>>)
      tpu.yield
    }) : () -> ()
    %eq3A = arith.constant 15 : i32
    %eq3A_93 = arith.cmpi eq, %arg1, %eq3A : i32
    %convert_element_type3A_94 = arith.extui %eq3A_93 : i1 to i32
    %cond3A = arith.constant 0 : i32
    %cond3A_95 = arith.cmpi ne, %convert_element_type3A_94, %cond3A : i32
    scf.if %cond3A_95 {
      "tpu.region"() ({
        %run_scoped3A = tpu.sem_alloc : memref<!tpu.dma_semaphore, #tpu.memory_space<semaphore_mem>>
        %dma_start3A_124 = arith.constant 0 : i32
        %dma_start3A_125 = arith.constant 0 : i32
        %dma_start3A_126 = tpu.memref_slice %arg11[%dma_start3A_124, %dma_start3A_125] : memref<48x128xf32, #tpu.memory_space<vmem>> -> memref<16x128xf32, #tpu.memory_space<vmem>>
        %dma_start3A_127 = arith.constant 9984 : i32
        %dma_start3A_128 = arith.constant 0 : i32
        %dma_start3A_129 = tpu.memref_slice %arg12[%dma_start3A_127, %dma_start3A_128] : memref<10000x128xf32, #tpu.memory_space<vmem_shared>> -> memref<16x128xf32, #tpu.memory_space<vmem_shared>>
        %dma_start3A_130 = arith.constant 9984 : i32
        %dma_start3A_131 = arith.constant 0 : i32
        %dma_start3A_132 = tpu.memref_slice %arg12[%dma_start3A_130, %dma_start3A_131] : memref<10000x128xf32, #tpu.memory_space<vmem_shared>> -> memref<16x128xf32, #tpu.memory_space<vmem_shared>>
        %dma_start3A_133 = arith.constant 0 : i32
        %dma_start3A_134 = arith.constant 0 : i32
        %dma_start3A_135 = tpu.memref_slice %arg11[%dma_start3A_133, %dma_start3A_134] : memref<48x128xf32, #tpu.memory_space<vmem>> -> memref<16x128xf32, #tpu.memory_space<vmem>>
        tpu.enqueue_dma source(%dma_start3A_135 : memref<16x128xf32, #tpu.memory_space<vmem>>) target(%dma_start3A_132 : memref<16x128xf32, #tpu.memory_space<vmem_shared>>) target_semaphore(%run_scoped3A : memref<!tpu.dma_semaphore, #tpu.memory_space<semaphore_mem>>)
        %dma_wait3A_136 = arith.constant 0 : i32
        %dma_wait3A_137 = arith.constant 0 : i32
        %dma_wait3A_138 = tpu.memref_slice %arg11[%dma_wait3A_136, %dma_wait3A_137] : memref<48x128xf32, #tpu.memory_space<vmem>> -> memref<16x128xf32, #tpu.memory_space<vmem>>
        %dma_wait3A_139 = arith.constant 9984 : i32
        %dma_wait3A_140 = arith.constant 0 : i32
        %dma_wait3A_141 = tpu.memref_slice %arg12[%dma_wait3A_139, %dma_wait3A_140] : memref<10000x128xf32, #tpu.memory_space<vmem_shared>> -> memref<16x128xf32, #tpu.memory_space<vmem_shared>>
        %dma_wait3A_142 = arith.constant 9984 : i32
        %dma_wait3A_143 = arith.constant 0 : i32
        %dma_wait3A_144 = tpu.memref_slice %arg12[%dma_wait3A_142, %dma_wait3A_143] : memref<10000x128xf32, #tpu.memory_space<vmem_shared>> -> memref<16x128xf32, #tpu.memory_space<vmem_shared>>
        %dma_wait3A_145 = arith.constant 0 : i32
        %dma_wait3A_146 = arith.constant 0 : i32
        %dma_wait3A_147 = tpu.memref_slice %arg11[%dma_wait3A_145, %dma_wait3A_146] : memref<48x128xf32, #tpu.memory_space<vmem>> -> memref<16x128xf32, #tpu.memory_space<vmem>>
        tpu.wait_dma2 semaphore(%run_scoped3A : memref<!tpu.dma_semaphore, #tpu.memory_space<semaphore_mem>>) src(%dma_wait3A_147 : memref<16x128xf32, #tpu.memory_space<vmem>>) dst(%dma_wait3A_144 : memref<16x128xf32, #tpu.memory_space<vmem_shared>>)
        tpu.yield
      }) : () -> ()
    } else {
    }
    %barrier3A = arith.constant 0 : index
    tpu.barrier barrier_id(%barrier3A)
    %scan3A_96 = arith.constant 0 : i32
    %scan3A_97 = arith.constant 0 : i32
    %scan3A_98 = arith.constant 40 : i32
    %scan3A_99 = arith.addi %scan3A_97, %scan3A_98 : i32
    %scan3A_100 = arith.constant 1 : i32
    scf.for %scan3A_124 = %scan3A_97 to %scan3A_99 step %scan3A_100  : i32 {
      %mul3A_125 = arith.constant 4 : i32
      %mul3A_126 = arith.muli %scan3A_124, %mul3A_125 : i32
      %add3A_127 = arith.constant 0 : i32
      %add3A_128 = arith.addi %mul3A_126, %add3A_127 : i32
      %add3A_129 = arith.constant 1 : i32
      %add3A_130 = arith.addi %add3A_128, %add3A_129 : i32
      %lt3A_131 = arith.cmpi slt, %add3A_130, %add3A_1 : i32
      %convert_element_type3A_132 = arith.extui %lt3A_131 : i1 to i32
      %cond3A_133 = arith.constant 0 : i32
      %cond3A_134 = arith.cmpi ne, %convert_element_type3A_132, %cond3A_133 : i32
      scf.if %cond3A_134 {
        %dma_wait3A_205 = arith.constant 0 : i32
        %dma_wait3A_206 = arith.constant 0 : i32
        %dma_wait3A_207 = tpu.memref_slice %arg3[%dma_wait3A_205, %dma_wait3A_206] : memref<2x320000xi32, #tpu.memory_space<hbm>> -> memref<2x128xi32, #tpu.memory_space<hbm>>
        %dma_wait3A_208 = arith.constant 0 : i32
        %dma_wait3A_209 = arith.constant 0 : i32
        %dma_wait3A_210 = tpu.memref_slice %arg3[%dma_wait3A_208, %dma_wait3A_209] : memref<2x320000xi32, #tpu.memory_space<hbm>> -> memref<2x128xi32, #tpu.memory_space<hbm>>
        tpu.wait_dma2 semaphore(%arg14 : memref<!tpu.dma_semaphore, #tpu.memory_space<semaphore_mem>>) src(%dma_wait3A_210 : memref<2x128xi32, #tpu.memory_space<hbm>>) dst(%arg6 : memref<2x128xi32, #tpu.memory_space<vmem>>)
        %ge3A = arith.constant 1 : i32
        %ge3A_211 = arith.cmpi sge, %add3A_128, %ge3A : i32
        %convert_element_type3A_212 = arith.extui %ge3A_211 : i1 to i32
        %cond3A_213 = arith.constant 0 : i32
        %cond3A_214 = arith.cmpi ne, %convert_element_type3A_212, %cond3A_213 : i32
        scf.if %cond3A_214 {
          %dma_wait3A_228 = arith.constant 0 : i32
          %dma_wait3A_229 = arith.constant 0 : i32
          %dma_wait3A_230 = tpu.memref_slice %arg12[%dma_wait3A_228, %dma_wait3A_229] : memref<10000x128xf32, #tpu.memory_space<vmem_shared>> -> memref<128x128xf32, #tpu.memory_space<vmem_shared>>
          %dma_wait3A_231 = arith.constant 0 : i32
          %dma_wait3A_232 = arith.constant 0 : i32
          %dma_wait3A_233 = tpu.memref_slice %arg12[%dma_wait3A_231, %dma_wait3A_232] : memref<10000x128xf32, #tpu.memory_space<vmem_shared>> -> memref<128x128xf32, #tpu.memory_space<vmem_shared>>
          tpu.wait_dma2 semaphore(%arg20 : memref<!tpu.dma_semaphore, #tpu.memory_space<semaphore_mem>>) src(%arg10 : memref<128x128xf32, #tpu.memory_space<vmem>>) dst(%dma_wait3A_233 : memref<128x128xf32, #tpu.memory_space<vmem_shared>>)
        } else {
        }
        %scan3A_215 = arith.constant 0 : i32
        %scan3A_216 = arith.constant 0 : i32
        %scan3A_217 = arith.constant 8 : i32
        %scan3A_218 = arith.addi %scan3A_216, %scan3A_217 : i32
        %scan3A_219 = arith.constant 1 : i32
        scf.for %scan3A_228 = %scan3A_216 to %scan3A_218 step %scan3A_219  : i32 {
          %mul3A_229 = arith.constant 16 : i32
          %mul3A_230 = arith.muli %scan3A_228, %mul3A_229 : i32
          %get3A = arith.constant 0 : i32
          %get3A_231 = arith.index_cast %get3A : i32 to index
          %get3A_232 = arith.index_cast %mul3A_230 : i32 to index
          %get3A_233 = tpu.vector_load %arg6[%get3A_231, %get3A_232] {strides = array<i32>} : memref<2x128xi32, #tpu.memory_space<vmem>>, vector<1x16xi32>,
          %get3A_234 = vector.shape_cast %get3A_233 : vector<1x16xi32> to vector<16xi32>
          %add3A_235 = vector.broadcast %mul3A_2 : i32 to vector<16xi32>
          %add3A_236 = arith.addi %get3A_234, %add3A_235 : vector<16xi32>
          %mul3A_237 = arith.constant 16 : i32
          %mul3A_238 = arith.muli %scan3A_228, %mul3A_237 : i32
          %swap3A = arith.constant 0 : i32
          %swap3A_239 = arith.index_cast %swap3A : i32 to index
          %swap3A_240 = arith.index_cast %mul3A_238 : i32 to index
          %swap3A_241 = tpu.vector_load %arg6[%swap3A_239, %swap3A_240] {strides = array<i32>} : memref<2x128xi32, #tpu.memory_space<vmem>>, vector<1x16xi32>,
          %swap3A_242 = vector.shape_cast %swap3A_241 : vector<1x16xi32> to vector<16xi32>
          %swap3A_243 = vector.shape_cast %add3A_236 : vector<16xi32> to vector<1x16xi32>
          tpu.vector_store %arg6[%swap3A_239, %swap3A_240], %swap3A_243 {strides = array<i32>} : memref<2x128xi32, #tpu.memory_space<vmem>>, vector<1x16xi32>,
        }
        %scan3A_220 = arith.constant 8 : i32
        %dma_start3A_221 = arith.constant 0 : i32
        %dma_start3A_222 = arith.constant 0 : i32
        %dma_start3A_223 = tpu.memref_slice %arg6[%dma_start3A_221, %dma_start3A_222] : memref<2x128xi32, #tpu.memory_space<vmem>> -> memref<1x128xi32, #tpu.memory_space<vmem>>
        %dma_start3A_224 = tpu.memref_squeeze %dma_start3A_223 : memref<1x128xi32, #tpu.memory_space<vmem>> -> memref<128xi32, #tpu.memory_space<vmem>>
        %dma_start3A_225 = arith.constant 0 : i32
        %dma_start3A_226 = arith.constant 0 : i32
        %dma_start3A_227 = tpu.memref_slice %arg2[%dma_start3A_225, %dma_start3A_226] : memref<20000x128xf32, #tpu.memory_space<hbm>> -> memref<20000x128xf32, #tpu.memory_space<hbm>>
        tpu.enqueue_indirect_dma source(%dma_start3A_227 : memref<20000x128xf32, #tpu.memory_space<hbm>>) target(%arg10 : memref<128x128xf32, #tpu.memory_space<vmem>>) offsets(%dma_start3A_224 : memref<128xi32, #tpu.memory_space<vmem>>) semaphore(%arg18 : memref<!tpu.dma_semaphore, #tpu.memory_space<semaphore_mem>>)
      } else {
      }
      %add3A_135 = arith.constant 2 : i32
      %add3A_136 = arith.addi %add3A_128, %add3A_135 : i32
      %lt3A_137 = arith.cmpi slt, %add3A_136, %add3A_1 : i32
      %convert_element_type3A_138 = arith.extui %lt3A_137 : i1 to i32
      %cond3A_139 = arith.constant 0 : i32
      %cond3A_140 = arith.cmpi ne, %convert_element_type3A_138, %cond3A_139 : i32
      scf.if %cond3A_140 {
        %add3A_205 = arith.constant 2 : i32
        %add3A_206 = arith.addi %add3A_128, %add3A_205 : i32
        %mul3A_207 = arith.constant 16 : i32
        %mul3A_208 = arith.muli %add3A_206, %mul3A_207 : i32
        %add3A_209 = arith.addi %arg1, %mul3A_208 : i32
        %mul3A_210 = arith.constant 128 : i32
        %mul3A_211 = arith.muli %add3A_209, %mul3A_210 : i32
        %dma_start3A_212 = arith.constant 0 : i32
        %dma_start3A_213 = tpu.memref_slice %arg3[%dma_start3A_212, %mul3A_211] : memref<2x320000xi32, #tpu.memory_space<hbm>> -> memref<2x128xi32, #tpu.memory_space<hbm>>
        %dma_start3A_214 = arith.constant 0 : i32
        %dma_start3A_215 = tpu.memref_slice %arg3[%dma_start3A_214, %mul3A_211] : memref<2x320000xi32, #tpu.memory_space<hbm>> -> memref<2x128xi32, #tpu.memory_space<hbm>>
        tpu.enqueue_dma source(%dma_start3A_215 : memref<2x128xi32, #tpu.memory_space<hbm>>) target(%arg7 : memref<2x128xi32, #tpu.memory_space<vmem>>) target_semaphore(%arg15 : memref<!tpu.dma_semaphore, #tpu.memory_space<semaphore_mem>>)
      } else {
      }
      %lt3A_141 = arith.cmpi slt, %add3A_128, %add3A_1 : i32
      %convert_element_type3A_142 = arith.extui %lt3A_141 : i1 to i32
      %cond3A_143 = arith.constant 0 : i32
      %cond3A_144 = arith.cmpi ne, %convert_element_type3A_142, %cond3A_143 : i32
      scf.if %cond3A_144 {
        %dma_wait3A_205 = arith.constant 0 : i32
        %dma_wait3A_206 = arith.constant 0 : i32
        %dma_wait3A_207 = tpu.memref_slice %arg2[%dma_wait3A_205, %dma_wait3A_206] : memref<20000x128xf32, #tpu.memory_space<hbm>> -> memref<128x128xf32, #tpu.memory_space<hbm>>
        %dma_wait3A_208 = arith.constant 0 : i32
        %dma_wait3A_209 = arith.constant 0 : i32
        %dma_wait3A_210 = tpu.memref_slice %arg2[%dma_wait3A_208, %dma_wait3A_209] : memref<20000x128xf32, #tpu.memory_space<hbm>> -> memref<128x128xf32, #tpu.memory_space<hbm>>
        tpu.wait_dma2 semaphore(%arg17 : memref<!tpu.dma_semaphore, #tpu.memory_space<semaphore_mem>>) src(%dma_wait3A_210 : memref<128x128xf32, #tpu.memory_space<hbm>>) dst(%arg9 : memref<128x128xf32, #tpu.memory_space<vmem>>)
        %dma_start3A_211 = arith.constant 1 : i32
        %dma_start3A_212 = arith.constant 0 : i32
        %dma_start3A_213 = tpu.memref_slice %arg5[%dma_start3A_211, %dma_start3A_212] : memref<2x128xi32, #tpu.memory_space<vmem>> -> memref<1x128xi32, #tpu.memory_space<vmem>>
        %dma_start3A_214 = tpu.memref_squeeze %dma_start3A_213 : memref<1x128xi32, #tpu.memory_space<vmem>> -> memref<128xi32, #tpu.memory_space<vmem>>
        %dma_start3A_215 = arith.constant 0 : i32
        %dma_start3A_216 = arith.constant 0 : i32
        %dma_start3A_217 = tpu.memref_slice %arg12[%dma_start3A_215, %dma_start3A_216] : memref<10000x128xf32, #tpu.memory_space<vmem_shared>> -> memref<10000x128xf32, #tpu.memory_space<vmem_shared>>
        tpu.enqueue_indirect_dma source(%arg9 : memref<128x128xf32, #tpu.memory_space<vmem>>) target(%dma_start3A_217 : memref<10000x128xf32, #tpu.memory_space<vmem_shared>>) offsets(%dma_start3A_214 : memref<128xi32, #tpu.memory_space<vmem>>) semaphore(%arg19 : memref<!tpu.dma_semaphore, #tpu.memory_space<semaphore_mem>>) {add = true}
      } else {
      }
      %mul3A_145 = arith.constant 4 : i32
      %mul3A_146 = arith.muli %scan3A_124, %mul3A_145 : i32
      %add3A_147 = arith.constant 1 : i32
      %add3A_148 = arith.addi %mul3A_146, %add3A_147 : i32
      %add3A_149 = arith.constant 1 : i32
      %add3A_150 = arith.addi %add3A_148, %add3A_149 : i32
      %lt3A_151 = arith.cmpi slt, %add3A_150, %add3A_1 : i32
      %convert_element_type3A_152 = arith.extui %lt3A_151 : i1 to i32
      %cond3A_153 = arith.constant 0 : i32
      %cond3A_154 = arith.cmpi ne, %convert_element_type3A_152, %cond3A_153 : i32
      scf.if %cond3A_154 {
        %dma_wait3A_205 = arith.constant 0 : i32
        %dma_wait3A_206 = arith.constant 0 : i32
        %dma_wait3A_207 = tpu.memref_slice %arg3[%dma_wait3A_205, %dma_wait3A_206] : memref<2x320000xi32, #tpu.memory_space<hbm>> -> memref<2x128xi32, #tpu.memory_space<hbm>>
        %dma_wait3A_208 = arith.constant 0 : i32
        %dma_wait3A_209 = arith.constant 0 : i32
        %dma_wait3A_210 = tpu.memref_slice %arg3[%dma_wait3A_208, %dma_wait3A_209] : memref<2x320000xi32, #tpu.memory_space<hbm>> -> memref<2x128xi32, #tpu.memory_space<hbm>>
        tpu.wait_dma2 semaphore(%arg15 : memref<!tpu.dma_semaphore, #tpu.memory_space<semaphore_mem>>) src(%dma_wait3A_210 : memref<2x128xi32, #tpu.memory_space<hbm>>) dst(%arg7 : memref<2x128xi32, #tpu.memory_space<vmem>>)
        %ge3A = arith.constant 1 : i32
        %ge3A_211 = arith.cmpi sge, %add3A_148, %ge3A : i32
        %convert_element_type3A_212 = arith.extui %ge3A_211 : i1 to i32
        %cond3A_213 = arith.constant 0 : i32
        %cond3A_214 = arith.cmpi ne, %convert_element_type3A_212, %cond3A_213 : i32
        scf.if %cond3A_214 {
          %dma_wait3A_228 = arith.constant 0 : i32
          %dma_wait3A_229 = arith.constant 0 : i32
          %dma_wait3A_230 = tpu.memref_slice %arg12[%dma_wait3A_228, %dma_wait3A_229] : memref<10000x128xf32, #tpu.memory_space<vmem_shared>> -> memref<128x128xf32, #tpu.memory_space<vmem_shared>>
          %dma_wait3A_231 = arith.constant 0 : i32
          %dma_wait3A_232 = arith.constant 0 : i32
          %dma_wait3A_233 = tpu.memref_slice %arg12[%dma_wait3A_231, %dma_wait3A_232] : memref<10000x128xf32, #tpu.memory_space<vmem_shared>> -> memref<128x128xf32, #tpu.memory_space<vmem_shared>>
          tpu.wait_dma2 semaphore(%arg19 : memref<!tpu.dma_semaphore, #tpu.memory_space<semaphore_mem>>) src(%arg9 : memref<128x128xf32, #tpu.memory_space<vmem>>) dst(%dma_wait3A_233 : memref<128x128xf32, #tpu.memory_space<vmem_shared>>)
        } else {
        }
        %scan3A_215 = arith.constant 0 : i32
        %scan3A_216 = arith.constant 0 : i32
        %scan3A_217 = arith.constant 8 : i32
        %scan3A_218 = arith.addi %scan3A_216, %scan3A_217 : i32
        %scan3A_219 = arith.constant 1 : i32
        scf.for %scan3A_228 = %scan3A_216 to %scan3A_218 step %scan3A_219  : i32 {
          %mul3A_229 = arith.constant 16 : i32
          %mul3A_230 = arith.muli %scan3A_228, %mul3A_229 : i32
          %get3A = arith.constant 0 : i32
          %get3A_231 = arith.index_cast %get3A : i32 to index
          %get3A_232 = arith.index_cast %mul3A_230 : i32 to index
          %get3A_233 = tpu.vector_load %arg7[%get3A_231, %get3A_232] {strides = array<i32>} : memref<2x128xi32, #tpu.memory_space<vmem>>, vector<1x16xi32>,
          %get3A_234 = vector.shape_cast %get3A_233 : vector<1x16xi32> to vector<16xi32>
          %add3A_235 = vector.broadcast %mul3A_2 : i32 to vector<16xi32>
          %add3A_236 = arith.addi %get3A_234, %add3A_235 : vector<16xi32>
          %mul3A_237 = arith.constant 16 : i32
          %mul3A_238 = arith.muli %scan3A_228, %mul3A_237 : i32
          %swap3A = arith.constant 0 : i32
          %swap3A_239 = arith.index_cast %swap3A : i32 to index
          %swap3A_240 = arith.index_cast %mul3A_238 : i32 to index
          %swap3A_241 = tpu.vector_load %arg7[%swap3A_239, %swap3A_240] {strides = array<i32>} : memref<2x128xi32, #tpu.memory_space<vmem>>, vector<1x16xi32>,
          %swap3A_242 = vector.shape_cast %swap3A_241 : vector<1x16xi32> to vector<16xi32>
          %swap3A_243 = vector.shape_cast %add3A_236 : vector<16xi32> to vector<1x16xi32>
          tpu.vector_store %arg7[%swap3A_239, %swap3A_240], %swap3A_243 {strides = array<i32>} : memref<2x128xi32, #tpu.memory_space<vmem>>, vector<1x16xi32>,
        }
        %scan3A_220 = arith.constant 8 : i32
        %dma_start3A_221 = arith.constant 0 : i32
        %dma_start3A_222 = arith.constant 0 : i32
        %dma_start3A_223 = tpu.memref_slice %arg7[%dma_start3A_221, %dma_start3A_222] : memref<2x128xi32, #tpu.memory_space<vmem>> -> memref<1x128xi32, #tpu.memory_space<vmem>>
        %dma_start3A_224 = tpu.memref_squeeze %dma_start3A_223 : memref<1x128xi32, #tpu.memory_space<vmem>> -> memref<128xi32, #tpu.memory_space<vmem>>
        %dma_start3A_225 = arith.constant 0 : i32
        %dma_start3A_226 = arith.constant 0 : i32
        %dma_start3A_227 = tpu.memref_slice %arg2[%dma_start3A_225, %dma_start3A_226] : memref<20000x128xf32, #tpu.memory_space<hbm>> -> memref<20000x128xf32, #tpu.memory_space<hbm>>
        tpu.enqueue_indirect_dma source(%dma_start3A_227 : memref<20000x128xf32, #tpu.memory_space<hbm>>) target(%arg9 : memref<128x128xf32, #tpu.memory_space<vmem>>) offsets(%dma_start3A_224 : memref<128xi32, #tpu.memory_space<vmem>>) semaphore(%arg17 : memref<!tpu.dma_semaphore, #tpu.memory_space<semaphore_mem>>)
      } else {
      }
      %add3A_155 = arith.constant 2 : i32
      %add3A_156 = arith.addi %add3A_148, %add3A_155 : i32
      %lt3A_157 = arith.cmpi slt, %add3A_156, %add3A_1 : i32
      %convert_element_type3A_158 = arith.extui %lt3A_157 : i1 to i32
      %cond3A_159 = arith.constant 0 : i32
      %cond3A_160 = arith.cmpi ne, %convert_element_type3A_158, %cond3A_159 : i32
      scf.if %cond3A_160 {
        %add3A_205 = arith.constant 2 : i32
        %add3A_206 = arith.addi %add3A_148, %add3A_205 : i32
        %mul3A_207 = arith.constant 16 : i32
        %mul3A_208 = arith.muli %add3A_206, %mul3A_207 : i32
        %add3A_209 = arith.addi %arg1, %mul3A_208 : i32
        %mul3A_210 = arith.constant 128 : i32
        %mul3A_211 = arith.muli %add3A_209, %mul3A_210 : i32
        %dma_start3A_212 = arith.constant 0 : i32
        %dma_start3A_213 = tpu.memref_slice %arg3[%dma_start3A_212, %mul3A_211] : memref<2x320000xi32, #tpu.memory_space<hbm>> -> memref<2x128xi32, #tpu.memory_space<hbm>>
        %dma_start3A_214 = arith.constant 0 : i32
        %dma_start3A_215 = tpu.memref_slice %arg3[%dma_start3A_214, %mul3A_211] : memref<2x320000xi32, #tpu.memory_space<hbm>> -> memref<2x128xi32, #tpu.memory_space<hbm>>
        tpu.enqueue_dma source(%dma_start3A_215 : memref<2x128xi32, #tpu.memory_space<hbm>>) target(%arg8 : memref<2x128xi32, #tpu.memory_space<vmem>>) target_semaphore(%arg16 : memref<!tpu.dma_semaphore, #tpu.memory_space<semaphore_mem>>)
      } else {
      }
      %lt3A_161 = arith.cmpi slt, %add3A_148, %add3A_1 : i32
      %convert_element_type3A_162 = arith.extui %lt3A_161 : i1 to i32
      %cond3A_163 = arith.constant 0 : i32
      %cond3A_164 = arith.cmpi ne, %convert_element_type3A_162, %cond3A_163 : i32
      scf.if %cond3A_164 {
        %dma_wait3A_205 = arith.constant 0 : i32
        %dma_wait3A_206 = arith.constant 0 : i32
        %dma_wait3A_207 = tpu.memref_slice %arg2[%dma_wait3A_205, %dma_wait3A_206] : memref<20000x128xf32, #tpu.memory_space<hbm>> -> memref<128x128xf32, #tpu.memory_space<hbm>>
        %dma_wait3A_208 = arith.constant 0 : i32
        %dma_wait3A_209 = arith.constant 0 : i32
        %dma_wait3A_210 = tpu.memref_slice %arg2[%dma_wait3A_208, %dma_wait3A_209] : memref<20000x128xf32, #tpu.memory_space<hbm>> -> memref<128x128xf32, #tpu.memory_space<hbm>>
        tpu.wait_dma2 semaphore(%arg18 : memref<!tpu.dma_semaphore, #tpu.memory_space<semaphore_mem>>) src(%dma_wait3A_210 : memref<128x128xf32, #tpu.memory_space<hbm>>) dst(%arg10 : memref<128x128xf32, #tpu.memory_space<vmem>>)
        %dma_start3A_211 = arith.constant 1 : i32
        %dma_start3A_212 = arith.constant 0 : i32
        %dma_start3A_213 = tpu.memref_slice %arg6[%dma_start3A_211, %dma_start3A_212] : memref<2x128xi32, #tpu.memory_space<vmem>> -> memref<1x128xi32, #tpu.memory_space<vmem>>
        %dma_start3A_214 = tpu.memref_squeeze %dma_start3A_213 : memref<1x128xi32, #tpu.memory_space<vmem>> -> memref<128xi32, #tpu.memory_space<vmem>>
        %dma_start3A_215 = arith.constant 0 : i32
        %dma_start3A_216 = arith.constant 0 : i32
        %dma_start3A_217 = tpu.memref_slice %arg12[%dma_start3A_215, %dma_start3A_216] : memref<10000x128xf32, #tpu.memory_space<vmem_shared>> -> memref<10000x128xf32, #tpu.memory_space<vmem_shared>>
        tpu.enqueue_indirect_dma source(%arg10 : memref<128x128xf32, #tpu.memory_space<vmem>>) target(%dma_start3A_217 : memref<10000x128xf32, #tpu.memory_space<vmem_shared>>) offsets(%dma_start3A_214 : memref<128xi32, #tpu.memory_space<vmem>>) semaphore(%arg20 : memref<!tpu.dma_semaphore, #tpu.memory_space<semaphore_mem>>) {add = true}
      } else {
      }
      %mul3A_165 = arith.constant 4 : i32
      %mul3A_166 = arith.muli %scan3A_124, %mul3A_165 : i32
      %add3A_167 = arith.constant 2 : i32
      %add3A_168 = arith.addi %mul3A_166, %add3A_167 : i32
      %add3A_169 = arith.constant 1 : i32
      %add3A_170 = arith.addi %add3A_168, %add3A_169 : i32
      %lt3A_171 = arith.cmpi slt, %add3A_170, %add3A_1 : i32
      %convert_element_type3A_172 = arith.extui %lt3A_171 : i1 to i32
      %cond3A_173 = arith.constant 0 : i32
      %cond3A_174 = arith.cmpi ne, %convert_element_type3A_172, %cond3A_173 : i32
      scf.if %cond3A_174 {
        %dma_wait3A_205 = arith.constant 0 : i32
        %dma_wait3A_206 = arith.constant 0 : i32
        %dma_wait3A_207 = tpu.memref_slice %arg3[%dma_wait3A_205, %dma_wait3A_206] : memref<2x320000xi32, #tpu.memory_space<hbm>> -> memref<2x128xi32, #tpu.memory_space<hbm>>
        %dma_wait3A_208 = arith.constant 0 : i32
        %dma_wait3A_209 = arith.constant 0 : i32
        %dma_wait3A_210 = tpu.memref_slice %arg3[%dma_wait3A_208, %dma_wait3A_209] : memref<2x320000xi32, #tpu.memory_space<hbm>> -> memref<2x128xi32, #tpu.memory_space<hbm>>
        tpu.wait_dma2 semaphore(%arg16 : memref<!tpu.dma_semaphore, #tpu.memory_space<semaphore_mem>>) src(%dma_wait3A_210 : memref<2x128xi32, #tpu.memory_space<hbm>>) dst(%arg8 : memref<2x128xi32, #tpu.memory_space<vmem>>)
        %ge3A = arith.constant 1 : i32
        %ge3A_211 = arith.cmpi sge, %add3A_168, %ge3A : i32
        %convert_element_type3A_212 = arith.extui %ge3A_211 : i1 to i32
        %cond3A_213 = arith.constant 0 : i32
        %cond3A_214 = arith.cmpi ne, %convert_element_type3A_212, %cond3A_213 : i32
        scf.if %cond3A_214 {
          %dma_wait3A_228 = arith.constant 0 : i32
          %dma_wait3A_229 = arith.constant 0 : i32
          %dma_wait3A_230 = tpu.memref_slice %arg12[%dma_wait3A_228, %dma_wait3A_229] : memref<10000x128xf32, #tpu.memory_space<vmem_shared>> -> memref<128x128xf32, #tpu.memory_space<vmem_shared>>
          %dma_wait3A_231 = arith.constant 0 : i32
          %dma_wait3A_232 = arith.constant 0 : i32
          %dma_wait3A_233 = tpu.memref_slice %arg12[%dma_wait3A_231, %dma_wait3A_232] : memref<10000x128xf32, #tpu.memory_space<vmem_shared>> -> memref<128x128xf32, #tpu.memory_space<vmem_shared>>
          tpu.wait_dma2 semaphore(%arg20 : memref<!tpu.dma_semaphore, #tpu.memory_space<semaphore_mem>>) src(%arg10 : memref<128x128xf32, #tpu.memory_space<vmem>>) dst(%dma_wait3A_233 : memref<128x128xf32, #tpu.memory_space<vmem_shared>>)
        } else {
        }
        %scan3A_215 = arith.constant 0 : i32
        %scan3A_216 = arith.constant 0 : i32
        %scan3A_217 = arith.constant 8 : i32
        %scan3A_218 = arith.addi %scan3A_216, %scan3A_217 : i32
        %scan3A_219 = arith.constant 1 : i32
        scf.for %scan3A_228 = %scan3A_216 to %scan3A_218 step %scan3A_219  : i32 {
          %mul3A_229 = arith.constant 16 : i32
          %mul3A_230 = arith.muli %scan3A_228, %mul3A_229 : i32
          %get3A = arith.constant 0 : i32
          %get3A_231 = arith.index_cast %get3A : i32 to index
          %get3A_232 = arith.index_cast %mul3A_230 : i32 to index
          %get3A_233 = tpu.vector_load %arg8[%get3A_231, %get3A_232] {strides = array<i32>} : memref<2x128xi32, #tpu.memory_space<vmem>>, vector<1x16xi32>,
          %get3A_234 = vector.shape_cast %get3A_233 : vector<1x16xi32> to vector<16xi32>
          %add3A_235 = vector.broadcast %mul3A_2 : i32 to vector<16xi32>
          %add3A_236 = arith.addi %get3A_234, %add3A_235 : vector<16xi32>
          %mul3A_237 = arith.constant 16 : i32
          %mul3A_238 = arith.muli %scan3A_228, %mul3A_237 : i32
          %swap3A = arith.constant 0 : i32
          %swap3A_239 = arith.index_cast %swap3A : i32 to index
          %swap3A_240 = arith.index_cast %mul3A_238 : i32 to index
          %swap3A_241 = tpu.vector_load %arg8[%swap3A_239, %swap3A_240] {strides = array<i32>} : memref<2x128xi32, #tpu.memory_space<vmem>>, vector<1x16xi32>,
          %swap3A_242 = vector.shape_cast %swap3A_241 : vector<1x16xi32> to vector<16xi32>
          %swap3A_243 = vector.shape_cast %add3A_236 : vector<16xi32> to vector<1x16xi32>
          tpu.vector_store %arg8[%swap3A_239, %swap3A_240], %swap3A_243 {strides = array<i32>} : memref<2x128xi32, #tpu.memory_space<vmem>>, vector<1x16xi32>,
        }
        %scan3A_220 = arith.constant 8 : i32
        %dma_start3A_221 = arith.constant 0 : i32
        %dma_start3A_222 = arith.constant 0 : i32
        %dma_start3A_223 = tpu.memref_slice %arg8[%dma_start3A_221, %dma_start3A_222] : memref<2x128xi32, #tpu.memory_space<vmem>> -> memref<1x128xi32, #tpu.memory_space<vmem>>
        %dma_start3A_224 = tpu.memref_squeeze %dma_start3A_223 : memref<1x128xi32, #tpu.memory_space<vmem>> -> memref<128xi32, #tpu.memory_space<vmem>>
        %dma_start3A_225 = arith.constant 0 : i32
        %dma_start3A_226 = arith.constant 0 : i32
        %dma_start3A_227 = tpu.memref_slice %arg2[%dma_start3A_225, %dma_start3A_226] : memref<20000x128xf32, #tpu.memory_space<hbm>> -> memref<20000x128xf32, #tpu.memory_space<hbm>>
        tpu.enqueue_indirect_dma source(%dma_start3A_227 : memref<20000x128xf32, #tpu.memory_space<hbm>>) target(%arg10 : memref<128x128xf32, #tpu.memory_space<vmem>>) offsets(%dma_start3A_224 : memref<128xi32, #tpu.memory_space<vmem>>) semaphore(%arg18 : memref<!tpu.dma_semaphore, #tpu.memory_space<semaphore_mem>>)
      } else {
      }
      %add3A_175 = arith.constant 2 : i32
      %add3A_176 = arith.addi %add3A_168, %add3A_175 : i32
      %lt3A_177 = arith.cmpi slt, %add3A_176, %add3A_1 : i32
      %convert_element_type3A_178 = arith.extui %lt3A_177 : i1 to i32
      %cond3A_179 = arith.constant 0 : i32
      %cond3A_180 = arith.cmpi ne, %convert_element_type3A_178, %cond3A_179 : i32
      scf.if %cond3A_180 {
        %add3A_205 = arith.constant 2 : i32
        %add3A_206 = arith.addi %add3A_168, %add3A_205 : i32
        %mul3A_207 = arith.constant 16 : i32
        %mul3A_208 = arith.muli %add3A_206, %mul3A_207 : i32
        %add3A_209 = arith.addi %arg1, %mul3A_208 : i32
        %mul3A_210 = arith.constant 128 : i32
        %mul3A_211 = arith.muli %add3A_209, %mul3A_210 : i32
        %dma_start3A_212 = arith.constant 0 : i32
        %dma_start3A_213 = tpu.memref_slice %arg3[%dma_start3A_212, %mul3A_211] : memref<2x320000xi32, #tpu.memory_space<hbm>> -> memref<2x128xi32, #tpu.memory_space<hbm>>
        %dma_start3A_214 = arith.constant 0 : i32
        %dma_start3A_215 = tpu.memref_slice %arg3[%dma_start3A_214, %mul3A_211] : memref<2x320000xi32, #tpu.memory_space<hbm>> -> memref<2x128xi32, #tpu.memory_space<hbm>>
        tpu.enqueue_dma source(%dma_start3A_215 : memref<2x128xi32, #tpu.memory_space<hbm>>) target(%arg5 : memref<2x128xi32, #tpu.memory_space<vmem>>) target_semaphore(%arg13 : memref<!tpu.dma_semaphore, #tpu.memory_space<semaphore_mem>>)
      } else {
      }
      %lt3A_181 = arith.cmpi slt, %add3A_168, %add3A_1 : i32
      %convert_element_type3A_182 = arith.extui %lt3A_181 : i1 to i32
      %cond3A_183 = arith.constant 0 : i32
      %cond3A_184 = arith.cmpi ne, %convert_element_type3A_182, %cond3A_183 : i32
      scf.if %cond3A_184 {
        %dma_wait3A_205 = arith.constant 0 : i32
        %dma_wait3A_206 = arith.constant 0 : i32
        %dma_wait3A_207 = tpu.memref_slice %arg2[%dma_wait3A_205, %dma_wait3A_206] : memref<20000x128xf32, #tpu.memory_space<hbm>> -> memref<128x128xf32, #tpu.memory_space<hbm>>
        %dma_wait3A_208 = arith.constant 0 : i32
        %dma_wait3A_209 = arith.constant 0 : i32
        %dma_wait3A_210 = tpu.memref_slice %arg2[%dma_wait3A_208, %dma_wait3A_209] : memref<20000x128xf32, #tpu.memory_space<hbm>> -> memref<128x128xf32, #tpu.memory_space<hbm>>
        tpu.wait_dma2 semaphore(%arg17 : memref<!tpu.dma_semaphore, #tpu.memory_space<semaphore_mem>>) src(%dma_wait3A_210 : memref<128x128xf32, #tpu.memory_space<hbm>>) dst(%arg9 : memref<128x128xf32, #tpu.memory_space<vmem>>)
        %dma_start3A_211 = arith.constant 1 : i32
        %dma_start3A_212 = arith.constant 0 : i32
        %dma_start3A_213 = tpu.memref_slice %arg7[%dma_start3A_211, %dma_start3A_212] : memref<2x128xi32, #tpu.memory_space<vmem>> -> memref<1x128xi32, #tpu.memory_space<vmem>>
        %dma_start3A_214 = tpu.memref_squeeze %dma_start3A_213 : memref<1x128xi32, #tpu.memory_space<vmem>> -> memref<128xi32, #tpu.memory_space<vmem>>
        %dma_start3A_215 = arith.constant 0 : i32
        %dma_start3A_216 = arith.constant 0 : i32
        %dma_start3A_217 = tpu.memref_slice %arg12[%dma_start3A_215, %dma_start3A_216] : memref<10000x128xf32, #tpu.memory_space<vmem_shared>> -> memref<10000x128xf32, #tpu.memory_space<vmem_shared>>
        tpu.enqueue_indirect_dma source(%arg9 : memref<128x128xf32, #tpu.memory_space<vmem>>) target(%dma_start3A_217 : memref<10000x128xf32, #tpu.memory_space<vmem_shared>>) offsets(%dma_start3A_214 : memref<128xi32, #tpu.memory_space<vmem>>) semaphore(%arg19 : memref<!tpu.dma_semaphore, #tpu.memory_space<semaphore_mem>>) {add = true}
      } else {
      }
      %mul3A_185 = arith.constant 4 : i32
      %mul3A_186 = arith.muli %scan3A_124, %mul3A_185 : i32
      %add3A_187 = arith.constant 3 : i32
      %add3A_188 = arith.addi %mul3A_186, %add3A_187 : i32
      %add3A_189 = arith.constant 1 : i32
      %add3A_190 = arith.addi %add3A_188, %add3A_189 : i32
      %lt3A_191 = arith.cmpi slt, %add3A_190, %add3A_1 : i32
      %convert_element_type3A_192 = arith.extui %lt3A_191 : i1 to i32
      %cond3A_193 = arith.constant 0 : i32
      %cond3A_194 = arith.cmpi ne, %convert_element_type3A_192, %cond3A_193 : i32
      scf.if %cond3A_194 {
        %dma_wait3A_205 = arith.constant 0 : i32
        %dma_wait3A_206 = arith.constant 0 : i32
        %dma_wait3A_207 = tpu.memref_slice %arg3[%dma_wait3A_205, %dma_wait3A_206] : memref<2x320000xi32, #tpu.memory_space<hbm>> -> memref<2x128xi32, #tpu.memory_space<hbm>>
        %dma_wait3A_208 = arith.constant 0 : i32
        %dma_wait3A_209 = arith.constant 0 : i32
        %dma_wait3A_210 = tpu.memref_slice %arg3[%dma_wait3A_208, %dma_wait3A_209] : memref<2x320000xi32, #tpu.memory_space<hbm>> -> memref<2x128xi32, #tpu.memory_space<hbm>>
        tpu.wait_dma2 semaphore(%arg13 : memref<!tpu.dma_semaphore, #tpu.memory_space<semaphore_mem>>) src(%dma_wait3A_210 : memref<2x128xi32, #tpu.memory_space<hbm>>) dst(%arg5 : memref<2x128xi32, #tpu.memory_space<vmem>>)
        %ge3A = arith.constant 1 : i32
        %ge3A_211 = arith.cmpi sge, %add3A_188, %ge3A : i32
        %convert_element_type3A_212 = arith.extui %ge3A_211 : i1 to i32
        %cond3A_213 = arith.constant 0 : i32
        %cond3A_214 = arith.cmpi ne, %convert_element_type3A_212, %cond3A_213 : i32
        scf.if %cond3A_214 {
          %dma_wait3A_228 = arith.constant 0 : i32
          %dma_wait3A_229 = arith.constant 0 : i32
          %dma_wait3A_230 = tpu.memref_slice %arg12[%dma_wait3A_228, %dma_wait3A_229] : memref<10000x128xf32, #tpu.memory_space<vmem_shared>> -> memref<128x128xf32, #tpu.memory_space<vmem_shared>>
          %dma_wait3A_231 = arith.constant 0 : i32
          %dma_wait3A_232 = arith.constant 0 : i32
          %dma_wait3A_233 = tpu.memref_slice %arg12[%dma_wait3A_231, %dma_wait3A_232] : memref<10000x128xf32, #tpu.memory_space<vmem_shared>> -> memref<128x128xf32, #tpu.memory_space<vmem_shared>>
          tpu.wait_dma2 semaphore(%arg19 : memref<!tpu.dma_semaphore, #tpu.memory_space<semaphore_mem>>) src(%arg9 : memref<128x128xf32, #tpu.memory_space<vmem>>) dst(%dma_wait3A_233 : memref<128x128xf32, #tpu.memory_space<vmem_shared>>)
        } else {
        }
        %scan3A_215 = arith.constant 0 : i32
        %scan3A_216 = arith.constant 0 : i32
        %scan3A_217 = arith.constant 8 : i32
        %scan3A_218 = arith.addi %scan3A_216, %scan3A_217 : i32
        %scan3A_219 = arith.constant 1 : i32
        scf.for %scan3A_228 = %scan3A_216 to %scan3A_218 step %scan3A_219  : i32 {
          %mul3A_229 = arith.constant 16 : i32
          %mul3A_230 = arith.muli %scan3A_228, %mul3A_229 : i32
          %get3A = arith.constant 0 : i32
          %get3A_231 = arith.index_cast %get3A : i32 to index
          %get3A_232 = arith.index_cast %mul3A_230 : i32 to index
          %get3A_233 = tpu.vector_load %arg5[%get3A_231, %get3A_232] {strides = array<i32>} : memref<2x128xi32, #tpu.memory_space<vmem>>, vector<1x16xi32>,
          %get3A_234 = vector.shape_cast %get3A_233 : vector<1x16xi32> to vector<16xi32>
          %add3A_235 = vector.broadcast %mul3A_2 : i32 to vector<16xi32>
          %add3A_236 = arith.addi %get3A_234, %add3A_235 : vector<16xi32>
          %mul3A_237 = arith.constant 16 : i32
          %mul3A_238 = arith.muli %scan3A_228, %mul3A_237 : i32
          %swap3A = arith.constant 0 : i32
          %swap3A_239 = arith.index_cast %swap3A : i32 to index
          %swap3A_240 = arith.index_cast %mul3A_238 : i32 to index
          %swap3A_241 = tpu.vector_load %arg5[%swap3A_239, %swap3A_240] {strides = array<i32>} : memref<2x128xi32, #tpu.memory_space<vmem>>, vector<1x16xi32>,
          %swap3A_242 = vector.shape_cast %swap3A_241 : vector<1x16xi32> to vector<16xi32>
          %swap3A_243 = vector.shape_cast %add3A_236 : vector<16xi32> to vector<1x16xi32>
          tpu.vector_store %arg5[%swap3A_239, %swap3A_240], %swap3A_243 {strides = array<i32>} : memref<2x128xi32, #tpu.memory_space<vmem>>, vector<1x16xi32>,
        }
        %scan3A_220 = arith.constant 8 : i32
        %dma_start3A_221 = arith.constant 0 : i32
        %dma_start3A_222 = arith.constant 0 : i32
        %dma_start3A_223 = tpu.memref_slice %arg5[%dma_start3A_221, %dma_start3A_222] : memref<2x128xi32, #tpu.memory_space<vmem>> -> memref<1x128xi32, #tpu.memory_space<vmem>>
        %dma_start3A_224 = tpu.memref_squeeze %dma_start3A_223 : memref<1x128xi32, #tpu.memory_space<vmem>> -> memref<128xi32, #tpu.memory_space<vmem>>
        %dma_start3A_225 = arith.constant 0 : i32
        %dma_start3A_226 = arith.constant 0 : i32
        %dma_start3A_227 = tpu.memref_slice %arg2[%dma_start3A_225, %dma_start3A_226] : memref<20000x128xf32, #tpu.memory_space<hbm>> -> memref<20000x128xf32, #tpu.memory_space<hbm>>
        tpu.enqueue_indirect_dma source(%dma_start3A_227 : memref<20000x128xf32, #tpu.memory_space<hbm>>) target(%arg9 : memref<128x128xf32, #tpu.memory_space<vmem>>) offsets(%dma_start3A_224 : memref<128xi32, #tpu.memory_space<vmem>>) semaphore(%arg17 : memref<!tpu.dma_semaphore, #tpu.memory_space<semaphore_mem>>)
      } else {
      }
      %add3A_195 = arith.constant 2 : i32
      %add3A_196 = arith.addi %add3A_188, %add3A_195 : i32
      %lt3A_197 = arith.cmpi slt, %add3A_196, %add3A_1 : i32
      %convert_element_type3A_198 = arith.extui %lt3A_197 : i1 to i32
      %cond3A_199 = arith.constant 0 : i32
      %cond3A_200 = arith.cmpi ne, %convert_element_type3A_198, %cond3A_199 : i32
      scf.if %cond3A_200 {
        %add3A_205 = arith.constant 2 : i32
        %add3A_206 = arith.addi %add3A_188, %add3A_205 : i32
        %mul3A_207 = arith.constant 16 : i32
        %mul3A_208 = arith.muli %add3A_206, %mul3A_207 : i32
        %add3A_209 = arith.addi %arg1, %mul3A_208 : i32
        %mul3A_210 = arith.constant 128 : i32
        %mul3A_211 = arith.muli %add3A_209, %mul3A_210 : i32
        %dma_start3A_212 = arith.constant 0 : i32
        %dma_start3A_213 = tpu.memref_slice %arg3[%dma_start3A_212, %mul3A_211] : memref<2x320000xi32, #tpu.memory_space<hbm>> -> memref<2x128xi32, #tpu.memory_space<hbm>>
        %dma_start3A_214 = arith.constant 0 : i32
        %dma_start3A_215 = tpu.memref_slice %arg3[%dma_start3A_214, %mul3A_211] : memref<2x320000xi32, #tpu.memory_space<hbm>> -> memref<2x128xi32, #tpu.memory_space<hbm>>
        tpu.enqueue_dma source(%dma_start3A_215 : memref<2x128xi32, #tpu.memory_space<hbm>>) target(%arg6 : memref<2x128xi32, #tpu.memory_space<vmem>>) target_semaphore(%arg14 : memref<!tpu.dma_semaphore, #tpu.memory_space<semaphore_mem>>)
      } else {
      }
      %lt3A_201 = arith.cmpi slt, %add3A_188, %add3A_1 : i32
      %convert_element_type3A_202 = arith.extui %lt3A_201 : i1 to i32
      %cond3A_203 = arith.constant 0 : i32
      %cond3A_204 = arith.cmpi ne, %convert_element_type3A_202, %cond3A_203 : i32
      scf.if %cond3A_204 {
        %dma_wait3A_205 = arith.constant 0 : i32
        %dma_wait3A_206 = arith.constant 0 : i32
        %dma_wait3A_207 = tpu.memref_slice %arg2[%dma_wait3A_205, %dma_wait3A_206] : memref<20000x128xf32, #tpu.memory_space<hbm>> -> memref<128x128xf32, #tpu.memory_space<hbm>>
        %dma_wait3A_208 = arith.constant 0 : i32
        %dma_wait3A_209 = arith.constant 0 : i32
        %dma_wait3A_210 = tpu.memref_slice %arg2[%dma_wait3A_208, %dma_wait3A_209] : memref<20000x128xf32, #tpu.memory_space<hbm>> -> memref<128x128xf32, #tpu.memory_space<hbm>>
        tpu.wait_dma2 semaphore(%arg18 : memref<!tpu.dma_semaphore, #tpu.memory_space<semaphore_mem>>) src(%dma_wait3A_210 : memref<128x128xf32, #tpu.memory_space<hbm>>) dst(%arg10 : memref<128x128xf32, #tpu.memory_space<vmem>>)
        %dma_start3A_211 = arith.constant 1 : i32
        %dma_start3A_212 = arith.constant 0 : i32
        %dma_start3A_213 = tpu.memref_slice %arg8[%dma_start3A_211, %dma_start3A_212] : memref<2x128xi32, #tpu.memory_space<vmem>> -> memref<1x128xi32, #tpu.memory_space<vmem>>
        %dma_start3A_214 = tpu.memref_squeeze %dma_start3A_213 : memref<1x128xi32, #tpu.memory_space<vmem>> -> memref<128xi32, #tpu.memory_space<vmem>>
        %dma_start3A_215 = arith.constant 0 : i32
        %dma_start3A_216 = arith.constant 0 : i32
        %dma_start3A_217 = tpu.memref_slice %arg12[%dma_start3A_215, %dma_start3A_216] : memref<10000x128xf32, #tpu.memory_space<vmem_shared>> -> memref<10000x128xf32, #tpu.memory_space<vmem_shared>>
        tpu.enqueue_indirect_dma source(%arg10 : memref<128x128xf32, #tpu.memory_space<vmem>>) target(%dma_start3A_217 : memref<10000x128xf32, #tpu.memory_space<vmem_shared>>) offsets(%dma_start3A_214 : memref<128xi32, #tpu.memory_space<vmem>>) semaphore(%arg20 : memref<!tpu.dma_semaphore, #tpu.memory_space<semaphore_mem>>) {add = true}
      } else {
      }
    }
    %scan3A_101 = arith.constant 40 : i32
    %dma_wait3A_102 = arith.constant 0 : i32
    %dma_wait3A_103 = arith.constant 0 : i32
    %dma_wait3A_104 = tpu.memref_slice %arg12[%dma_wait3A_102, %dma_wait3A_103] : memref<10000x128xf32, #tpu.memory_space<vmem_shared>> -> memref<128x128xf32, #tpu.memory_space<vmem_shared>>
    %dma_wait3A_105 = arith.constant 0 : i32
    %dma_wait3A_106 = arith.constant 0 : i32
    %dma_wait3A_107 = tpu.memref_slice %arg12[%dma_wait3A_105, %dma_wait3A_106] : memref<10000x128xf32, #tpu.memory_space<vmem_shared>> -> memref<128x128xf32, #tpu.memory_space<vmem_shared>>
    tpu.wait_dma2 semaphore(%arg19 : memref<!tpu.dma_semaphore, #tpu.memory_space<semaphore_mem>>) src(%arg9 : memref<128x128xf32, #tpu.memory_space<vmem>>) dst(%dma_wait3A_107 : memref<128x128xf32, #tpu.memory_space<vmem_shared>>)
    %dma_wait3A_108 = arith.constant 0 : i32
    %dma_wait3A_109 = arith.constant 0 : i32
    %dma_wait3A_110 = tpu.memref_slice %arg12[%dma_wait3A_108, %dma_wait3A_109] : memref<10000x128xf32, #tpu.memory_space<vmem_shared>> -> memref<128x128xf32, #tpu.memory_space<vmem_shared>>
    %dma_wait3A_111 = arith.constant 0 : i32
    %dma_wait3A_112 = arith.constant 0 : i32
    %dma_wait3A_113 = tpu.memref_slice %arg12[%dma_wait3A_111, %dma_wait3A_112] : memref<10000x128xf32, #tpu.memory_space<vmem_shared>> -> memref<128x128xf32, #tpu.memory_space<vmem_shared>>
    tpu.wait_dma2 semaphore(%arg20 : memref<!tpu.dma_semaphore, #tpu.memory_space<semaphore_mem>>) src(%arg10 : memref<128x128xf32, #tpu.memory_space<vmem>>) dst(%dma_wait3A_113 : memref<128x128xf32, #tpu.memory_space<vmem_shared>>)
    %barrier3A_114 = arith.constant 0 : index
    tpu.barrier barrier_id(%barrier3A_114)
    %mul3A_115 = arith.constant 624 : i32
    %mul3A_116 = arith.muli %arg1, %mul3A_115 : i32
    %mul3A_117 = arith.constant 624 : i32
    %mul3A_118 = arith.muli %arg1, %mul3A_117 : i32
    "tpu.region"() ({
      %run_scoped3A = tpu.sem_alloc : memref<!tpu.dma_semaphore, #tpu.memory_space<semaphore_mem>>
      %dma_start3A_124 = arith.constant 0 : i32
      %dma_start3A_125 = tpu.memref_slice %arg4[%arg0, %mul3A_118, %dma_start3A_124] : memref<2x10000x128xf32, #tpu.memory_space<hbm>> -> memref<1x624x128xf32, #tpu.memory_space<hbm>>
      %dma_start3A_126 = tpu.memref_squeeze %dma_start3A_125 : memref<1x624x128xf32, #tpu.memory_space<hbm>> -> memref<624x128xf32, #tpu.memory_space<hbm>>
      %dma_start3A_127 = arith.constant 0 : i32
      %dma_start3A_128 = tpu.memref_slice %arg12[%mul3A_116, %dma_start3A_127] : memref<10000x128xf32, #tpu.memory_space<vmem_shared>> -> memref<624x128xf32, #tpu.memory_space<vmem_shared>>
      tpu.enqueue_dma source(%dma_start3A_128 : memref<624x128xf32, #tpu.memory_space<vmem_shared>>) target(%dma_start3A_126 : memref<624x128xf32, #tpu.memory_space<hbm>>) target_semaphore(%run_scoped3A : memref<!tpu.dma_semaphore, #tpu.memory_space<semaphore_mem>>)
      %dma_wait3A_129 = arith.constant 0 : i32
      %dma_wait3A_130 = tpu.memref_slice %arg4[%arg0, %mul3A_118, %dma_wait3A_129] : memref<2x10000x128xf32, #tpu.memory_space<hbm>> -> memref<1x624x128xf32, #tpu.memory_space<hbm>>
      %dma_wait3A_131 = tpu.memref_squeeze %dma_wait3A_130 : memref<1x624x128xf32, #tpu.memory_space<hbm>> -> memref<624x128xf32, #tpu.memory_space<hbm>>
      %dma_wait3A_132 = arith.constant 0 : i32
      %dma_wait3A_133 = tpu.memref_slice %arg12[%mul3A_116, %dma_wait3A_132] : memref<10000x128xf32, #tpu.memory_space<vmem_shared>> -> memref<624x128xf32, #tpu.memory_space<vmem_shared>>
      tpu.wait_dma2 semaphore(%run_scoped3A : memref<!tpu.dma_semaphore, #tpu.memory_space<semaphore_mem>>) src(%dma_wait3A_133 : memref<624x128xf32, #tpu.memory_space<vmem_shared>>) dst(%dma_wait3A_131 : memref<624x128xf32, #tpu.memory_space<hbm>>)
      tpu.yield
    }) : () -> ()
    %eq3A_119 = arith.constant 15 : i32
    %eq3A_120 = arith.cmpi eq, %arg1, %eq3A_119 : i32
    %convert_element_type3A_121 = arith.extui %eq3A_120 : i1 to i32
    %cond3A_122 = arith.constant 0 : i32
    %cond3A_123 = arith.cmpi ne, %convert_element_type3A_121, %cond3A_122 : i32
    scf.if %cond3A_123 {
      "tpu.region"() ({
        %run_scoped3A = tpu.sem_alloc : memref<!tpu.dma_semaphore, #tpu.memory_space<semaphore_mem>>
        %dma_start3A_124 = arith.constant 9984 : i32
        %dma_start3A_125 = arith.constant 0 : i32
        %dma_start3A_126 = tpu.memref_slice %arg4[%arg0, %dma_start3A_124, %dma_start3A_125] : memref<2x10000x128xf32, #tpu.memory_space<hbm>> -> memref<1x16x128xf32, #tpu.memory_space<hbm>>
        %dma_start3A_127 = tpu.memref_squeeze %dma_start3A_126 : memref<1x16x128xf32, #tpu.memory_space<hbm>> -> memref<16x128xf32, #tpu.memory_space<hbm>>
        %dma_start3A_128 = arith.constant 9984 : i32
        %dma_start3A_129 = arith.constant 0 : i32
        %dma_start3A_130 = tpu.memref_slice %arg12[%dma_start3A_128, %dma_start3A_129] : memref<10000x128xf32, #tpu.memory_space<vmem_shared>> -> memref<16x128xf32, #tpu.memory_space<vmem_shared>>
        tpu.enqueue_dma source(%dma_start3A_130 : memref<16x128xf32, #tpu.memory_space<vmem_shared>>) target(%dma_start3A_127 : memref<16x128xf32, #tpu.memory_space<hbm>>) target_semaphore(%run_scoped3A : memref<!tpu.dma_semaphore, #tpu.memory_space<semaphore_mem>>)
        %dma_wait3A_131 = arith.constant 9984 : i32
        %dma_wait3A_132 = arith.constant 0 : i32
        %dma_wait3A_133 = tpu.memref_slice %arg4[%arg0, %dma_wait3A_131, %dma_wait3A_132] : memref<2x10000x128xf32, #tpu.memory_space<hbm>> -> memref<1x16x128xf32, #tpu.memory_space<hbm>>
        %dma_wait3A_134 = tpu.memref_squeeze %dma_wait3A_133 : memref<1x16x128xf32, #tpu.memory_space<hbm>> -> memref<16x128xf32, #tpu.memory_space<hbm>>
        %dma_wait3A_135 = arith.constant 9984 : i32
        %dma_wait3A_136 = arith.constant 0 : i32
        %dma_wait3A_137 = tpu.memref_slice %arg12[%dma_wait3A_135, %dma_wait3A_136] : memref<10000x128xf32, #tpu.memory_space<vmem_shared>> -> memref<16x128xf32, #tpu.memory_space<vmem_shared>>
        tpu.wait_dma2 semaphore(%run_scoped3A : memref<!tpu.dma_semaphore, #tpu.memory_space<semaphore_mem>>) src(%dma_wait3A_137 : memref<16x128xf32, #tpu.memory_space<vmem_shared>>) dst(%dma_wait3A_134 : memref<16x128xf32, #tpu.memory_space<hbm>>)
        tpu.yield
      }) : () -> ()
    } else {
    }
    return
  }
}

module attributes {stable_mosaic.version = 14 : i64} {
  func.func @_tc1_body(%arg0: i32, %arg1: memref<2048x128xf32, #tpu.memory_space<vmem>>, %arg2: memref<2x2048x128xf32, #tpu.memory_space<vmem>>, %arg3: memref<2x16x128xf32, #tpu.memory_space<vmem>>, %arg4: memref<128x256xf32, #tpu.memory_space<vmem>>, %arg5: memref<256xf32, #tpu.memory_space<vmem>>, %arg6: memref<128x256xf32, #tpu.memory_space<vmem>>, %arg7: memref<2x2048x128xf32, #tpu.memory_space<vmem>>, %arg8: memref<16x128xf32, #tpu.memory_space<vmem>>) attributes {dimension_semantics = [#tpu.dimension_semantics<arbitrary>], iteration_bounds = array<i64: 5>, scalar_prefetch = 0 : i64, scratch_operands = 0 : i64, tpu.core_type = #tpu.core_type<tc>, window_params = [{transform_indices = @transform_0, window_bounds = array<i64: 2048, 128>}, {transform_indices = @transform_1, window_bounds = array<i64: 2, 2048, 128>}, {transform_indices = @transform_2, window_bounds = array<i64: 2, 16, 128>}, {pipeline_mode = #tpu.pipeline_mode<synchronous>, transform_indices = @transform_3, window_bounds = array<i64: 128, 256>}, {pipeline_mode = #tpu.pipeline_mode<synchronous>, transform_indices = @transform_4, window_bounds = array<i64: 256>}, {pipeline_mode = #tpu.pipeline_mode<synchronous>, transform_indices = @transform_5, window_bounds = array<i64: 128, 256>}, {transform_indices = @transform_6, window_bounds = array<i64: 2, 2048, 128>}, {transform_indices = @transform_7, window_bounds = array<i64: 16, 128>}]} {
    %get3A = arith.constant 0 : index
    %get3A_0 = arith.constant 0 : index
    %get3A_1 = arith.constant 0 : index
    %get3A_2 = vector.load %arg2[%get3A, %get3A_0, %get3A_1] : memref<2x2048x128xf32, #tpu.memory_space<vmem>>, vector<1x2048x128xf32>
    %get3A_3 = vector.shape_cast %get3A_2 : vector<1x2048x128xf32> to vector<2048x128xf32>
    %get3A_4 = arith.constant 1 : index
    %get3A_5 = arith.constant 0 : index
    %get3A_6 = arith.constant 0 : index
    %get3A_7 = vector.load %arg2[%get3A_4, %get3A_5, %get3A_6] : memref<2x2048x128xf32, #tpu.memory_space<vmem>>, vector<1x2048x128xf32>
    %get3A_8 = vector.shape_cast %get3A_7 : vector<1x2048x128xf32> to vector<2048x128xf32>
    %add3A = arith.addf %get3A_3, %get3A_8 : vector<2048x128xf32>
    %get3A_9 = arith.constant 0 : index
    %get3A_10 = arith.constant 0 : index
    %get3A_11 = arith.constant 0 : index
    %get3A_12 = vector.load %arg3[%get3A_9, %get3A_10, %get3A_11] : memref<2x16x128xf32, #tpu.memory_space<vmem>>, vector<1x16x128xf32>
    %get3A_13 = vector.shape_cast %get3A_12 : vector<1x16x128xf32> to vector<16x128xf32>
    %get3A_14 = arith.constant 1 : index
    %get3A_15 = arith.constant 0 : index
    %get3A_16 = arith.constant 0 : index
    %get3A_17 = vector.load %arg3[%get3A_14, %get3A_15, %get3A_16] : memref<2x16x128xf32, #tpu.memory_space<vmem>>, vector<1x16x128xf32>
    %get3A_18 = vector.shape_cast %get3A_17 : vector<1x16x128xf32> to vector<16x128xf32>
    %add3A_19 = arith.addf %get3A_13, %get3A_18 : vector<16x128xf32>
    %max3A = arith.constant 1.000000e+00 : f32
    %max3A_20 = vector.broadcast %max3A : f32 to vector<16x128xf32>
    %max3A_21 = arith.maximumf %add3A_19, %max3A_20 : vector<16x128xf32>
    %div3A = arith.constant 1.000000e+00 : f32
    %div3A_22 = vector.broadcast %div3A : f32 to vector<16x128xf32>
    %div3A_23 = arith.divf %div3A_22, %max3A_21 : vector<16x128xf32>
    %broadcast_in_dim3A = vector.shape_cast %div3A_23 : vector<16x128xf32> to vector<16x128x1xf32>
    %reshape3A = vector.shape_cast %add3A : vector<2048x128xf32> to vector<16x128x128xf32>
    %mul3A = vector.broadcast %broadcast_in_dim3A : vector<16x128x1xf32> to vector<16x128x128xf32>
    %mul3A_24 = arith.mulf %reshape3A, %mul3A : vector<16x128x128xf32>
    %reshape3A_25 = vector.shape_cast %mul3A_24 : vector<16x128x128xf32> to vector<2048x128xf32>
    %get3A_26 = arith.constant 0 : index
    %get3A_27 = arith.constant 0 : index
    %get3A_28 = vector.load %arg4[%get3A_26, %get3A_27] : memref<128x256xf32, #tpu.memory_space<vmem>>, vector<128x256xf32>
    %convert_element_type3A = arith.truncf %reshape3A_25 : vector<2048x128xf32> to vector<2048x128xbf16>
    %convert_element_type3A_29 = arith.truncf %get3A_28 : vector<128x256xf32> to vector<128x256xbf16>
    %dot_general3A = arith.constant dense<0.000000e+00> : vector<2048x256xf32>
    %dot_general3A_30 = tpu.matmul %convert_element_type3A, %convert_element_type3A_29, %dot_general3A {dimension_numbers = #tpu.dot_dimension_numbers<[1], [0], [0], [1], [0, 0, 1, 1], [], []>, transpose_lhs_hint = false} : vector<2048x128xbf16>, vector<128x256xbf16>, vector<2048x256xf32> -> vector<2048x256xf32>
    %get3A_31 = arith.constant 0 : index
    %get3A_32 = vector.load %arg5[%get3A_31] : memref<256xf32, #tpu.memory_space<vmem>>, vector<256xf32>
    %broadcast_in_dim3A_33 = vector.shape_cast %get3A_32 : vector<256xf32> to vector<1x256xf32>
    %add3A_34 = vector.broadcast %broadcast_in_dim3A_33 : vector<1x256xf32> to vector<2048x256xf32>
    %add3A_35 = arith.addf %dot_general3A_30, %add3A_34 : vector<2048x256xf32>
    %get3A_36 = arith.constant 0 : index
    %get3A_37 = arith.constant 0 : index
    %get3A_38 = vector.load %arg1[%get3A_36, %get3A_37] : memref<2048x128xf32, #tpu.memory_space<vmem>>, vector<2048x128xf32>
    %get3A_39 = arith.constant 0 : index
    %get3A_40 = arith.constant 0 : index
    %get3A_41 = vector.load %arg6[%get3A_39, %get3A_40] : memref<128x256xf32, #tpu.memory_space<vmem>>, vector<128x256xf32>
    %convert_element_type3A_42 = arith.truncf %get3A_38 : vector<2048x128xf32> to vector<2048x128xbf16>
    %convert_element_type3A_43 = arith.truncf %get3A_41 : vector<128x256xf32> to vector<128x256xbf16>
    %dot_general3A_44 = arith.constant dense<0.000000e+00> : vector<2048x256xf32>
    %dot_general3A_45 = tpu.matmul %convert_element_type3A_42, %convert_element_type3A_43, %dot_general3A_44 {dimension_numbers = #tpu.dot_dimension_numbers<[1], [0], [0], [1], [0, 0, 1, 1], [], []>, transpose_lhs_hint = false} : vector<2048x128xbf16>, vector<128x256xbf16>, vector<2048x256xf32> -> vector<2048x256xf32>
    %add3A_46 = arith.addf %add3A_35, %dot_general3A_45 : vector<2048x256xf32>
    %max3A_47 = arith.constant 0.000000e+00 : f32
    %max3A_48 = vector.broadcast %max3A_47 : f32 to vector<2048x256xf32>
    %max3A_49 = arith.maximumf %add3A_46, %max3A_48 : vector<2048x256xf32>
    %slice3A = vector.extract_strided_slice %max3A_49 {offsets = [0, 0], sizes = [2048, 128], strides = [1, 1]} : vector<2048x256xf32> to vector<2048x128xf32>
    %swap3A = arith.constant 0 : index
    %swap3A_50 = arith.constant 0 : index
    %swap3A_51 = arith.constant 0 : index
    %swap3A_52 = vector.load %arg7[%swap3A, %swap3A_50, %swap3A_51] : memref<2x2048x128xf32, #tpu.memory_space<vmem>>, vector<1x2048x128xf32>
    %swap3A_53 = vector.shape_cast %swap3A_52 : vector<1x2048x128xf32> to vector<2048x128xf32>
    %swap3A_54 = vector.shape_cast %slice3A : vector<2048x128xf32> to vector<1x2048x128xf32>
    tpu.vector_store %arg7[%swap3A, %swap3A_50, %swap3A_51], %swap3A_54 {strides = array<i32>} : memref<2x2048x128xf32, #tpu.memory_space<vmem>>, vector<1x2048x128xf32>,
    %slice3A_55 = vector.extract_strided_slice %max3A_49 {offsets = [0, 128], sizes = [2048, 128], strides = [1, 1]} : vector<2048x256xf32> to vector<2048x128xf32>
    %swap3A_56 = arith.constant 1 : index
    %swap3A_57 = arith.constant 0 : index
    %swap3A_58 = arith.constant 0 : index
    %swap3A_59 = vector.load %arg7[%swap3A_56, %swap3A_57, %swap3A_58] : memref<2x2048x128xf32, #tpu.memory_space<vmem>>, vector<1x2048x128xf32>
    %swap3A_60 = vector.shape_cast %swap3A_59 : vector<1x2048x128xf32> to vector<2048x128xf32>
    %swap3A_61 = vector.shape_cast %slice3A_55 : vector<2048x128xf32> to vector<1x2048x128xf32>
    tpu.vector_store %arg7[%swap3A_56, %swap3A_57, %swap3A_58], %swap3A_61 {strides = array<i32>} : memref<2x2048x128xf32, #tpu.memory_space<vmem>>, vector<1x2048x128xf32>,
    %swap3A_62 = arith.constant 0 : index
    %swap3A_63 = arith.constant 0 : index
    %swap3A_64 = vector.load %arg8[%swap3A_62, %swap3A_63] : memref<16x128xf32, #tpu.memory_space<vmem>>, vector<16x128xf32>
    tpu.vector_store %arg8[%swap3A_62, %swap3A_63], %max3A_21 {strides = array<i32>} : memref<16x128xf32, #tpu.memory_space<vmem>>, vector<16x128xf32>,
    return
  }
  func.func @transform_0(%arg0: i32) -> (i32, i32) {
    %c0_i32 = arith.constant 0 : i32
    %c0_i32_0 = arith.constant 0 : i32
    return %arg0, %c0_i32 : i32, i32
  }
  func.func @transform_1(%arg0: i32) -> (i32, i32, i32) {
    %c0_i32 = arith.constant 0 : i32
    %c0_i32_0 = arith.constant 0 : i32
    %c0_i32_1 = arith.constant 0 : i32
    return %c0_i32, %arg0, %c0_i32_0 : i32, i32, i32
  }
  func.func @transform_2(%arg0: i32) -> (i32, i32, i32) {
    %c0_i32 = arith.constant 0 : i32
    %c0_i32_0 = arith.constant 0 : i32
    %c0_i32_1 = arith.constant 0 : i32
    return %c0_i32, %arg0, %c0_i32_0 : i32, i32, i32
  }
  func.func @transform_3(%arg0: i32) -> (i32, i32) {
    %c0_i32 = arith.constant 0 : i32
    %c0_i32_0 = arith.constant 0 : i32
    %c0_i32_1 = arith.constant 0 : i32
    return %c0_i32, %c0_i32_0 : i32, i32
  }
  func.func @transform_4(%arg0: i32) -> i32 {
    %c0_i32 = arith.constant 0 : i32
    %c0_i32_0 = arith.constant 0 : i32
    return %c0_i32 : i32
  }
  func.func @transform_5(%arg0: i32) -> (i32, i32) {
    %c0_i32 = arith.constant 0 : i32
    %c0_i32_0 = arith.constant 0 : i32
    %c0_i32_1 = arith.constant 0 : i32
    return %c0_i32, %c0_i32_0 : i32, i32
  }
  func.func @transform_6(%arg0: i32) -> (i32, i32, i32) {
    %c0_i32 = arith.constant 0 : i32
    %c0_i32_0 = arith.constant 0 : i32
    %c0_i32_1 = arith.constant 0 : i32
    return %c0_i32, %arg0, %c0_i32_0 : i32, i32, i32
  }
  func.func @transform_7(%arg0: i32) -> (i32, i32) {
    %c0_i32 = arith.constant 0 : i32
    %c0_i32_0 = arith.constant 0 : i32
    return %arg0, %c0_i32 : i32, i32
  }
}

module attributes {stable_mosaic.version = 14 : i64} {
  func.func @_tc2_body(%arg0: i32, %arg1: memref<2048x128xf32, #tpu.memory_space<vmem>>, %arg2: memref<2x2048x128xf32, #tpu.memory_space<vmem>>, %arg3: memref<2x2048x128xf32, #tpu.memory_space<vmem>>, %arg4: memref<16x128xf32, #tpu.memory_space<vmem>>, %arg5: memref<256x256xf32, #tpu.memory_space<vmem>>, %arg6: memref<256xf32, #tpu.memory_space<vmem>>, %arg7: memref<256x256xf32, #tpu.memory_space<vmem>>, %arg8: memref<640x256xf32, #tpu.memory_space<vmem>>, %arg9: memref<256xf32, #tpu.memory_space<vmem>>, %arg10: memref<256xf32, #tpu.memory_space<vmem>>, %arg11: memref<256xf32, #tpu.memory_space<vmem>>, %arg12: memref<256x2xf32, #tpu.memory_space<vmem>>, %arg13: memref<2xf32, #tpu.memory_space<vmem>>, %arg14: memref<2048x2xf32, #tpu.memory_space<vmem>>) attributes {dimension_semantics = [#tpu.dimension_semantics<arbitrary>], iteration_bounds = array<i64: 5>, scalar_prefetch = 0 : i64, scratch_operands = 0 : i64, tpu.core_type = #tpu.core_type<tc>, window_params = [{transform_indices = @transform_0, window_bounds = array<i64: 2048, 128>}, {transform_indices = @transform_1, window_bounds = array<i64: 2, 2048, 128>}, {transform_indices = @transform_2, window_bounds = array<i64: 2, 2048, 128>}, {transform_indices = @transform_3, window_bounds = array<i64: 16, 128>}, {pipeline_mode = #tpu.pipeline_mode<synchronous>, transform_indices = @transform_4, window_bounds = array<i64: 256, 256>}, {pipeline_mode = #tpu.pipeline_mode<synchronous>, transform_indices = @transform_5, window_bounds = array<i64: 256>}, {pipeline_mode = #tpu.pipeline_mode<synchronous>, transform_indices = @transform_6, window_bounds = array<i64: 256, 256>}, {pipeline_mode = #tpu.pipeline_mode<synchronous>, transform_indices = @transform_7, window_bounds = array<i64: 640, 256>}, {pipeline_mode = #tpu.pipeline_mode<synchronous>, transform_indices = @transform_8, window_bounds = array<i64: 256>}, {pipeline_mode = #tpu.pipeline_mode<synchronous>, transform_indices = @transform_9, window_bounds = array<i64: 256>}, {pipeline_mode = #tpu.pipeline_mode<synchronous>, transform_indices = @transform_10, window_bounds = array<i64: 256>}, {pipeline_mode = #tpu.pipeline_mode<synchronous>, transform_indices = @transform_11, window_bounds = array<i64: 256, 2>}, {pipeline_mode = #tpu.pipeline_mode<synchronous>, transform_indices = @transform_12, window_bounds = array<i64: 2>}, {transform_indices = @transform_13, window_bounds = array<i64: 2048, 2>}]} {
    %get3A = arith.constant 0 : index
    %get3A_0 = arith.constant 0 : index
    %get3A_1 = vector.load %arg4[%get3A, %get3A_0] : memref<16x128xf32, #tpu.memory_space<vmem>>, vector<16x128xf32>
    %div3A = arith.constant 1.000000e+00 : f32
    %div3A_2 = vector.broadcast %div3A : f32 to vector<16x128xf32>
    %div3A_3 = arith.divf %div3A_2, %get3A_1 : vector<16x128xf32>
    %broadcast_in_dim3A = vector.shape_cast %div3A_3 : vector<16x128xf32> to vector<16x128x1xf32>
    %get3A_4 = arith.constant 0 : index
    %get3A_5 = arith.constant 0 : index
    %get3A_6 = arith.constant 0 : index
    %get3A_7 = vector.load %arg2[%get3A_4, %get3A_5, %get3A_6] : memref<2x2048x128xf32, #tpu.memory_space<vmem>>, vector<1x2048x128xf32>
    %get3A_8 = vector.shape_cast %get3A_7 : vector<1x2048x128xf32> to vector<2048x128xf32>
    %get3A_9 = arith.constant 1 : index
    %get3A_10 = arith.constant 0 : index
    %get3A_11 = arith.constant 0 : index
    %get3A_12 = vector.load %arg2[%get3A_9, %get3A_10, %get3A_11] : memref<2x2048x128xf32, #tpu.memory_space<vmem>>, vector<1x2048x128xf32>
    %get3A_13 = vector.shape_cast %get3A_12 : vector<1x2048x128xf32> to vector<2048x128xf32>
    %concatenate3A = tpu.concatenate %get3A_8, %get3A_13 in 1 : vector<2048x128xf32>, vector<2048x128xf32> -> vector<2048x256xf32>
    %get3A_14 = arith.constant 0 : index
    %get3A_15 = arith.constant 0 : index
    %get3A_16 = arith.constant 0 : index
    %get3A_17 = vector.load %arg3[%get3A_14, %get3A_15, %get3A_16] : memref<2x2048x128xf32, #tpu.memory_space<vmem>>, vector<1x2048x128xf32>
    %get3A_18 = vector.shape_cast %get3A_17 : vector<1x2048x128xf32> to vector<2048x128xf32>
    %get3A_19 = arith.constant 1 : index
    %get3A_20 = arith.constant 0 : index
    %get3A_21 = arith.constant 0 : index
    %get3A_22 = vector.load %arg3[%get3A_19, %get3A_20, %get3A_21] : memref<2x2048x128xf32, #tpu.memory_space<vmem>>, vector<1x2048x128xf32>
    %get3A_23 = vector.shape_cast %get3A_22 : vector<1x2048x128xf32> to vector<2048x128xf32>
    %concatenate3A_24 = tpu.concatenate %get3A_18, %get3A_23 in 1 : vector<2048x128xf32>, vector<2048x128xf32> -> vector<2048x256xf32>
    %reshape3A = vector.shape_cast %concatenate3A_24 : vector<2048x256xf32> to vector<16x128x256xf32>
    %mul3A = vector.broadcast %broadcast_in_dim3A : vector<16x128x1xf32> to vector<16x128x256xf32>
    %mul3A_25 = arith.mulf %reshape3A, %mul3A : vector<16x128x256xf32>
    %reshape3A_26 = vector.shape_cast %mul3A_25 : vector<16x128x256xf32> to vector<2048x256xf32>
    %get3A_27 = arith.constant 0 : index
    %get3A_28 = arith.constant 0 : index
    %get3A_29 = vector.load %arg5[%get3A_27, %get3A_28] : memref<256x256xf32, #tpu.memory_space<vmem>>, vector<256x256xf32>
    %convert_element_type3A = arith.truncf %reshape3A_26 : vector<2048x256xf32> to vector<2048x256xbf16>
    %convert_element_type3A_30 = arith.truncf %get3A_29 : vector<256x256xf32> to vector<256x256xbf16>
    %dot_general3A = arith.constant dense<0.000000e+00> : vector<2048x256xf32>
    %dot_general3A_31 = tpu.matmul %convert_element_type3A, %convert_element_type3A_30, %dot_general3A {dimension_numbers = #tpu.dot_dimension_numbers<[1], [0], [0], [1], [0, 0, 1, 1], [], []>, transpose_lhs_hint = false} : vector<2048x256xbf16>, vector<256x256xbf16>, vector<2048x256xf32> -> vector<2048x256xf32>
    %get3A_32 = arith.constant 0 : index
    %get3A_33 = vector.load %arg6[%get3A_32] : memref<256xf32, #tpu.memory_space<vmem>>, vector<256xf32>
    %broadcast_in_dim3A_34 = vector.shape_cast %get3A_33 : vector<256xf32> to vector<1x256xf32>
    %add3A = vector.broadcast %broadcast_in_dim3A_34 : vector<1x256xf32> to vector<2048x256xf32>
    %add3A_35 = arith.addf %dot_general3A_31, %add3A : vector<2048x256xf32>
    %get3A_36 = arith.constant 0 : index
    %get3A_37 = arith.constant 0 : index
    %get3A_38 = vector.load %arg7[%get3A_36, %get3A_37] : memref<256x256xf32, #tpu.memory_space<vmem>>, vector<256x256xf32>
    %convert_element_type3A_39 = arith.truncf %concatenate3A : vector<2048x256xf32> to vector<2048x256xbf16>
    %convert_element_type3A_40 = arith.truncf %get3A_38 : vector<256x256xf32> to vector<256x256xbf16>
    %dot_general3A_41 = arith.constant dense<0.000000e+00> : vector<2048x256xf32>
    %dot_general3A_42 = tpu.matmul %convert_element_type3A_39, %convert_element_type3A_40, %dot_general3A_41 {dimension_numbers = #tpu.dot_dimension_numbers<[1], [0], [0], [1], [0, 0, 1, 1], [], []>, transpose_lhs_hint = false} : vector<2048x256xbf16>, vector<256x256xbf16>, vector<2048x256xf32> -> vector<2048x256xf32>
    %add3A_43 = arith.addf %add3A_35, %dot_general3A_42 : vector<2048x256xf32>
    %max3A = arith.constant 0.000000e+00 : f32
    %max3A_44 = vector.broadcast %max3A : f32 to vector<2048x256xf32>
    %max3A_45 = arith.maximumf %add3A_43, %max3A_44 : vector<2048x256xf32>
    %get3A_46 = arith.constant 0 : index
    %get3A_47 = arith.constant 0 : index
    %get3A_48 = vector.load %arg1[%get3A_46, %get3A_47] : memref<2048x128xf32, #tpu.memory_space<vmem>>, vector<2048x128xf32>
    %concatenate3A_49 = tpu.concatenate %get3A_48, %concatenate3A, %max3A_45 in 1 : vector<2048x128xf32>, vector<2048x256xf32>, vector<2048x256xf32> -> vector<2048x640xf32>
    %get3A_50 = arith.constant 0 : index
    %get3A_51 = arith.constant 0 : index
    %get3A_52 = vector.load %arg8[%get3A_50, %get3A_51] : memref<640x256xf32, #tpu.memory_space<vmem>>, vector<640x256xf32>
    %convert_element_type3A_53 = arith.truncf %concatenate3A_49 : vector<2048x640xf32> to vector<2048x640xbf16>
    %convert_element_type3A_54 = arith.truncf %get3A_52 : vector<640x256xf32> to vector<640x256xbf16>
    %dot_general3A_55 = arith.constant dense<0.000000e+00> : vector<2048x256xf32>
    %dot_general3A_56 = tpu.matmul %convert_element_type3A_53, %convert_element_type3A_54, %dot_general3A_55 {dimension_numbers = #tpu.dot_dimension_numbers<[1], [0], [0], [1], [0, 0, 1, 1], [], []>, transpose_lhs_hint = false} : vector<2048x640xbf16>, vector<640x256xbf16>, vector<2048x256xf32> -> vector<2048x256xf32>
    %get3A_57 = arith.constant 0 : index
    %get3A_58 = vector.load %arg9[%get3A_57] : memref<256xf32, #tpu.memory_space<vmem>>, vector<256xf32>
    %broadcast_in_dim3A_59 = vector.shape_cast %get3A_58 : vector<256xf32> to vector<1x256xf32>
    %add3A_60 = vector.broadcast %broadcast_in_dim3A_59 : vector<1x256xf32> to vector<2048x256xf32>
    %add3A_61 = arith.addf %dot_general3A_56, %add3A_60 : vector<2048x256xf32>
    %max3A_62 = arith.constant 0.000000e+00 : f32
    %max3A_63 = vector.broadcast %max3A_62 : f32 to vector<2048x256xf32>
    %max3A_64 = arith.maximumf %add3A_61, %max3A_63 : vector<2048x256xf32>
    %reduce_sum3A = arith.constant dense<0.000000e+00> : vector<2048xf32>
    %reduce_sum3A_65 = vector.multi_reduction <add>, %max3A_64, %reduce_sum3A [1] : vector<2048x256xf32> to vector<2048xf32>
    %broadcast_in_dim3A_66 = vector.shape_cast %reduce_sum3A_65 : vector<2048xf32> to vector<2048x1xf32>
    %div3A_67 = arith.constant 2.560000e+02 : f32
    %div3A_68 = vector.broadcast %div3A_67 : f32 to vector<2048x1xf32>
    %div3A_69 = arith.divf %broadcast_in_dim3A_66, %div3A_68 : vector<2048x1xf32>
    %sub3A = vector.broadcast %div3A_69 : vector<2048x1xf32> to vector<2048x256xf32>
    %sub3A_70 = arith.subf %max3A_64, %sub3A : vector<2048x256xf32>
    %sub3A_71 = vector.broadcast %div3A_69 : vector<2048x1xf32> to vector<2048x256xf32>
    %sub3A_72 = arith.subf %max3A_64, %sub3A_71 : vector<2048x256xf32>
    %mul3A_73 = arith.mulf %sub3A_70, %sub3A_72 : vector<2048x256xf32>
    %reduce_sum3A_74 = arith.constant dense<0.000000e+00> : vector<2048xf32>
    %reduce_sum3A_75 = vector.multi_reduction <add>, %mul3A_73, %reduce_sum3A_74 [1] : vector<2048x256xf32> to vector<2048xf32>
    %broadcast_in_dim3A_76 = vector.shape_cast %reduce_sum3A_75 : vector<2048xf32> to vector<2048x1xf32>
    %div3A_77 = arith.constant 2.560000e+02 : f32
    %div3A_78 = vector.broadcast %div3A_77 : f32 to vector<2048x1xf32>
    %div3A_79 = arith.divf %broadcast_in_dim3A_76, %div3A_78 : vector<2048x1xf32>
    %sub3A_80 = vector.broadcast %div3A_69 : vector<2048x1xf32> to vector<2048x256xf32>
    %sub3A_81 = arith.subf %max3A_64, %sub3A_80 : vector<2048x256xf32>
    %add3A_82 = arith.constant 9.99999974E-6 : f32
    %add3A_83 = vector.broadcast %add3A_82 : f32 to vector<2048x1xf32>
    %add3A_84 = arith.addf %div3A_79, %add3A_83 : vector<2048x1xf32>
    %rsqrt3A = math.rsqrt %add3A_84 : vector<2048x1xf32>
    %mul3A_85 = vector.broadcast %rsqrt3A : vector<2048x1xf32> to vector<2048x256xf32>
    %mul3A_86 = arith.mulf %sub3A_81, %mul3A_85 : vector<2048x256xf32>
    %get3A_87 = arith.constant 0 : index
    %get3A_88 = vector.load %arg10[%get3A_87] : memref<256xf32, #tpu.memory_space<vmem>>, vector<256xf32>
    %broadcast_in_dim3A_89 = vector.shape_cast %get3A_88 : vector<256xf32> to vector<1x256xf32>
    %mul3A_90 = vector.broadcast %broadcast_in_dim3A_89 : vector<1x256xf32> to vector<2048x256xf32>
    %mul3A_91 = arith.mulf %mul3A_86, %mul3A_90 : vector<2048x256xf32>
    %get3A_92 = arith.constant 0 : index
    %get3A_93 = vector.load %arg11[%get3A_92] : memref<256xf32, #tpu.memory_space<vmem>>, vector<256xf32>
    %broadcast_in_dim3A_94 = vector.shape_cast %get3A_93 : vector<256xf32> to vector<1x256xf32>
    %add3A_95 = vector.broadcast %broadcast_in_dim3A_94 : vector<1x256xf32> to vector<2048x256xf32>
    %add3A_96 = arith.addf %mul3A_91, %add3A_95 : vector<2048x256xf32>
    %get3A_97 = arith.constant 0 : index
    %get3A_98 = arith.constant 0 : index
    %get3A_99 = vector.load %arg12[%get3A_97, %get3A_98] : memref<256x2xf32, #tpu.memory_space<vmem>>, vector<256x2xf32>
    %convert_element_type3A_100 = arith.truncf %add3A_96 : vector<2048x256xf32> to vector<2048x256xbf16>
    %convert_element_type3A_101 = arith.truncf %get3A_99 : vector<256x2xf32> to vector<256x2xbf16>
    %dot_general3A_102 = arith.constant dense<0.000000e+00> : vector<2048x2xf32>
    %dot_general3A_103 = tpu.matmul %convert_element_type3A_100, %convert_element_type3A_101, %dot_general3A_102 {dimension_numbers = #tpu.dot_dimension_numbers<[1], [0], [0], [1], [0, 0, 1, 1], [], []>, transpose_lhs_hint = false} : vector<2048x256xbf16>, vector<256x2xbf16>, vector<2048x2xf32> -> vector<2048x2xf32>
    %get3A_104 = arith.constant 0 : index
    %get3A_105 = vector.load %arg13[%get3A_104] : memref<2xf32, #tpu.memory_space<vmem>>, vector<2xf32>
    %broadcast_in_dim3A_106 = vector.shape_cast %get3A_105 : vector<2xf32> to vector<1x2xf32>
    %add3A_107 = vector.broadcast %broadcast_in_dim3A_106 : vector<1x2xf32> to vector<2048x2xf32>
    %add3A_108 = arith.addf %dot_general3A_103, %add3A_107 : vector<2048x2xf32>
    %swap3A = arith.constant 0 : index
    %swap3A_109 = arith.constant 0 : index
    %swap3A_110 = vector.load %arg14[%swap3A, %swap3A_109] : memref<2048x2xf32, #tpu.memory_space<vmem>>, vector<2048x2xf32>
    tpu.vector_store %arg14[%swap3A, %swap3A_109], %add3A_108 {strides = array<i32>} : memref<2048x2xf32, #tpu.memory_space<vmem>>, vector<2048x2xf32>,
    return
  }
  func.func @transform_0(%arg0: i32) -> (i32, i32) {
    %c0_i32 = arith.constant 0 : i32
    %c0_i32_0 = arith.constant 0 : i32
    return %arg0, %c0_i32 : i32, i32
  }
  func.func @transform_1(%arg0: i32) -> (i32, i32, i32) {
    %c0_i32 = arith.constant 0 : i32
    %c0_i32_0 = arith.constant 0 : i32
    %c0_i32_1 = arith.constant 0 : i32
    return %c0_i32, %arg0, %c0_i32_0 : i32, i32, i32
  }
  func.func @transform_2(%arg0: i32) -> (i32, i32, i32) {
    %c0_i32 = arith.constant 0 : i32
    %c0_i32_0 = arith.constant 0 : i32
    %c0_i32_1 = arith.constant 0 : i32
    return %c0_i32, %arg0, %c0_i32_0 : i32, i32, i32
  }
  func.func @transform_3(%arg0: i32) -> (i32, i32) {
    %c0_i32 = arith.constant 0 : i32
    %c0_i32_0 = arith.constant 0 : i32
    return %arg0, %c0_i32 : i32, i32
  }
  func.func @transform_4(%arg0: i32) -> (i32, i32) {
    %c0_i32 = arith.constant 0 : i32
    %c0_i32_0 = arith.constant 0 : i32
    %c0_i32_1 = arith.constant 0 : i32
    return %c0_i32, %c0_i32_0 : i32, i32
  }
  func.func @transform_5(%arg0: i32) -> i32 {
    %c0_i32 = arith.constant 0 : i32
    %c0_i32_0 = arith.constant 0 : i32
    return %c0_i32 : i32
  }
  func.func @transform_6(%arg0: i32) -> (i32, i32) {
    %c0_i32 = arith.constant 0 : i32
    %c0_i32_0 = arith.constant 0 : i32
    %c0_i32_1 = arith.constant 0 : i32
    return %c0_i32, %c0_i32_0 : i32, i32
  }
  func.func @transform_7(%arg0: i32) -> (i32, i32) {
    %c0_i32 = arith.constant 0 : i32
    %c0_i32_0 = arith.constant 0 : i32
    %c0_i32_1 = arith.constant 0 : i32
    return %c0_i32, %c0_i32_0 : i32, i32
  }
  func.func @transform_8(%arg0: i32) -> i32 {
    %c0_i32 = arith.constant 0 : i32
    %c0_i32_0 = arith.constant 0 : i32
    return %c0_i32 : i32
  }
  func.func @transform_9(%arg0: i32) -> i32 {
    %c0_i32 = arith.constant 0 : i32
    %c0_i32_0 = arith.constant 0 : i32
    return %c0_i32 : i32
  }
  func.func @transform_10(%arg0: i32) -> i32 {
    %c0_i32 = arith.constant 0 : i32
    %c0_i32_0 = arith.constant 0 : i32
    return %c0_i32 : i32
  }
  func.func @transform_11(%arg0: i32) -> (i32, i32) {
    %c0_i32 = arith.constant 0 : i32
    %c0_i32_0 = arith.constant 0 : i32
    %c0_i32_1 = arith.constant 0 : i32
    return %c0_i32, %c0_i32_0 : i32, i32
  }
  func.func @transform_12(%arg0: i32) -> i32 {
    %c0_i32 = arith.constant 0 : i32
    %c0_i32_0 = arith.constant 0 : i32
    return %c0_i32 : i32
  }
  func.func @transform_13(%arg0: i32) -> (i32, i32) {
    %c0_i32 = arith.constant 0 : i32
    %c0_i32_0 = arith.constant 0 : i32
    return %arg0, %c0_i32 : i32, i32
  }
}

</mosaic_0001>

<sc_bundles>
// kernel: kernel.6.cloned.1.call-start
scs
__scs_entry_jumppad:
0x0: {  	(pc) =	sbr.rel $0x88, $3  }
0x1: {  	(tag) =	ssettag $0x0;
	lr =	simm.s32 $0x1  }
0x2: {  	[smem:$0x3F93] =	sst lr;
	_ =	strace $0xD0000000  }
0x3: {  	_ = 	snop  }
0x4: {  	_ = 	snop  }
0x5: {  	_ = 	snop  }
0x6: {  	_ = 	snop  }
0x7: {  	_ = 	snop  }
__scs_overlays_trampoline_lowered:
0x8: {  	[smem:$0x3FA2] =	sst s0  }
0x9: {  	[smem:$0x3FA3] =	sst s1  }
0xa: {  	[smem:$0x3FA4] =	sst s2  }
0xb: {  	[smem:$0x3FA5] =	sst s3  }
0xc: {  	[smem:$0x3FA6] =	sst s4  }
0xd: {  	[smem:$0x3FA7] =	sst s5  }
0xe: {  	[smem:$0x3FA8] =	sst s6  }
0xf: {  	[smem:$0x3FA9] =	sst s7  }
0x10: {  	[smem:$0x3FAA] =	sst s8  }
0x11: {  	[smem:$0x3FAB] =	sst s9;
	s0 =	simm.s32 @!p0 $0x0  }
0x12: {  	s1 =	sld [smem:$0x3F91];
	s0 =	simm.s32 @p0 $0x1  }
0x13: {  	[smem:$0x3FAC] =	sst s0;
	s0 =	simm.s32 @!p1 $0x0  }
0x14: {  	s2 =	sld [smem:$0x3F90];
	s0 =	simm.s32 @p1 $0x1  }
0x15: {  	[smem:$0x3FAD] =	sst s0;
	s0 =	simm.s32 @!p2 $0x0  }
0x16: {  	s3 =	sld [smem:$0x3FDB];
	s0 =	simm.s32 @p2 $0x1  }
0x17: {  	s4 =	simm.s32 $0x1BF5;
	[smem:$0x3FAF] =	sst s0  }
0x18: {  	s0 =	sld [smem:$0x3F92];
	_ =	swait.ge [sflag:s4], $0x0  }
0x19: {  	s7 =	sld [smem:$0x3F93]  }
0x1a: {  	s8 =	sadd.s32 $0xFFFFE003, lr  }
0x1b: {  	s9 =	sadd.s32 $0xFFFFFEF7, lr;
	s5 =	simm.s32 $0xFFFFFFFF;
	p2 =	slt.u32 s8, $0xFFFFF086  }
0x1c: {  	p1 =	slt.u32 s9, $0xF7A;
	s5 =	simm.s32 @!p2 $0x0  }
0x1d: {  	s5 =	simm.s32 @p1 $0x1;
	p0 =	seq.s32 s7, s2  }
0x1e: {  	s7 =	smul.u32 @!p0 $0xF7A, s2;
	p2 =	seq.s32 @!p0 s5, $0x0  }
0x1f: {  	s9 =	smul.u32 $0xF7A, s1;
	s8 =	simm.s32 @!p0 $0x1BF5;
	p2 =	por !p2, p0  }
0x20: {  	[sflag:s8] =	ssyncset.s32 @!p0 $0xFFFFF086;
	s6 =	sadd.s32 @!p0 s3, s7;
	s7 =	simm.s32 @!p0 $0x108  }
0x21: {  	s3 =	sadd.s32 s3, s9;
	s6 =	sadd.s32 @!p0 $0x88, s6;
	s7 =	simm.s32 @p2 $0x1082  }
0x22: {  	[simem:s7], [sflag:s8] =	dma.local @!p0 [hbm:s6], $0xF7A  }
0x23: {  	s9 =	sor.u32 $0xD0000000, s2;
	s6 =	simm.s32 $0x108;
	_ =	swait.ge @!p0 [sflag:s8], $0x0  }
0x24: {  	s3 =	sadd.s32 $0x88, s3;
	s6 =	simm.s32 @!p1 $0x1082;
	[sflag:s4] =	ssyncset.s32 $0xFFFFF086  }
0x25: {  	[simem:s6], [sflag:s4] =	dma.local [hbm:s3], $0xF7A  }
0x26: {  	[smem:$0x3F93] =	sst s1;
	(tag) =	ssettag s2;
	_ =	strace s9  }
0x27: {  	s1 =	sld [smem:$0x3FA3]  }
0x28: {  	s2 =	sld [smem:$0x3FA4]  }
0x29: {  	s4 =	sld [smem:$0x3FA6]  }
0x2a: {  	p0 =	seq.s32 s5, $0x0;
	s5 =	sld [smem:$0x3FA7]  }
0x2b: {  	s6 =	sld [smem:$0x3FA8]  }
0x2c: {  	s7 =	sld [smem:$0x3FA9]  }
0x2d: {  	s3 =	simm.s32 $0x108;
	s8 =	sld [smem:$0x3FAA]  }
0x2e: {  	s3 =	simm.s32 @!p0 $0x1082;
	s9 =	sld [smem:$0x3FAB]  }
0x2f: {  	lr =	sadd.s32 s0, s3;
	s0 =	sld [smem:$0x3FA2]  }
0x30: {  	s3 =	sld [smem:$0x3FA5]  }
0x31: {  	[smem:$0x3FAE] =	sst s10  }
0x32: {  	s10 =	sld [smem:$0x3FAC];
	_ =	sdelay $0x3  }
0x33: {  	p0 =	seq.s32 s10, $0x1;
	s10 =	sld [smem:$0x3FAE];
	_ =	sdelay $0x3  }
0x34: {  	[smem:$0x3FAE] =	sst s10  }
0x35: {  	s10 =	sld [smem:$0x3FAD];
	_ =	sdelay $0x3  }
0x36: {  	p1 =	seq.s32 s10, $0x1;
	s10 =	sld [smem:$0x3FAE];
	_ =	sdelay $0x3  }
0x37: {  	[smem:$0x3FAE] =	sst s10  }
0x38: {  	s10 =	sld [smem:$0x3FAF]  }
0x39: {  	_ = 	snop;
	(pc) =	sbr.ind lr, $3  }
0x3a: {  	_ = 	snop  }
0x3b: {  	_ = 	snop  }
0x3c: {  	p2 =	seq.s32 s10, $0x1;
	s10 =	sld [smem:$0x3FAE]  }
0x3d: {  	_ =	shalt  }
0x3e: {  	_ =	shalt  }
0x3f: {  	_ =	shalt  }
0x40: {  	_ =	shalt  }
0x41: {  	_ =	shalt  }
0x42: {  	_ =	shalt  }
0x43: {  	_ =	shalt  }
0x44: {  	_ =	shalt  }
0x45: {  	_ =	shalt  }
0x46: {  	_ =	shalt  }
0x47: {  	_ =	shalt  }
0x48: {  	_ =	shalt  }
0x49: {  	_ =	shalt  }
0x4a: {  	_ =	shalt  }
0x4b: {  	_ =	shalt  }
0x4c: {  	_ =	shalt  }
0x4d: {  	_ =	shalt  }
0x4e: {  	_ =	shalt  }
0x4f: {  	_ =	shalt  }
0x50: {  	_ =	shalt  }
0x51: {  	_ =	shalt  }
0x52: {  	_ =	shalt  }
0x53: {  	_ =	shalt  }
0x54: {  	_ =	shalt  }
0x55: {  	_ =	shalt  }
0x56: {  	_ =	shalt  }
0x57: {  	_ =	shalt  }
0x58: {  	_ =	shalt  }
0x59: {  	_ =	shalt  }
0x5a: {  	_ =	shalt  }
0x5b: {  	_ =	shalt  }
0x5c: {  	_ =	shalt  }
0x5d: {  	_ =	shalt  }
0x5e: {  	_ =	shalt  }
0x5f: {  	_ =	shalt  }
0x60: {  	_ =	shalt  }
0x61: {  	_ =	shalt  }
0x62: {  	_ =	shalt  }
0x63: {  	_ =	shalt  }
0x64: {  	_ =	shalt  }
0x65: {  	_ =	shalt  }
0x66: {  	_ =	shalt  }
0x67: {  	_ =	shalt  }
0x68: {  	_ =	shalt  }
0x69: {  	_ =	shalt  }
0x6a: {  	_ =	shalt  }
0x6b: {  	_ =	shalt  }
0x6c: {  	_ =	shalt  }
0x6d: {  	_ =	shalt  }
0x6e: {  	_ =	shalt  }
0x6f: {  	_ =	shalt  }
0x70: {  	_ =	shalt  }
0x71: {  	_ =	shalt  }
0x72: {  	_ =	shalt  }
0x73: {  	_ =	shalt  }
0x74: {  	_ =	shalt  }
0x75: {  	_ =	shalt  }
0x76: {  	_ =	shalt  }
0x77: {  	_ =	shalt  }
0x78: {  	_ =	shalt  }
0x79: {  	_ =	shalt  }
0x7a: {  	_ =	shalt  }
0x7b: {  	_ =	shalt  }
0x7c: {  	_ =	shalt  }
0x7d: {  	_ =	shalt  }
0x7e: {  	_ =	shalt  }
0x7f: {  	_ =	shalt  }
0x80: {  	_ =	shalt  }
0x81: {  	_ =	shalt  }
0x82: {  	_ =	shalt  }
0x83: {  	_ =	shalt  }
0x84: {  	_ =	shalt  }
0x85: {  	_ =	shalt  }
0x86: {  	_ =	shalt  }
0x87: {  	_ =	shalt  }
.Lfunc_end0:
.L_simem_size_0:
called_computation_lowered:
.L_overlay_start_0:
0x88: {  	s2 =	sld [smem:$0x3FD9]  }
0x89: {  	s3 =	sld [smem:$0x3FFE];
	_ =	sdelay $0x1  }
0x8a: {  	s1 =	srdreg.scid  }
0x8b: {  	s0 =	sand.u32 $0x1, s1  }
0x8c: {  	s17 =	sshll.u32 s0, $0xA;
	s2 =	sadd.s32 s3, s2  }
0x8d: {  	s2 =	sadd.s32 s2, s17  }
0x8e: {  	[smem:$0x3FBA] =	sst s2  }
0x8f: {  	_ = 	snop  }
0x90: {  	s2 =	sld [smem:$0x3FC9]  }
0x91: {  	s18 =	sld [smem:$0x3FC8];
	(tm) =	ssettm $0x1  }
0x92: {  	s4 =	sld [smem:$0x3FFB];
	_ =	sdelay $0x3  }
0x93: {  	_ =	strace s4  }
0x94: {  	s4 =	sld [smem:$0x3FFC];
	_ =	sdelay $0x3  }
0x95: {  	_ =	strace s4  }
0x96: {  	s4 =	sld [smem:$0x3FFD];
	_ =	sdelay $0x3  }
0x97: {  	_ =	strace s4  }
0x98: {  	_ =	strace $0x8FFFFFFF  }
0x99: {  	s19 =	sld [smem:$0x3FDB];
	_ =	sdelay $0x1  }
0x9a: {  	s5 =	simm.s32 $_scs_section_size  }
0x9b: {  	s6 =	simm.s32 $_size__tile_overlayer_lowered;
	s7 =	simm.s32 $_tile_overlayer_lowered  }
0x9c: {  	s22 =	simm.s32 $0x1BFF;
	s21 =	sshll.u32 s7, $0x1;
	s4 =	sadd.s32 s5, s19  }
0x9d: {  	s8 =	simm.s32 $0x0;
	s20 =	sshll.u32 s6, $0x1;
	s6 =	sadd.s32 s21, s4  }
0x9e: {  	[timem:s8], [sflag:s22] =	dma.local [hbm:s6], s20  }
0x9f: {  	_ =	swait.ge [sflag:s22], s20  }
0xa0: {  	s5 =	ssub.s32 $0x0, s20;
	[sflag:s22] =	ssyncset.done $0x0  }
0xa1: {  	[sflag:s22] =	ssyncadd.s32 s5;
	_ =	sdelay $0x1  }
0xa2: {  	s23 =	simm.s32 $0x1B8B  }
0xa3: {  	_ =	swait.ge [sflag:s23], $0x1  }
0xa4: {  	[sflag:s23] =	ssyncset.done $0x0  }
0xa5: {  	s25 =	simm.s32 $0x1B8E;
	s24 =	sld [smem:$0x3FFE];
	[sflag:s23] =	ssyncadd.s32 $0xFFFFFFFF  }
0xa6: {  	s26 =	simm.s32 $execute0_lowered;
	[smem:$0x3FD2] =	sst s25  }
0xa7: {  	s6 =	sshll.u32 s26, $0x1;
	_ =	strace $0x80000046;
	[dreg:$0x1] =	wrdreg $0xFFFFFFFF  }
0xa8: {  	s28 =	simm.s32 $_size_execute0_lowered;
	s4 =	sadd.s32 s4, s6;
	[dreg:$0x0] =	wrdreg $0x0  }
0xa9: {  	s6 =	sshll.u32 s28, $0x1;
	[dreg:$0x2] =	wrdreg s4  }
0xaa: {  	[dreg:$0x3] =	wrdreg s6  }
0xab: {  	[dreg:$0x4] =	wrdreg $0xC0  }
0xac: {  	_ =	task [dreg:s8], $0x5FFFF  }
0xad: {  	[dreg:$0x1] =	wrdreg $0xFFFFFFFF  }
0xae: {  	[dreg:$0x0] =	wrdreg $0x60  }
0xaf: {  	[dreg:$0x2] =	wrdreg s2  }
0xb0: {  	[dreg:$0x3] =	wrdreg s18  }
0xb1: {  	[dreg:$0x4] =	wrdreg s24  }
0xb2: {  	[dreg:$0x5] =	wrdreg $0x9F000  }
0xb3: {  	[dreg:$0x6] =	wrdreg $0x1D7800  }
0xb4: {  	[dreg:$0x7] =	wrdreg $0x9  }
0xb5: {  	_ =	task.clear_ibuf [dreg:s8], $0x8FFFF;
	_ =	strace $0x90000046  }
0xb6: {  	s29 =	simm.s32 $0x9;
	_ =	strace $0x80000048  }
0xb7: {  	_ =	swait.ge [sflag:s29], $0x1  }
0xb8: {  	[sflag:s29] =	ssyncadd.s32 $0xFFFFFFFF  }
0xb9: {  	_ =	strace $0x90000048  }
0xba: {  	_ =	sfence  }
0xbb: {  	s30 =	sld [smem:$0x0];
	_ =	sdelay $0x2  }
0xbc: {  	s31 =	sshll.u32 s1, $0xD;
	s1 =	sshrl.u32 s1, $0x2  }
0xbd: {  	s3 =	sand.u32 $0x4000, s31;
	s1 =	sadd.s32 s1, s30  }
0xbe: {  	s0 =	sor.u32 s3, s0;
	s1 =	sshll.u32 s1, $0x11  }
0xbf: {  	s0 =	sor.u32 s1, s0  }
0xc0: {  	s0 =	sadd.s32 $0x8F2B, s0  }
0xc1: {  	[sflag:s0] =	ssyncadd.remote.s32 $0x1  }
0xc2: {  	_ =	sfence.sel $0xFFFF  }
0xc3: {  	[dreg:$0x0] =	wrdreg $0xFFFFFFFF;
	(pc) =	sbr.abs _section_cstart, $3  }
0xc4: {  	[dreg:$0x1] =	wrdreg $0xFFFFFFFF  }
0xc5: {  	_ =	task.clear_ibuf [dreg:s8], $0x2FFFF;
	_ =	strace $0x9FFFFFFF  }
0xc6: {  	(tm) =	ssettm $0x7FFFFFFF  }
0xc7: {  	_ =	shalt  }
tec
execute0_lowered:
.L_overlay_start_1:
0x0: {  	(tag) =	ssettag $0x1  }
0x1: {  	s1 =	rddreg [dreg:$0x0]  }
0x2: {  	s0 =	rddreg [dreg:$0x1]  }
0x3: {  	s2 =	rddreg [dreg:$0x2]  }
0x4: {  	s3 =	rddreg [dreg:$0x3]  }
0x5: {  	s4 =	rddreg [dreg:$0x4]  }
0x6: {  	s6 =	srdreg.scid;
	s14 =	stileid.u32;
	s5 =	simm.s32 $0x0  }
0x7: {  	s23 =	simm.s32 $0x4400;
	s30 =	simm.s32 $0x100;
	s9 =	smul.u32 $0x280, s14  }
0x8: {  	s7 =	sand.u32 $0x1, s6;
	[smem:$0x7FF] =	sst s5;
	s24 =	smul.u32 $0x4E000, s14  }
0x9: {  	s10 =	sadd.s32 $0x3800, s2;
	p0 =	slt.u32 s14, $0x2;
	s28 =	smul.u32 $0x13800, s14  }
0xa: {  	s21 =	sshll.u32 s14, $0x5;
	s29 =	sadd.s32 $0x138000, s3;
	s12 =	smul.u32 $0x4E2, s7  }
0xb: {  	s6 =	smul.u32 $0x2800, s7;
	_ =	strace $0x80000047;
	s8 =	ssub.s32 $0x2, s7  }
0xc: {  	s25 =	smul.u32 $0x138800, s7;
	s11 =	sshrl.u32 s8, $0x1;
	s12 =	sadd.s32 s14, s12  }
0xd: {  	s11 =	ssub.s32 s8, s11;
	s8 =	sshrl.u32 s24, $0x2;
	s12 =	sshll.u32 s12, $0x5  }
0xe: {  	[dreg:$0x6] =	wrdreg s23;
	s8 =	sadd.s32 s8, s3;
	s13 =	sadd.s32 s0, s12  }
0xf: {  	s7 =	smul.u32 $0x9C40, s7;
	s26 =	sadd.s32 $0x1800, s8;
	[dreg:$0x7] =	wrdreg s13  }
0x10: {  	s6 =	sadd.s32 s9, s6;
	s15 =	sadd.s32 $0x3000, s8;
	[dreg:$0x9] =	wrdreg s26  }
0x11: {  	s6 =	sshrl.u32 s6, $0x3;
	s31 =	sadd.s32 $0x4800, s8;
	[dreg:$0xa] =	wrdreg s15  }
0x12: {  	s2 =	sadd.s32 s6, s2;
	s16 =	sadd.s32 $0x6000, s8;
	[dreg:$0xb] =	wrdreg s31  }
0x13: {  	s6 =	simm.s32 $0x4F;
	s17 =	sadd.s32 $0x7800, s8;
	[dreg:$0xc] =	wrdreg s16  }
0x14: {  	s18 =	sadd.s32 $0x9000, s8;
	s19 =	sadd.s32 $0xA800, s8;
	[dreg:$0xd] =	wrdreg s17  }
0x15: {  	s20 =	sadd.s32 $0xC000, s8;
	s12 =	sshrl.u32 s25, $0x3;
	[dreg:$0xe] =	wrdreg s18  }
0x16: {  	s0 =	sadd.s32 s7, s0;
	s22 =	sadd.s32 $0xD800, s8;
	[dreg:$0xf] =	wrdreg s19  }
0x17: {  	s24 =	sadd.s32 $0xF000, s8;
	s6 =	simm.s32 @!p0 $0x4E;
	[dreg:$0x10] =	wrdreg s20  }
0x18: {  	s13 =	sadd.s32 $0x200, s13;
	[dreg:$0x12] =	wrdreg s22;
	s0 =	sadd.s32 s21, s0  }
0x19: {  	[dreg:$0x13] =	wrdreg s24;
	s21 =	sadd.s32 s9, s4;
	s2 =	sadd.s32 $0x2E00, s2  }
0x1a: {  	s26 =	smax.u32 s11, $0x1;
	p0 =	sne.s32 s14, $0xF;
	s31 =	sadd.s32 $0x12000, s8  }
0x1b: {  	s9 =	simm.s32 $0xB;
	s11 =	simm.s32 $0x2;
	[dreg:$0x8] =	wrdreg s13  }
0x1c: {  	s15 =	simm.s32 $0xA;
	s16 =	simm.s32 $0x0;
	[dreg:$0x15] =	wrdreg s2  }
0x1d: {  	s13 =	sadd.s32 s28, s25;
	[dreg:$0x16] =	wrdreg s26;
	s18 =	sadd.s32 $0x600, s0  }
0x1e: {  	s28 =	sadd.s32 $0x10800, s8;
	[dreg:$0x18] =	wrdreg s31;
	s13 =	sshrl.u32 s13, $0x3  }
0x1f: {  	[dreg:$0x17] =	wrdreg s28;
	s13 =	sadd.s32 s10, s13;
	s10 =	sadd.s32 s10, s12  }
0x20: {  	s0 =	simm.s32 $0x80;
	[dreg:$0x11] =	wrdreg s13;
	s25 =	sadd.s32 $0x27000, s10  }
0x21: {  	v0 =	vimm.f32 $0.0e+00;
	v1 =	vimm.f32 $1.000000000e+00;
	s2 =	simm.s32 $0x8480;
	s12 =	simm.s32 $0x9C80;
	[dreg:$0x14] =	wrdreg s25  }
.LBB2_1:
0x22: {  	s7 =	rddreg [dreg:$0x7]  }
0x23: {  	[tilespmem:s5], [sflag:$0x1] =	stream.linear.gather [hbm4b:s7+s5], $0x100, $0x38;
	[tilespmem:$0x1DA00] =	vst v63  }
0x24: {  	s26 =	rddreg [dreg:$0x8];
	s28 =	simm.s32 $0x1  }
0x25: {  	[tilespmem:s30], [sflag:$0x2] =	stream.linear.gather [hbm4b:s26+s5], $0x100, $0x38;
	[tilespmem:$0x1DA00] =	vst v63  }
0x26: {  	_ =	swait.ge [sflag:s28], $0x100  }
0x27: {  	s31 =	simm.s32 $0x400;
	[sflag:s28] =	ssyncset.done $0x0  }
0x28: {  	s10 =	simm.s32 $0x200;
	s7 =	simm.s32 $0x0;
	[sflag:s28] =	ssyncadd.s32 $0xFFFFFF00  }
0x29: {  	[tilespmem:s31], [sflag:$0x5] =	stream.indirect.gather [hbm4b:s1+s0], $0x80, s5, s0, $0xb8;
	[tilespmem:$0x1DA00] =	vst v63  }
.LBB2_2:
0x2a: {  	p1 =	sne.s32 s10, $0x5E00;
	[tilespmem:s7+$0x84F0] =	vst v0  }
0x2b: {  	[tilespmem:s7+$0x8480] =	vst v0  }
0x2c: {  	[tilespmem:s7+$0x8490] =	vst v0  }
.Ltmp0:
0x2d: {  	[tilespmem:s7+$0x84A0] =	vst v0;
	(pc) =	sbr.rel @p1 .LBB2_2-.Ltmp0, $4  }
0x2e: {  	[tilespmem:s7+$0x84B0] =	vst v0  }
0x2f: {  	[tilespmem:s7+$0x84C0] =	vst v0  }
0x30: {  	[tilespmem:s7+$0x84D0] =	vst v0  }
0x31: {  	[tilespmem:s7+$0x84E0] =	vst v0;
	s7 =	sshra.s32 s10, $0x2;
	s10 =	sadd.s32 $0x200, s10  }
0x32: {  	[tilespmem:s7+$0x84F0] =	vst v0  }
0x33: {  	[tilespmem:s7+$0x8480] =	vst v0  }
0x34: {  	[tilespmem:s7+$0x8490] =	vst v0  }
0x35: {  	[tilespmem:s7+$0x84A0] =	vst v0  }
0x36: {  	[tilespmem:s7+$0x84B0] =	vst v0  }
0x37: {  	[tilespmem:s7+$0x84C0] =	vst v0  }
0x38: {  	[tilespmem:s7+$0x84D0] =	vst v0  }
0x39: {  	[tilespmem:s7+$0x84E0] =	vst v0  }
0x3a: {  	[tilespmem:$0x9C80] =	vst v0  }
0x3b: {  	[tilespmem:$0x9C90] =	vst v0  }
0x3c: {  	[tilespmem:$0x9CA0] =	vst v0  }
0x3d: {  	[tilespmem:$0x9CB0] =	vst v0  }
0x3e: {  	[tilespmem:$0x9CC0] =	vst v0  }
0x3f: {  	[tilespmem:$0x9CD0] =	vst v0  }
0x40: {  	[tilespmem:$0x9CE0] =	vst v0  }
0x41: {  	[tilespmem:$0x9CF0] =	vst v0  }
0x42: {  	[tilespmem:$0x9D00] =	vst v0  }
0x43: {  	[tilespmem:$0x9D10] =	vst v0  }
0x44: {  	[tilespmem:$0x9D20] =	vst v0  }
0x45: {  	[tilespmem:$0x9D30] =	vst v0  }
0x46: {  	[tilespmem:$0x9D40] =	vst v0  }
0x47: {  	[tilespmem:$0x9D50] =	vst v0  }
0x48: {  	[tilespmem:$0x9D60] =	vst v0  }
0x49: {  	[tilespmem:$0x9D70] =	vst v0  }
0x4a: {  	[tilespmem:$0x9D80] =	vst v0  }
0x4b: {  	[tilespmem:$0x9D90] =	vst v0  }
0x4c: {  	[tilespmem:$0x9DA0] =	vst v0  }
0x4d: {  	[tilespmem:$0x9DB0] =	vst v0  }
0x4e: {  	[tilespmem:$0x9DC0] =	vst v0  }
0x4f: {  	[tilespmem:$0x9DD0] =	vst v0  }
0x50: {  	[tilespmem:$0x9DE0] =	vst v0  }
0x51: {  	[tilespmem:$0x9DF0] =	vst v0  }
0x52: {  	[tilespmem:$0x9E00] =	vst v0  }
0x53: {  	[tilespmem:$0x9E10] =	vst v0  }
0x54: {  	[tilespmem:$0x9E20] =	vst v0  }
0x55: {  	[tilespmem:$0x9E30] =	vst v0  }
0x56: {  	[tilespmem:$0x9E40] =	vst v0  }
0x57: {  	[tilespmem:$0x9E50] =	vst v0  }
0x58: {  	[tilespmem:$0x9E60] =	vst v0  }
0x59: {  	[tilespmem:$0x9E70] =	vst v0  }
0x5a: {  	[tilespmem:$0x9E80] =	vst v0  }
0x5b: {  	[tilespmem:$0x9E90] =	vst v0  }
0x5c: {  	[tilespmem:$0x9EA0] =	vst v0  }
0x5d: {  	[tilespmem:$0x9EB0] =	vst v0  }
0x5e: {  	[tilespmem:$0x9EC0] =	vst v0  }
0x5f: {  	[tilespmem:$0x9ED0] =	vst v0  }
0x60: {  	[tilespmem:$0x9EE0] =	vst v0  }
0x61: {  	[tilespmem:$0x9EF0] =	vst v0  }
0x62: {  	[tilespmem:$0x8400] =	vst v1  }
0x63: {  	[tilespmem:$0x8410] =	vst v1  }
0x64: {  	[tilespmem:$0x8420] =	vst v1  }
0x65: {  	[tilespmem:$0x8430] =	vst v1  }
0x66: {  	[tilespmem:$0x8440] =	vst v1  }
0x67: {  	[tilespmem:$0x8450] =	vst v1  }
0x68: {  	[tilespmem:$0x8460] =	vst v1  }
0x69: {  	[tilespmem:$0x8470] =	vst v1  }
0x6a: {  	[spmem:s8] =	stream.linear.scatter [tilespmem:s2], [sflag:$0xB], $0x1800, $0x38;
	[tilespmem:$0x1DA00] =	vst v63  }
0x6b: {  	_ =	swait.ge [sflag:s9], $0x1800  }
0x6c: {  	[sflag:s9] =	ssyncset.done $0x0  }
0x6d: {  	s10 =	rddreg [dreg:$0x9];
	[sflag:s9] =	ssyncadd.s32 $0xFFFFE800  }
0x6e: {  	[spmem:s10] =	stream.linear.scatter [tilespmem:s2], [sflag:$0xB], $0x1800, $0x38;
	[tilespmem:$0x1DA00] =	vst v63  }
0x6f: {  	_ =	swait.ge [sflag:s9], $0x1800  }
0x70: {  	[sflag:s9] =	ssyncset.done $0x0  }
0x71: {  	s13 =	rddreg [dreg:$0xa];
	[sflag:s9] =	ssyncadd.s32 $0xFFFFE800  }
0x72: {  	[spmem:s13] =	stream.linear.scatter [tilespmem:s2], [sflag:$0xB], $0x1800, $0x38;
	[tilespmem:$0x1DA00] =	vst v63  }
0x73: {  	_ =	swait.ge [sflag:s9], $0x1800  }
0x74: {  	[sflag:s9] =	ssyncset.done $0x0  }
0x75: {  	s14 =	rddreg [dreg:$0xb];
	[sflag:s9] =	ssyncadd.s32 $0xFFFFE800  }
0x76: {  	[spmem:s14] =	stream.linear.scatter [tilespmem:s2], [sflag:$0xB], $0x1800, $0x38;
	[tilespmem:$0x1DA00] =	vst v63  }
0x77: {  	_ =	swait.ge [sflag:s9], $0x1800  }
0x78: {  	[sflag:s9] =	ssyncset.done $0x0  }
0x79: {  	s17 =	rddreg [dreg:$0xc];
	[sflag:s9] =	ssyncadd.s32 $0xFFFFE800  }
0x7a: {  	[spmem:s17] =	stream.linear.scatter [tilespmem:s2], [sflag:$0xB], $0x1800, $0x38;
	[tilespmem:$0x1DA00] =	vst v63  }
0x7b: {  	_ =	swait.ge [sflag:s9], $0x1800  }
0x7c: {  	[sflag:s9] =	ssyncset.done $0x0  }
0x7d: {  	s19 =	rddreg [dreg:$0xd];
	[sflag:s9] =	ssyncadd.s32 $0xFFFFE800  }
0x7e: {  	[spmem:s19] =	stream.linear.scatter [tilespmem:s2], [sflag:$0xB], $0x1800, $0x38;
	[tilespmem:$0x1DA00] =	vst v63  }
0x7f: {  	_ =	swait.ge [sflag:s9], $0x1800  }
0x80: {  	[sflag:s9] =	ssyncset.done $0x0  }
0x81: {  	s20 =	rddreg [dreg:$0xe];
	[sflag:s9] =	ssyncadd.s32 $0xFFFFE800  }
0x82: {  	[spmem:s20] =	stream.linear.scatter [tilespmem:s2], [sflag:$0xB], $0x1800, $0x38;
	[tilespmem:$0x1DA00] =	vst v63  }
0x83: {  	_ =	swait.ge [sflag:s9], $0x1800  }
0x84: {  	[sflag:s9] =	ssyncset.done $0x0  }
0x85: {  	s22 =	rddreg [dreg:$0xf];
	[sflag:s9] =	ssyncadd.s32 $0xFFFFE800  }
0x86: {  	[spmem:s22] =	stream.linear.scatter [tilespmem:s2], [sflag:$0xB], $0x1800, $0x38;
	[tilespmem:$0x1DA00] =	vst v63  }
0x87: {  	_ =	swait.ge [sflag:s9], $0x1800  }
0x88: {  	[sflag:s9] =	ssyncset.done $0x0  }
0x89: {  	s23 =	rddreg [dreg:$0x10];
	[sflag:s9] =	ssyncadd.s32 $0xFFFFE800  }
0x8a: {  	[spmem:s23] =	stream.linear.scatter [tilespmem:s2], [sflag:$0xB], $0x1800, $0x38;
	[tilespmem:$0x1DA00] =	vst v63  }
0x8b: {  	_ =	swait.ge [sflag:s9], $0x1800  }
0x8c: {  	[sflag:s9] =	ssyncset.done $0x0  }
0x8d: {  	s24 =	rddreg [dreg:$0x12];
	[sflag:s9] =	ssyncadd.s32 $0xFFFFE800  }
0x8e: {  	[spmem:s24] =	stream.linear.scatter [tilespmem:s2], [sflag:$0xB], $0x1800, $0x38;
	[tilespmem:$0x1DA00] =	vst v63  }
0x8f: {  	_ =	swait.ge [sflag:s9], $0x1800  }
0x90: {  	[sflag:s9] =	ssyncset.done $0x0  }
0x91: {  	s25 =	rddreg [dreg:$0x13];
	[sflag:s9] =	ssyncadd.s32 $0xFFFFE800  }
0x92: {  	[spmem:s25] =	stream.linear.scatter [tilespmem:s2], [sflag:$0xB], $0x1800, $0x38;
	[tilespmem:$0x1DA00] =	vst v63  }
0x93: {  	_ =	swait.ge [sflag:s9], $0x1800  }
0x94: {  	[sflag:s9] =	ssyncset.done $0x0  }
0x95: {  	s26 =	rddreg [dreg:$0x17];
	[sflag:s9] =	ssyncadd.s32 $0xFFFFE800  }
0x96: {  	[spmem:s26] =	stream.linear.scatter [tilespmem:s2], [sflag:$0xB], $0x1800, $0x38;
	[tilespmem:$0x1DA00] =	vst v63  }
0x97: {  	_ =	swait.ge [sflag:s9], $0x1800  }
0x98: {  	[sflag:s9] =	ssyncset.done $0x0  }
0x99: {  	s28 =	rddreg [dreg:$0x18];
	[sflag:s9] =	ssyncadd.s32 $0xFFFFE800  }
0x9a: {  	[spmem:s28] =	stream.linear.scatter [tilespmem:s2], [sflag:$0xB], $0x1800, $0x38;
	[tilespmem:$0x1DA00] =	vst v63  }
0x9b: {  	_ =	swait.ge [sflag:s9], $0x1800  }
0x9c: {  	[sflag:s9] =	ssyncset.done $0x0  }
0x9d: {  	s7 =	simm.s32 @!p0 $0x8480;
	[sflag:s9] =	ssyncadd.s32 $0xFFFFE800  }
0x9e: {  	[spmem:s29] =	stream.linear.scatter @!p0 [tilespmem:s7], [sflag:$0xB], $0x800, $0x38;
	[tilespmem:$0x1DA00] =	vst v63  }
0x9f: {  	s7 =	simm.s32 @!p0 $0xB  }
0xa0: {  	_ =	swait.ge @!p0 [sflag:s7], $0x800  }
0xa1: {  	[sflag:s7] =	ssyncset.done @!p0 $0x0  }
0xa2: {  	[sflag:s7] =	ssyncadd.s32 @!p0 $0xFFFFF800  }
0xa3: {  	[spmem:s21] =	stream.linear.scatter [tilespmem:s12], [sflag:$0xB], $0x280, $0x38;
	[tilespmem:$0x1DA00] =	vst v63  }
0xa4: {  	_ =	swait.ge [sflag:s9], $0x280  }
0xa5: {  	[sflag:s9] =	ssyncset.done $0x0  }
0xa6: {  	[sflag:s9] =	ssyncadd.s32 $0xFFFFFD80  }
0xa7: {  	[bflag:$0x0] =	sbarrier.arrive $0xFFFF  }
0xa8: {  	_ =	swait.ge [sflag:s11], $0x100  }
0xa9: {  	p1 =	por $0x1, $0x1;
	[sflag:s11] =	ssyncset.done $0x0  }
0xaa: {  	s7 =	simm.s32 @!p1 $0x8;
	[sflag:s11] =	ssyncadd.s32 $0xFFFFFF00  }
0xab: {  	_ =	swait.ge @!p1 [sflag:s7], $0x4000  }
0xac: {  	[sflag:s7] =	ssyncset.done @!p1 $0x0  }
0xad: {  	s10 =	simm.s32 @!p1 $0xA;
	[sflag:s7] =	ssyncadd.s32 @!p1 $0xFFFFC000  }
0xae: {  	_ =	swait.ge @!p1 [sflag:s10], $0x80  }
0xaf: {  	p2 =	sle.u32 s6, $0x2;
	[sflag:s10] =	ssyncset.done @!p1 $0x0  }
0xb0: {  	s31 =	rddreg [dreg:$0x6];
	[sflag:s10] =	ssyncadd.s32 @!p1 $0xFFFFFF80;
	s10 =	simm.s32 @p2 $0x5  }
0xb1: {  	[tilespmem:s31], [sflag:$0x6] =	stream.indirect.gather [hbm4b:s1+s0], $0x80, s30, s0, $0xb8;
	[tilespmem:$0x1DA00] =	vst v63  }
0xb2: {  	_ =	swait.ge @p2 [sflag:s10], $0x4000  }
0xb3: {  	[sflag:s10] =	ssyncset.done @p2 $0x0  }
0xb4: {  	s17 =	simm.s32 @p2 $0x80;
	s7 =	simm.s32 @p2 $0x400;
	[sflag:s10] =	ssyncadd.s32 @p2 $0xFFFFC000  }
0xb5: {  	[spmem:s3] =	stream.indirect.scatter.add.f32 @p2 [tilespmem:s7], [sflag:$0x7], $0x80, s17, s17, $0xb8;
	[tilespmem:$0x1DA00] =	vst v63  }
0xb6: {  	s19 =	simm.s32 @!p2 $0x200;
	s10 =	simm.s32 @p2 $0x8400  }
0xb7: {  	[spmem:s4] =	stream.indirect.scatter.add.f32 @p2 [tilespmem:s10], [sflag:$0x9], $0x1, s17, s17, $0xb8;
	[tilespmem:$0x1DA00] =	vst v63  }
0xb8: {  	s7 =	simm.s32 @!p2 $0x5;
	s10 =	sadd.s32 @!p2 $0xFFFFFE00, s18;
	s17 =	simm.s32 @!p2 $0x0  }
0xb9: {  	[tilespmem:s19], [sflag:$0x3] =	stream.linear.gather @!p2 [hbm4b:s10+s17], $0x100, $0x38;
	[tilespmem:$0x1DA00] =	vst v63  }
0xba: {  	_ =	swait.ge @!p2 [sflag:s7], $0x4000  }
0xbb: {  	[sflag:s7] =	ssyncset.done @!p2 $0x0  }
0xbc: {  	s10 =	simm.s32 @!p2 $0x80;
	s17 =	simm.s32 @!p2 $0x400;
	[sflag:s7] =	ssyncadd.s32 @!p2 $0xFFFFC000  }
0xbd: {  	[spmem:s3] =	stream.indirect.scatter.add.f32 @!p2 [tilespmem:s17], [sflag:$0x7], $0x80, s10, s10, $0xb8;
	[tilespmem:$0x1DA00] =	vst v63  }
0xbe: {  	s20 =	simm.s32 @!p2 $0x3;
	s24 =	simm.s32 @!p2 $0x8400  }
0xbf: {  	[spmem:s4] =	stream.indirect.scatter.add.f32 @!p2 [tilespmem:s24], [sflag:$0x9], $0x1, s10, s10, $0xb8;
	[tilespmem:$0x1DA00] =	vst v63  }
0xc0: {  	_ =	swait.ge @!p2 [sflag:s20], $0x100  }
0xc1: {  	[sflag:s20] =	ssyncset.done @!p2 $0x0  }
0xc2: {  	s22 =	simm.s32 @!p2 $0x7;
	[sflag:s20] =	ssyncadd.s32 @!p2 $0xFFFFFF00  }
0xc3: {  	_ =	swait.ge @!p2 [sflag:s22], $0x4000  }
0xc4: {  	[sflag:s22] =	ssyncset.done @!p2 $0x0  }
0xc5: {  	s20 =	simm.s32 @!p2 $0x9;
	[sflag:s22] =	ssyncadd.s32 @!p2 $0xFFFFC000  }
0xc6: {  	_ =	swait.ge @!p2 [sflag:s20], $0x80  }
0xc7: {  	p1 =	sle.u32 s6, $0x3;
	[sflag:s20] =	ssyncset.done @!p2 $0x0  }
0xc8: {  	s22 =	simm.s32 @p1 $0x6;
	[sflag:s20] =	ssyncadd.s32 @!p2 $0xFFFFFF80  }
0xc9: {  	[tilespmem:s17], [sflag:$0x5] =	stream.indirect.gather @!p2 [hbm4b:s1+s10], $0x80, s19, s10, $0xb8;
	[tilespmem:$0x1DA00] =	vst v63  }
0xca: {  	_ =	swait.ge @p1 [sflag:s22], $0x4000  }
0xcb: {  	s20 =	simm.s32 @p1 $0x180;
	[sflag:s22] =	ssyncset.done @p1 $0x0  }
0xcc: {  	s19 =	simm.s32 @p1 $0x80;
	[sflag:s22] =	ssyncadd.s32 @p1 $0xFFFFC000;
	s22 =	simm.s32 @p1 $0x4400  }
0xcd: {  	[spmem:s3] =	stream.indirect.scatter.add.f32 @p1 [tilespmem:s22], [sflag:$0x8], $0x80, s20, s19, $0xb8;
	[tilespmem:$0x1DA00] =	vst v63  }
0xce: {  	s22 =	simm.s32 @p1 $0x8400  }
0xcf: {  	[spmem:s4] =	stream.indirect.scatter.add.f32 @p1 [tilespmem:s22], [sflag:$0xA], $0x1, s20, s19, $0xb8;
	[tilespmem:$0x1DA00] =	vst v63  }
0xd0: {  	s25 =	simm.s32 @!p1 $0x300;
	s19 =	simm.s32 @!p1 $0x0;
	s20 =	simm.s32 @!p1 $0x6  }
0xd1: {  	[tilespmem:s25], [sflag:$0x4] =	stream.linear.gather @!p1 [hbm4b:s18+s19], $0x100, $0x38;
	[tilespmem:$0x1DA00] =	vst v63  }
0xd2: {  	_ =	swait.ge @!p1 [sflag:s20], $0x4000  }
0xd3: {  	s26 =	simm.s32 @!p1 $0x180;
	[sflag:s20] =	ssyncset.done @!p1 $0x0  }
0xd4: {  	s23 =	simm.s32 @!p1 $0x4400;
	s19 =	simm.s32 @!p1 $0x80;
	[sflag:s20] =	ssyncadd.s32 @!p1 $0xFFFFC000  }
0xd5: {  	[spmem:s3] =	stream.indirect.scatter.add.f32 @!p1 [tilespmem:s23], [sflag:$0x8], $0x80, s26, s19, $0xb8;
	[tilespmem:$0x1DA00] =	vst v63  }
0xd6: {  	s22 =	simm.s32 @!p1 $0x8400  }
0xd7: {  	[spmem:s4] =	stream.indirect.scatter.add.f32 @!p1 [tilespmem:s22], [sflag:$0xA], $0x1, s26, s19, $0xb8;
	[tilespmem:$0x1DA00] =	vst v63  }
0xd8: {  	s26 =	simm.s32 @!p1 $0x4  }
0xd9: {  	_ =	swait.ge @!p1 [sflag:s26], $0x100  }
0xda: {  	[sflag:s26] =	ssyncset.done @!p1 $0x0  }
0xdb: {  	[sflag:s26] =	ssyncadd.s32 @!p1 $0xFFFFFF00;
	s26 =	simm.s32 @!p1 $0x8  }
0xdc: {  	_ =	swait.ge @!p1 [sflag:s26], $0x4000  }
0xdd: {  	[sflag:s26] =	ssyncset.done @!p1 $0x0  }
0xde: {  	[sflag:s26] =	ssyncadd.s32 @!p1 $0xFFFFC000;
	s26 =	simm.s32 @!p1 $0xA  }
0xdf: {  	_ =	swait.ge @!p1 [sflag:s26], $0x80  }
0xe0: {  	[sflag:s26] =	ssyncset.done @!p1 $0x0  }
0xe1: {  	p3 =	sle.u32 s6, $0x4;
	[sflag:s26] =	ssyncadd.s32 @!p1 $0xFFFFFF80  }
0xe2: {  	[tilespmem:s23], [sflag:$0x6] =	stream.indirect.gather @!p1 [hbm4b:s1+s19], $0x80, s25, s19, $0xb8;
	[tilespmem:$0x1DA00] =	vst v63  }
0xe3: {  	s26 =	simm.s32 @!p3 $0x0;
	s25 =	sadd.s32 @!p3 $0x200, s18  }
0xe4: {  	[tilespmem:s26], [sflag:$0x1] =	stream.linear.gather @!p3 [hbm4b:s25+s26], $0x100, $0x38;
	[tilespmem:$0x1DA00] =	vst v63  }
0xe5: {  	_ =	swait.ge @!p2 [sflag:s7], $0x4000  }
0xe6: {  	[sflag:s7] =	ssyncset.done @!p2 $0x0  }
0xe7: {  	[sflag:s7] =	ssyncadd.s32 @!p2 $0xFFFFC000;
	s7 =	simm.s32 @!p2 $0x280  }
0xe8: {  	[spmem:s3] =	stream.indirect.scatter.add.f32 @!p2 [tilespmem:s17], [sflag:$0x7], $0x80, s7, s10, $0xb8;
	[tilespmem:$0x1DA00] =	vst v63  }
0xe9: {  	_ = 	snop  }
0xea: {  	[spmem:s4] =	stream.indirect.scatter.add.f32 @!p2 [tilespmem:s24], [sflag:$0x9], $0x1, s7, s10, $0xb8;
	[tilespmem:$0x1DA00] =	vst v63  }
0xeb: {  	s7 =	simm.s32 @!p3 $0x1  }
0xec: {  	_ =	swait.ge @!p3 [sflag:s7], $0x100  }
0xed: {  	[sflag:s7] =	ssyncset.done @!p3 $0x0  }
0xee: {  	s10 =	simm.s32 @!p3 $0x7;
	[sflag:s7] =	ssyncadd.s32 @!p3 $0xFFFFFF00  }
0xef: {  	_ =	swait.ge @!p3 [sflag:s10], $0x4000  }
0xf0: {  	[sflag:s10] =	ssyncset.done @!p3 $0x0  }
0xf1: {  	s7 =	simm.s32 @!p3 $0x9;
	[sflag:s10] =	ssyncadd.s32 @!p3 $0xFFFFC000  }
0xf2: {  	_ =	swait.ge @!p3 [sflag:s7], $0x80  }
0xf3: {  	p2 =	sle.u32 s6, $0x5;
	[sflag:s7] =	ssyncset.done @!p3 $0x0  }
0xf4: {  	s10 =	simm.s32 @!p3 $0x80;
	[sflag:s7] =	ssyncadd.s32 @!p3 $0xFFFFFF80;
	s7 =	simm.s32 @!p3 $0x400  }
0xf5: {  	[tilespmem:s7], [sflag:$0x5] =	stream.indirect.gather @!p3 [hbm4b:s1+s10], $0x80, s26, s10, $0xb8;
	[tilespmem:$0x1DA00] =	vst v63  }
0xf6: {  	s17 =	simm.s32 @!p2 $0x100;
	s7 =	sadd.s32 @!p2 $0x400, s18;
	s10 =	simm.s32 @!p2 $0x0  }
0xf7: {  	[tilespmem:s17], [sflag:$0x2] =	stream.linear.gather @!p2 [hbm4b:s7+s10], $0x100, $0x38;
	[tilespmem:$0x1DA00] =	vst v63  }
0xf8: {  	s25 =	smov.u32 s18;
	_ =	swait.ge @!p1 [sflag:s20], $0x4000  }
0xf9: {  	s24 =	simm.s32 @!p1 $0x380;
	s17 =	simm.s32 $0x9;
	[sflag:s20] =	ssyncset.done @!p1 $0x0  }
.LBB2_4:
0xfa: {  	[sflag:s20] =	ssyncadd.s32 @!p1 $0xFFFFC000  }
0xfb: {  	[spmem:s3] =	stream.indirect.scatter.add.f32 @!p1 [tilespmem:s23], [sflag:$0x8], $0x80, s24, s19, $0xb8;
	[tilespmem:$0x1DA00] =	vst v63  }
0xfc: {  	_ = 	snop  }
0xfd: {  	[spmem:s4] =	stream.indirect.scatter.add.f32 @!p1 [tilespmem:s22], [sflag:$0xA], $0x1, s24, s19, $0xb8;
	[tilespmem:$0x1DA00] =	vst v63  }
0xfe: {  	s7 =	smov.u32 s17;
	_ =	swait.ge [sflag:s11], $0x100  }
0xff: {  	p4 =	seq.s32 s7, $0x5;
	[sflag:s11] =	ssyncset.done $0x0  }
0x100: {  	s10 =	simm.s32 @!p4 $0x8;
	[sflag:s11] =	ssyncadd.s32 $0xFFFFFF00  }
0x101: {  	_ =	swait.ge @!p4 [sflag:s10], $0x4000  }
0x102: {  	[sflag:s10] =	ssyncset.done @!p4 $0x0  }
0x103: {  	s19 =	simm.s32 @!p4 $0xA;
	[sflag:s10] =	ssyncadd.s32 @!p4 $0xFFFFC000  }
0x104: {  	s22 =	sadd.s32 $0xFFFFFFFD, s7;
	_ =	swait.ge @!p4 [sflag:s19], $0x80  }
0x105: {  	p3 =	sge.u32 s22, s6;
	[sflag:s19] =	ssyncset.done @!p4 $0x0  }
0x106: {  	s10 =	simm.s32 @p3 $0x5;
	s23 =	rddreg [dreg:$0x6];
	[sflag:s19] =	ssyncadd.s32 @!p4 $0xFFFFFF80  }
0x107: {  	[tilespmem:s23], [sflag:$0x6] =	stream.indirect.gather [hbm4b:s1+s0], $0x80, s30, s0, $0xb8;
	[tilespmem:$0x1DA00] =	vst v63  }
0x108: {  	_ =	swait.ge @p3 [sflag:s10], $0x4000  }
0x109: {  	[sflag:s10] =	ssyncset.done @p3 $0x0  }
0x10a: {  	s20 =	simm.s32 @p3 $0x400;
	s19 =	simm.s32 @p3 $0x80;
	[sflag:s10] =	ssyncadd.s32 @p3 $0xFFFFC000  }
0x10b: {  	[spmem:s3] =	stream.indirect.scatter.add.f32 @p3 [tilespmem:s20], [sflag:$0x7], $0x80, s19, s19, $0xb8;
	[tilespmem:$0x1DA00] =	vst v63  }
0x10c: {  	s25 =	sadd.s32 $0x800, s25;
	s22 =	simm.s32 @p3 $0x8400;
	s26 =	simm.s32 @!p3 $0x5  }
0x10d: {  	[spmem:s4] =	stream.indirect.scatter.add.f32 @p3 [tilespmem:s22], [sflag:$0x9], $0x1, s19, s19, $0xb8;
	[tilespmem:$0x1DA00] =	vst v63  }
0x10e: {  	s10 =	sadd.s32 @!p3 $0xFFFFFE00, s25;
	s20 =	simm.s32 @!p3 $0x200;
	s19 =	simm.s32 @!p3 $0x0  }
0x10f: {  	[tilespmem:s20], [sflag:$0x3] =	stream.linear.gather @!p3 [hbm4b:s10+s19], $0x100, $0x38;
	[tilespmem:$0x1DA00] =	vst v63  }
0x110: {  	_ =	swait.ge @!p3 [sflag:s26], $0x4000  }
0x111: {  	[sflag:s26] =	ssyncset.done @!p3 $0x0  }
0x112: {  	s28 =	simm.s32 @!p3 $0x80;
	s10 =	simm.s32 @!p3 $0x400;
	[sflag:s26] =	ssyncadd.s32 @!p3 $0xFFFFC000  }
0x113: {  	[spmem:s3] =	stream.indirect.scatter.add.f32 @!p3 [tilespmem:s10], [sflag:$0x7], $0x80, s28, s28, $0xb8;
	[tilespmem:$0x1DA00] =	vst v63  }
0x114: {  	s31 =	simm.s32 @!p3 $0x8400;
	s19 =	simm.s32 @!p3 $0x3  }
0x115: {  	[spmem:s4] =	stream.indirect.scatter.add.f32 @!p3 [tilespmem:s31], [sflag:$0x9], $0x1, s28, s28, $0xb8;
	[tilespmem:$0x1DA00] =	vst v63  }
0x116: {  	_ =	swait.ge @!p3 [sflag:s19], $0x100  }
0x117: {  	[sflag:s19] =	ssyncset.done @!p3 $0x0  }
0x118: {  	s22 =	simm.s32 @!p3 $0x7;
	[sflag:s19] =	ssyncadd.s32 @!p3 $0xFFFFFF00  }
0x119: {  	_ =	swait.ge @!p3 [sflag:s22], $0x4000  }
0x11a: {  	[sflag:s22] =	ssyncset.done @!p3 $0x0  }
0x11b: {  	s19 =	simm.s32 @!p3 $0x9;
	[sflag:s22] =	ssyncadd.s32 @!p3 $0xFFFFC000  }
0x11c: {  	s24 =	sadd.s32 $0xFFFFFFFE, s7;
	_ =	swait.ge @!p3 [sflag:s19], $0x80  }
0x11d: {  	p1 =	sge.u32 s24, s6;
	[sflag:s19] =	ssyncset.done @!p3 $0x0  }
0x11e: {  	s22 =	simm.s32 @p1 $0x6;
	[sflag:s19] =	ssyncadd.s32 @!p3 $0xFFFFFF80  }
0x11f: {  	[tilespmem:s10], [sflag:$0x5] =	stream.indirect.gather @!p3 [hbm4b:s1+s28], $0x80, s20, s28, $0xb8;
	[tilespmem:$0x1DA00] =	vst v63  }
0x120: {  	_ =	swait.ge @p1 [sflag:s22], $0x4000  }
0x121: {  	s19 =	simm.s32 @p1 $0x80;
	[sflag:s22] =	ssyncset.done @p1 $0x0  }
0x122: {  	s20 =	simm.s32 @p1 $0x180;
	[sflag:s22] =	ssyncadd.s32 @p1 $0xFFFFC000;
	s22 =	simm.s32 @p1 $0x4400  }
0x123: {  	[spmem:s3] =	stream.indirect.scatter.add.f32 @p1 [tilespmem:s22], [sflag:$0x8], $0x80, s20, s19, $0xb8;
	[tilespmem:$0x1DA00] =	vst v63  }
0x124: {  	s23 =	simm.s32 @p1 $0x8400  }
0x125: {  	[spmem:s4] =	stream.indirect.scatter.add.f32 @p1 [tilespmem:s23], [sflag:$0xA], $0x1, s20, s19, $0xb8;
	[tilespmem:$0x1DA00] =	vst v63  }
0x126: {  	s12 =	simm.s32 @!p1 $0x300;
	s19 =	simm.s32 @!p1 $0x0;
	s20 =	simm.s32 @!p1 $0x6  }
0x127: {  	[tilespmem:s12], [sflag:$0x4] =	stream.linear.gather @!p1 [hbm4b:s25+s19], $0x100, $0x38;
	[tilespmem:$0x1DA00] =	vst v63  }
0x128: {  	_ =	swait.ge @!p1 [sflag:s20], $0x4000  }
0x129: {  	s13 =	simm.s32 @!p1 $0x180;
	[sflag:s20] =	ssyncset.done @!p1 $0x0  }
0x12a: {  	s23 =	simm.s32 @!p1 $0x4400;
	s19 =	simm.s32 @!p1 $0x80;
	[sflag:s20] =	ssyncadd.s32 @!p1 $0xFFFFC000  }
0x12b: {  	[spmem:s3] =	stream.indirect.scatter.add.f32 @!p1 [tilespmem:s23], [sflag:$0x8], $0x80, s13, s19, $0xb8;
	[tilespmem:$0x1DA00] =	vst v63  }
0x12c: {  	s14 =	simm.s32 @!p1 $0x4;
	s22 =	simm.s32 @!p1 $0x8400  }
0x12d: {  	[spmem:s4] =	stream.indirect.scatter.add.f32 @!p1 [tilespmem:s22], [sflag:$0xA], $0x1, s13, s19, $0xb8;
	[tilespmem:$0x1DA00] =	vst v63  }
0x12e: {  	_ =	swait.ge @!p1 [sflag:s14], $0x100  }
0x12f: {  	[sflag:s14] =	ssyncset.done @!p1 $0x0  }
0x130: {  	s13 =	simm.s32 @!p1 $0x8;
	[sflag:s14] =	ssyncadd.s32 @!p1 $0xFFFFFF00  }
0x131: {  	_ =	swait.ge @!p1 [sflag:s13], $0x4000  }
0x132: {  	[sflag:s13] =	ssyncset.done @!p1 $0x0  }
0x133: {  	s14 =	simm.s32 @!p1 $0xA;
	[sflag:s13] =	ssyncadd.s32 @!p1 $0xFFFFC000  }
0x134: {  	_ =	swait.ge @!p1 [sflag:s14], $0x80  }
0x135: {  	s13 =	sadd.s32 $0xFFFFFFFF, s7;
	[sflag:s14] =	ssyncset.done @!p1 $0x0  }
0x136: {  	p4 =	sge.u32 s13, s6;
	[sflag:s14] =	ssyncadd.s32 @!p1 $0xFFFFFF80  }
0x137: {  	[tilespmem:s23], [sflag:$0x6] =	stream.indirect.gather @!p1 [hbm4b:s1+s19], $0x80, s12, s19, $0xb8;
	[tilespmem:$0x1DA00] =	vst v63  }
0x138: {  	s13 =	sadd.s32 @!p4 $0x200, s25;
	s14 =	simm.s32 @!p4 $0x0  }
0x139: {  	[tilespmem:s14], [sflag:$0x1] =	stream.linear.gather @!p4 [hbm4b:s13+s14], $0x100, $0x38;
	[tilespmem:$0x1DA00] =	vst v63  }
0x13a: {  	_ =	swait.ge @!p3 [sflag:s26], $0x4000  }
0x13b: {  	[sflag:s26] =	ssyncset.done @!p3 $0x0  }
0x13c: {  	s12 =	simm.s32 @!p3 $0x280;
	[sflag:s26] =	ssyncadd.s32 @!p3 $0xFFFFC000  }
0x13d: {  	[spmem:s3] =	stream.indirect.scatter.add.f32 @!p3 [tilespmem:s10], [sflag:$0x7], $0x80, s12, s28, $0xb8;
	[tilespmem:$0x1DA00] =	vst v63  }
0x13e: {  	s10 =	simm.s32 @!p4 $0x1  }
0x13f: {  	[spmem:s4] =	stream.indirect.scatter.add.f32 @!p3 [tilespmem:s31], [sflag:$0x9], $0x1, s12, s28, $0xb8;
	[tilespmem:$0x1DA00] =	vst v63  }
0x140: {  	_ =	swait.ge @!p4 [sflag:s10], $0x100  }
0x141: {  	[sflag:s10] =	ssyncset.done @!p4 $0x0  }
0x142: {  	s12 =	simm.s32 @!p4 $0x7;
	[sflag:s10] =	ssyncadd.s32 @!p4 $0xFFFFFF00  }
0x143: {  	_ =	swait.ge @!p4 [sflag:s12], $0x4000  }
0x144: {  	[sflag:s12] =	ssyncset.done @!p4 $0x0  }
0x145: {  	s10 =	simm.s32 @!p4 $0x9;
	[sflag:s12] =	ssyncadd.s32 @!p4 $0xFFFFC000  }
0x146: {  	s17 =	sadd.s32 $0x4, s17;
	_ =	swait.ge @!p4 [sflag:s10], $0x80  }
0x147: {  	p2 =	sne.s32 s17, $0x55;
	[sflag:s10] =	ssyncset.done @!p4 $0x0  }
0x148: {  	s13 =	simm.s32 @!p4 $0x400;
	s12 =	simm.s32 @!p4 $0x80;
	[sflag:s10] =	ssyncadd.s32 @!p4 $0xFFFFFF80  }
0x149: {  	[tilespmem:s13], [sflag:$0x5] =	stream.indirect.gather @!p4 [hbm4b:s1+s12], $0x80, s14, s12, $0xb8;
	[tilespmem:$0x1DA00] =	vst v63  }
.Ltmp1:
0x14a: {  	p3 =	sge.u32 s7, s6;
	(pc) =	sbr.rel @p2 .LBB2_4-.Ltmp1, $4  }
0x14b: {  	s7 =	sadd.s32 @!p3 $0x400, s25;
	s26 =	simm.s32 @!p3 $0x100;
	s10 =	simm.s32 @!p3 $0x0  }
0x14c: {  	[tilespmem:s26], [sflag:$0x2] =	stream.linear.gather @!p3 [hbm4b:s7+s10], $0x100, $0x38;
	[tilespmem:$0x1DA00] =	vst v63  }
0x14d: {  	_ =	swait.ge @!p1 [sflag:s20], $0x4000  }
0x14e: {  	s24 =	simm.s32 @!p1 $0x380;
	[sflag:s20] =	ssyncset.done @!p1 $0x0  }
0x14f: {  	[sflag:s20] =	ssyncadd.s32 @!p1 $0xFFFFC000  }
0x150: {  	[spmem:s3] =	stream.indirect.scatter.add.f32 @!p1 [tilespmem:s23], [sflag:$0x8], $0x80, s24, s19, $0xb8;
	[tilespmem:$0x1DA00] =	vst v63  }
0x151: {  	s7 =	simm.s32 $0x7  }
0x152: {  	[spmem:s4] =	stream.indirect.scatter.add.f32 @!p1 [tilespmem:s22], [sflag:$0xA], $0x1, s24, s19, $0xb8;
	[tilespmem:$0x1DA00] =	vst v63  }
0x153: {  	_ =	swait.ge [sflag:s7], $0x4000  }
0x154: {  	[sflag:s7] =	ssyncset.done $0x0  }
0x155: {  	s24 =	simm.s32 $0x9;
	[sflag:s7] =	ssyncadd.s32 $0xFFFFC000  }
0x156: {  	_ =	swait.ge [sflag:s24], $0x80  }
0x157: {  	[sflag:s24] =	ssyncset.done $0x0  }
0x158: {  	s25 =	simm.s32 $0x8;
	[sflag:s24] =	ssyncadd.s32 $0xFFFFFF80  }
0x159: {  	_ =	swait.ge [sflag:s25], $0x4000  }
0x15a: {  	[sflag:s25] =	ssyncset.done $0x0  }
0x15b: {  	[sflag:s25] =	ssyncadd.s32 $0xFFFFC000  }
0x15c: {  	_ =	swait.ge [sflag:s15], $0x80  }
0x15d: {  	[sflag:s15] =	ssyncset.done $0x0  }
0x15e: {  	s26 =	stileid.u32;
	[sflag:s15] =	ssyncadd.s32 $0xFFFFFF80  }
0x15f: {  	s7 =	sshll.u32 s26, $0x6;
	[bflag:$0x0] =	sbarrier.arrive $0xFFFF  }
0x160: {  	s10 =	sshrl.u32 s8, $0x3;
	s7 =	sor.u32 $0x1C0B, s7;
	s12 =	rddreg [dreg:$0x11]  }
0x161: {  	[hbm:s12], [sflag:s7] =	dma.local [spmem:s10], $0x2700  }
0x162: {  	_ =	swait.ge [sflag:s9], $0x2700  }
0x163: {  	[sflag:s9] =	ssyncset.done $0x0  }
0x164: {  	s10 =	sshrl.u32 @!p0 s29, $0x3;
	s12 =	rddreg [dreg:$0x14];
	[sflag:s9] =	ssyncadd.s32 $0xFFFFD900  }
0x165: {  	[hbm:s12], [sflag:s7] =	dma.local @!p0 [spmem:s10], $0x100  }
0x166: {  	s7 =	simm.s32 @!p0 $0xB  }
0x167: {  	_ =	swait.ge @!p0 [sflag:s7], $0x100  }
0x168: {  	[sflag:s7] =	ssyncset.done @!p0 $0x0  }
0x169: {  	s12 =	simm.s32 $0x9C80;
	[sflag:s7] =	ssyncadd.s32 @!p0 $0xFFFFFF00  }
0x16a: {  	[tilespmem:s12], [sflag:$0xB] =	stream.linear.gather [spmem:s21], $0x280, $0x38;
	[tilespmem:$0x1DA00] =	vst v63  }
0x16b: {  	_ =	swait.ge [sflag:s9], $0x280  }
0x16c: {  	[sflag:s9] =	ssyncset.done $0x0  }
0x16d: {  	s28 =	rddreg [dreg:$0x15];
	[sflag:s9] =	ssyncadd.s32 $0xFFFFFD80  }
0x16e: {  	[hbm4b:s28+s5] =	stream.linear.scatter [tilespmem:s12], [sflag:$0xB], $0x280, $0x38;
	[tilespmem:$0x1DA00] =	vst v63  }
0x16f: {  	_ =	swait.ge [sflag:s9], $0x280  }
0x170: {  	s16 =	sadd.s32 $0x1, s16;
	s31 =	rddreg [dreg:$0x16]  }
0x171: {  	p1 =	sne.s32 s16, s31  }
.Ltmp2:
0x172: {  	_ = 	snop;
	(pc) =	sbr.rel @p1 .LBB2_1-.Ltmp2, $3  }
0x173: {  	_ =	sdelay $0x1  }
0x174: {  	[sflag:s9] =	ssyncset.done $0x0  }
0x175: {  	[sflag:s9] =	ssyncadd.s32 $0xFFFFFD80  }
0x176: {  	_ =	sfence.sel $0x180000  }
0x177: {  	[bflag:$0x0] =	sbarrier.arrive $0xFFFF  }
0x178: {  	_ =	strace $0x90000047  }
0x179: {  	s0 =	stileid.u32;
	[bflag:$0x2] =	sbarrier.arrive $0xFFFF  }
0x17a: {  	p0 =	sne.s32 s0, $0x0;
	s0 =	rddreg [dreg:$0x5]  }
0x17b: {  	s0 =	sadd.s32 @!p0 $0x100000, s0  }
0x17c: {  	[sflag:s0] =	ssyncadd.tile.s32 @!p0 $0x1;
	_ =	shalt  }
.Lfunc_end2:
_tile_overlayer_lowered:
.L_overlay_start_2:
0x17d: {  	(tag) =	ssettag $0x2  }
0x17e: {  	s0 =	rddreg [dreg:$0x0];
	s2 =	stileid.u32  }
0x17f: {  	s1 =	rddreg [dreg:$0x1];
	p0 =	sne.s32 s2, $0x0  }
0x180: {  	s3 =	rddreg [dreg:$0x2];
	[bflag:$0x3] =	sbarrier.arrive $0xFFFF;
	s2 =	simm.s32 @!p0 $0x1C0B  }
0x181: {  	[timem:s3], [sflag:s2] =	dma.local @!p0 [hbm:s0], s1  }
0x182: {  	s0 =	simm.s32 @!p0 $0xB  }
0x183: {  	_ =	swait.ge @!p0 [sflag:s0], s1  }
0x184: {  	s1 =	ssub.s32 @!p0 $0x0, s1;
	[sflag:s0] =	ssyncset.done @!p0 $0x0  }
0x185: {  	[sflag:s0] =	ssyncadd.s32 @!p0 s1  }
0x186: {  	[bflag:$0x3] =	sbarrier.arrive $0xFFFF  }
0x187: {  	_ =	shalt  }

// kernel: kernel.9.cloned.1.call-start
scs
__scs_entry_jumppad:
0x0: {  	(pc) =	sbr.rel $0x88, $3  }
0x1: {  	(tag) =	ssettag $0x0;
	lr =	simm.s32 $0x1  }
0x2: {  	[smem:$0x3F93] =	sst lr;
	_ =	strace $0xD0000000  }
0x3: {  	_ = 	snop  }
0x4: {  	_ = 	snop  }
0x5: {  	_ = 	snop  }
0x6: {  	_ = 	snop  }
0x7: {  	_ = 	snop  }
__scs_overlays_trampoline_lowered:
0x8: {  	[smem:$0x3FA2] =	sst s0  }
0x9: {  	[smem:$0x3FA3] =	sst s1  }
0xa: {  	[smem:$0x3FA4] =	sst s2  }
0xb: {  	[smem:$0x3FA5] =	sst s3  }
0xc: {  	[smem:$0x3FA6] =	sst s4  }
0xd: {  	[smem:$0x3FA7] =	sst s5  }
0xe: {  	[smem:$0x3FA8] =	sst s6  }
0xf: {  	[smem:$0x3FA9] =	sst s7  }
0x10: {  	[smem:$0x3FAA] =	sst s8  }
0x11: {  	[smem:$0x3FAB] =	sst s9;
	s0 =	simm.s32 @!p0 $0x0  }
0x12: {  	s1 =	sld [smem:$0x3F91];
	s0 =	simm.s32 @p0 $0x1  }
0x13: {  	[smem:$0x3FAC] =	sst s0;
	s0 =	simm.s32 @!p1 $0x0  }
0x14: {  	s2 =	sld [smem:$0x3F90];
	s0 =	simm.s32 @p1 $0x1  }
0x15: {  	[smem:$0x3FAD] =	sst s0;
	s0 =	simm.s32 @!p2 $0x0  }
0x16: {  	s3 =	sld [smem:$0x3FDB];
	s0 =	simm.s32 @p2 $0x1  }
0x17: {  	s4 =	simm.s32 $0x1BF5;
	[smem:$0x3FAF] =	sst s0  }
0x18: {  	s0 =	sld [smem:$0x3F92];
	_ =	swait.ge [sflag:s4], $0x0  }
0x19: {  	s7 =	sld [smem:$0x3F93]  }
0x1a: {  	s8 =	sadd.s32 $0xFFFFE003, lr  }
0x1b: {  	s9 =	sadd.s32 $0xFFFFFEF7, lr;
	s5 =	simm.s32 $0xFFFFFFFF;
	p2 =	slt.u32 s8, $0xFFFFF086  }
0x1c: {  	p1 =	slt.u32 s9, $0xF7A;
	s5 =	simm.s32 @!p2 $0x0  }
0x1d: {  	s5 =	simm.s32 @p1 $0x1;
	p0 =	seq.s32 s7, s2  }
0x1e: {  	s7 =	smul.u32 @!p0 $0xF7A, s2;
	p2 =	seq.s32 @!p0 s5, $0x0  }
0x1f: {  	s9 =	smul.u32 $0xF7A, s1;
	s8 =	simm.s32 @!p0 $0x1BF5;
	p2 =	por !p2, p0  }
0x20: {  	[sflag:s8] =	ssyncset.s32 @!p0 $0xFFFFF086;
	s6 =	sadd.s32 @!p0 s3, s7;
	s7 =	simm.s32 @!p0 $0x108  }
0x21: {  	s3 =	sadd.s32 s3, s9;
	s6 =	sadd.s32 @!p0 $0x88, s6;
	s7 =	simm.s32 @p2 $0x1082  }
0x22: {  	[simem:s7], [sflag:s8] =	dma.local @!p0 [hbm:s6], $0xF7A  }
0x23: {  	s9 =	sor.u32 $0xD0000000, s2;
	s6 =	simm.s32 $0x108;
	_ =	swait.ge @!p0 [sflag:s8], $0x0  }
0x24: {  	s3 =	sadd.s32 $0x88, s3;
	s6 =	simm.s32 @!p1 $0x1082;
	[sflag:s4] =	ssyncset.s32 $0xFFFFF086  }
0x25: {  	[simem:s6], [sflag:s4] =	dma.local [hbm:s3], $0xF7A  }
0x26: {  	[smem:$0x3F93] =	sst s1;
	(tag) =	ssettag s2;
	_ =	strace s9  }
0x27: {  	s1 =	sld [smem:$0x3FA3]  }
0x28: {  	s2 =	sld [smem:$0x3FA4]  }
0x29: {  	s4 =	sld [smem:$0x3FA6]  }
0x2a: {  	p0 =	seq.s32 s5, $0x0;
	s5 =	sld [smem:$0x3FA7]  }
0x2b: {  	s6 =	sld [smem:$0x3FA8]  }
0x2c: {  	s7 =	sld [smem:$0x3FA9]  }
0x2d: {  	s3 =	simm.s32 $0x108;
	s8 =	sld [smem:$0x3FAA]  }
0x2e: {  	s3 =	simm.s32 @!p0 $0x1082;
	s9 =	sld [smem:$0x3FAB]  }
0x2f: {  	lr =	sadd.s32 s0, s3;
	s0 =	sld [smem:$0x3FA2]  }
0x30: {  	s3 =	sld [smem:$0x3FA5]  }
0x31: {  	[smem:$0x3FAE] =	sst s10  }
0x32: {  	s10 =	sld [smem:$0x3FAC];
	_ =	sdelay $0x3  }
0x33: {  	p0 =	seq.s32 s10, $0x1;
	s10 =	sld [smem:$0x3FAE];
	_ =	sdelay $0x3  }
0x34: {  	[smem:$0x3FAE] =	sst s10  }
0x35: {  	s10 =	sld [smem:$0x3FAD];
	_ =	sdelay $0x3  }
0x36: {  	p1 =	seq.s32 s10, $0x1;
	s10 =	sld [smem:$0x3FAE];
	_ =	sdelay $0x3  }
0x37: {  	[smem:$0x3FAE] =	sst s10  }
0x38: {  	s10 =	sld [smem:$0x3FAF]  }
0x39: {  	_ = 	snop;
	(pc) =	sbr.ind lr, $3  }
0x3a: {  	_ = 	snop  }
0x3b: {  	_ = 	snop  }
0x3c: {  	p2 =	seq.s32 s10, $0x1;
	s10 =	sld [smem:$0x3FAE]  }
0x3d: {  	_ =	shalt  }
0x3e: {  	_ =	shalt  }
0x3f: {  	_ =	shalt  }
0x40: {  	_ =	shalt  }
0x41: {  	_ =	shalt  }
0x42: {  	_ =	shalt  }
0x43: {  	_ =	shalt  }
0x44: {  	_ =	shalt  }
0x45: {  	_ =	shalt  }
0x46: {  	_ =	shalt  }
0x47: {  	_ =	shalt  }
0x48: {  	_ =	shalt  }
0x49: {  	_ =	shalt  }
0x4a: {  	_ =	shalt  }
0x4b: {  	_ =	shalt  }
0x4c: {  	_ =	shalt  }
0x4d: {  	_ =	shalt  }
0x4e: {  	_ =	shalt  }
0x4f: {  	_ =	shalt  }
0x50: {  	_ =	shalt  }
0x51: {  	_ =	shalt  }
0x52: {  	_ =	shalt  }
0x53: {  	_ =	shalt  }
0x54: {  	_ =	shalt  }
0x55: {  	_ =	shalt  }
0x56: {  	_ =	shalt  }
0x57: {  	_ =	shalt  }
0x58: {  	_ =	shalt  }
0x59: {  	_ =	shalt  }
0x5a: {  	_ =	shalt  }
0x5b: {  	_ =	shalt  }
0x5c: {  	_ =	shalt  }
0x5d: {  	_ =	shalt  }
0x5e: {  	_ =	shalt  }
0x5f: {  	_ =	shalt  }
0x60: {  	_ =	shalt  }
0x61: {  	_ =	shalt  }
0x62: {  	_ =	shalt  }
0x63: {  	_ =	shalt  }
0x64: {  	_ =	shalt  }
0x65: {  	_ =	shalt  }
0x66: {  	_ =	shalt  }
0x67: {  	_ =	shalt  }
0x68: {  	_ =	shalt  }
0x69: {  	_ =	shalt  }
0x6a: {  	_ =	shalt  }
0x6b: {  	_ =	shalt  }
0x6c: {  	_ =	shalt  }
0x6d: {  	_ =	shalt  }
0x6e: {  	_ =	shalt  }
0x6f: {  	_ =	shalt  }
0x70: {  	_ =	shalt  }
0x71: {  	_ =	shalt  }
0x72: {  	_ =	shalt  }
0x73: {  	_ =	shalt  }
0x74: {  	_ =	shalt  }
0x75: {  	_ =	shalt  }
0x76: {  	_ =	shalt  }
0x77: {  	_ =	shalt  }
0x78: {  	_ =	shalt  }
0x79: {  	_ =	shalt  }
0x7a: {  	_ =	shalt  }
0x7b: {  	_ =	shalt  }
0x7c: {  	_ =	shalt  }
0x7d: {  	_ =	shalt  }
0x7e: {  	_ =	shalt  }
0x7f: {  	_ =	shalt  }
0x80: {  	_ =	shalt  }
0x81: {  	_ =	shalt  }
0x82: {  	_ =	shalt  }
0x83: {  	_ =	shalt  }
0x84: {  	_ =	shalt  }
0x85: {  	_ =	shalt  }
0x86: {  	_ =	shalt  }
0x87: {  	_ =	shalt  }
.Lfunc_end0:
.L_simem_size_0:
called_computation.1_lowered:
.L_overlay_start_0:
0x88: {  	s2 =	sld [smem:$0x3FD9]  }
0x89: {  	s3 =	sld [smem:$0x3FFE];
	_ =	sdelay $0x1  }
0x8a: {  	s1 =	srdreg.scid  }
0x8b: {  	s0 =	sand.u32 $0x1, s1  }
0x8c: {  	s17 =	sshll.u32 s0, $0xA;
	s2 =	sadd.s32 s3, s2  }
0x8d: {  	s2 =	sadd.s32 s2, s17  }
0x8e: {  	[smem:$0x3FBA] =	sst s2  }
0x8f: {  	_ = 	snop  }
0x90: {  	s2 =	sld [smem:$0x3FC8];
	(tm) =	ssettm $0x1  }
0x91: {  	s18 =	sld [smem:$0x3FFB];
	_ =	sdelay $0x3  }
0x92: {  	_ =	strace s18  }
0x93: {  	s3 =	sld [smem:$0x3FFC];
	_ =	sdelay $0x3  }
0x94: {  	_ =	strace s3  }
0x95: {  	s3 =	sld [smem:$0x3FFD];
	_ =	sdelay $0x3  }
0x96: {  	_ =	strace s3  }
0x97: {  	_ =	strace $0x8FFFFFFF  }
0x98: {  	s19 =	sld [smem:$0x3FDB];
	_ =	sdelay $0x1  }
0x99: {  	s4 =	simm.s32 $_scs_section_size  }
0x9a: {  	s5 =	simm.s32 $_size__tile_overlayer_lowered;
	s6 =	simm.s32 $_tile_overlayer_lowered  }
0x9b: {  	s22 =	simm.s32 $0x1BFF;
	s21 =	sshll.u32 s6, $0x1;
	s3 =	sadd.s32 s4, s19  }
0x9c: {  	s7 =	simm.s32 $0x0;
	s20 =	sshll.u32 s5, $0x1;
	s5 =	sadd.s32 s21, s3  }
0x9d: {  	[timem:s7], [sflag:s22] =	dma.local [hbm:s5], s20  }
0x9e: {  	_ =	swait.ge [sflag:s22], s20  }
0x9f: {  	s4 =	ssub.s32 $0x0, s20;
	[sflag:s22] =	ssyncset.done $0x0  }
0xa0: {  	[sflag:s22] =	ssyncadd.s32 s4;
	_ =	sdelay $0x1  }
0xa1: {  	s23 =	simm.s32 $0x1B8B  }
0xa2: {  	_ =	swait.ge [sflag:s23], $0x1  }
0xa3: {  	[sflag:s23] =	ssyncset.done $0x0  }
0xa4: {  	s25 =	simm.s32 $0x1B8E;
	s24 =	sld [smem:$0x3FFE];
	[sflag:s23] =	ssyncadd.s32 $0xFFFFFFFF  }
0xa5: {  	s26 =	simm.s32 $execute0_lowered;
	[smem:$0x3FD2] =	sst s25  }
0xa6: {  	s5 =	sshll.u32 s26, $0x1;
	_ =	strace $0x80000049;
	[dreg:$0x1] =	wrdreg $0xFFFFFFFF  }
0xa7: {  	s28 =	simm.s32 $_size_execute0_lowered;
	s3 =	sadd.s32 s3, s5;
	[dreg:$0x0] =	wrdreg $0x0  }
0xa8: {  	s5 =	sshll.u32 s28, $0x1;
	[dreg:$0x2] =	wrdreg s3  }
0xa9: {  	[dreg:$0x3] =	wrdreg s5  }
0xaa: {  	[dreg:$0x4] =	wrdreg $0xC0  }
0xab: {  	_ =	task [dreg:s7], $0x5FFFF  }
0xac: {  	[dreg:$0x1] =	wrdreg $0xFFFFFFFF  }
0xad: {  	[dreg:$0x0] =	wrdreg $0x60  }
0xae: {  	[dreg:$0x2] =	wrdreg s24  }
0xaf: {  	[dreg:$0x3] =	wrdreg s2  }
0xb0: {  	[dreg:$0x4] =	wrdreg $0x9C000  }
0xb1: {  	[dreg:$0x5] =	wrdreg $0x9  }
0xb2: {  	_ =	task.clear_ibuf [dreg:s7], $0x6FFFF;
	_ =	strace $0x90000049  }
0xb3: {  	s29 =	simm.s32 $0x9;
	_ =	strace $0x8000004B  }
0xb4: {  	_ =	swait.ge [sflag:s29], $0x1  }
0xb5: {  	[sflag:s29] =	ssyncadd.s32 $0xFFFFFFFF  }
0xb6: {  	_ =	strace $0x9000004B  }
0xb7: {  	_ =	sfence  }
0xb8: {  	s30 =	sld [smem:$0x0];
	_ =	sdelay $0x2  }
0xb9: {  	s31 =	sshll.u32 s1, $0xD;
	s1 =	sshrl.u32 s1, $0x2  }
0xba: {  	s3 =	sand.u32 $0x4000, s31;
	s1 =	sadd.s32 s1, s30  }
0xbb: {  	s0 =	sor.u32 s3, s0;
	s1 =	sshll.u32 s1, $0x11  }
0xbc: {  	s0 =	sor.u32 s1, s0  }
0xbd: {  	s0 =	sadd.s32 $0x8F2B, s0  }
0xbe: {  	[sflag:s0] =	ssyncadd.remote.s32 $0x1  }
0xbf: {  	_ =	sfence.sel $0xFFFF  }
0xc0: {  	[dreg:$0x0] =	wrdreg $0xFFFFFFFF;
	(pc) =	sbr.abs _section_cstart, $3  }
0xc1: {  	[dreg:$0x1] =	wrdreg $0xFFFFFFFF  }
0xc2: {  	_ =	task.clear_ibuf [dreg:s7], $0x2FFFF;
	_ =	strace $0x9FFFFFFF  }
0xc3: {  	(tm) =	ssettm $0x7FFFFFFF  }
tec
execute0_lowered:
.L_overlay_start_1:
0x0: {  	(tag) =	ssettag $0x1  }
0x1: {  	s0 =	rddreg [dreg:$0x0]  }
0x2: {  	s3 =	rddreg [dreg:$0x1]  }
0x3: {  	s1 =	rddreg [dreg:$0x2];
	s2 =	simm.s32 $0x0;
	s4 =	srdreg.scid  }
0x4: {  	s12 =	stileid.u32;
	s28 =	simm.s32 $0x1;
	s31 =	simm.s32 $0x8400  }
0x5: {  	s29 =	simm.s32 $0x8;
	s30 =	simm.s32 $0x0;
	s8 =	sand.u32 $0x1, s4  }
0x6: {  	[smem:$0x7FF] =	sst s2;
	s7 =	smul.u32 $0x4E000, s12;
	s5 =	ssub.s32 $0x2, s8  }
0x7: {  	s4 =	sadd.s32 $0x2E00, s0;
	s13 =	sshll.u32 s12, $0x5;
	s6 =	sshrl.u32 s5, $0x1  }
0x8: {  	s7 =	sshrl.u32 s7, $0x2;
	s9 =	ssub.s32 s5, s6;
	s6 =	sadd.s32 s3, s13  }
0x9: {  	s0 =	sadd.s32 $0x51000, s0;
	s7 =	sadd.s32 s7, s1;
	s3 =	sadd.s32 $0x200, s6  }
0xa: {  	_ =	strace $0x8000004A;
	s14 =	sadd.s32 $0x1800, s7;
	[dreg:$0x5] =	wrdreg s3  }
0xb: {  	p0 =	slt.u32 s12, $0x4;
	s15 =	sadd.s32 $0x3000, s7;
	[dreg:$0x6] =	wrdreg s14  }
0xc: {  	s24 =	smul.u32 $0x13800, s12;
	s16 =	sadd.s32 $0x4800, s7;
	[dreg:$0x7] =	wrdreg s15  }
0xd: {  	s10 =	smul.u32 $0x2710, s8;
	s17 =	sadd.s32 $0x6000, s7;
	[dreg:$0x8] =	wrdreg s16  }
0xe: {  	s21 =	smul.u32 $0x138800, s8;
	s18 =	sadd.s32 $0x7800, s7;
	[dreg:$0x9] =	wrdreg s17  }
0xf: {  	s5 =	simm.s32 $0x9D;
	s19 =	sadd.s32 $0x9000, s7;
	[dreg:$0xa] =	wrdreg s18  }
0x10: {  	s8 =	sadd.s32 s24, s21;
	s20 =	sadd.s32 $0xA800, s7;
	[dreg:$0xb] =	wrdreg s19  }
0x11: {  	s5 =	simm.s32 @!p0 $0x9C;
	s22 =	sadd.s32 $0xC000, s7;
	[dreg:$0xc] =	wrdreg s20  }
0x12: {  	s23 =	sadd.s32 $0xD800, s7;
	s11 =	sadd.s32 $0xF000, s7;
	[dreg:$0xd] =	wrdreg s22  }
0x13: {  	s25 =	sadd.s32 $0x10800, s7;
	s8 =	sshrl.u32 s8, $0x3;
	[dreg:$0xe] =	wrdreg s23  }
0x14: {  	s24 =	smax.u32 s9, $0x1;
	p0 =	sne.s32 s12, $0xF;
	[dreg:$0xf] =	wrdreg s11  }
0x15: {  	[dreg:$0x10] =	wrdreg s25;
	s26 =	sadd.s32 $0xFFFFFFFF, s5;
	s3 =	sshrl.u32 s21, $0x3  }
0x16: {  	s20 =	sadd.s32 $0x12000, s7;
	s21 =	sadd.s32 s0, s8;
	s22 =	sadd.s32 $0x138000, s1  }
0x17: {  	s11 =	sadd.s32 $0x600, s6;
	[dreg:$0x4] =	wrdreg s26;
	s3 =	sadd.s32 s0, s3  }
0x18: {  	v1 =	vimm.f32 $0.0e+00;
	v0 =	vmov s10;
	s0 =	simm.s32 $0x9;
	s26 =	simm.s32 $0x7;
	s23 =	sadd.s32 $0x27000, s3  }
.LBB2_1:
0x19: {  	[tilespmem:s2], [sflag:$0x1] =	stream.linear.gather [hbm4b:s6+s2], $0x100, $0x38;
	[tilespmem:$0x1D480] =	vst v63  }
0x1a: {  	s3 =	rddreg [dreg:$0x5];
	s8 =	simm.s32 $0x100  }
0x1b: {  	[tilespmem:s8], [sflag:$0x2] =	stream.linear.gather [hbm4b:s3+s2], $0x100, $0x38;
	[tilespmem:$0x1D480] =	vst v63  }
0x1c: {  	_ =	swait.ge [sflag:s28], $0x100  }
0x1d: {  	[sflag:s28] =	ssyncset.done $0x0  }
0x1e: {  	[sflag:s28] =	ssyncadd.s32 $0xFFFFFF00  }
0x1f: {  	v2 =	vld [tilespmem:$0x0]  }
0x20: {  	v3 =	vld [tilespmem:$0x10]  }
0x21: {  	v4 =	vld [tilespmem:$0x20]  }
0x22: {  	v5 =	vld [tilespmem:$0x30]  }
0x23: {  	v6 =	vld [tilespmem:$0x40]  }
0x24: {  	v7 =	vld [tilespmem:$0x50];
	v2 =	vadd.s32 v0, v2  }
0x25: {  	[tilespmem:$0x0] =	vst v2;
	v2 =	vadd.s32 v0, v3;
	v3 =	vld [tilespmem:$0x60]  }
0x26: {  	v63 =	vld [tilespmem:$0x70];
	[tilespmem:$0x10] =	vst v2;
	v2 =	vadd.s32 v0, v4  }
0x27: {  	[tilespmem:$0x20] =	vst v2;
	v2 =	vadd.s32 v0, v5  }
0x28: {  	[tilespmem:$0x30] =	vst v2;
	v2 =	vadd.s32 v0, v6  }
0x29: {  	[tilespmem:$0x40] =	vst v2;
	v2 =	vadd.s32 v0, v7  }
0x2a: {  	[tilespmem:$0x50] =	vst v2;
	v2 =	vadd.s32 v0, v3  }
0x2b: {  	s19 =	simm.s32 $0x80;
	[tilespmem:$0x60] =	vst v2;
	v2 =	vadd.s32 v0, v63  }
0x2c: {  	s25 =	simm.s32 $0x400;
	s3 =	simm.s32 $0x0;
	s8 =	simm.s32 $0x200;
	[tilespmem:$0x70] =	vst v2  }
0x2d: {  	[tilespmem:s25], [sflag:$0x5] =	stream.indirect.gather [hbm4b:s4+s19], $0x80, s2, s19, $0xb8;
	[tilespmem:$0x1D480] =	vst v63  }
.LBB2_2:
0x2e: {  	p1 =	sne.s32 s8, $0x5E00;
	[tilespmem:s3+$0x8470] =	vst v1  }
0x2f: {  	[tilespmem:s3+$0x8400] =	vst v1  }
0x30: {  	[tilespmem:s3+$0x8410] =	vst v1  }
.Ltmp0:
0x31: {  	[tilespmem:s3+$0x8420] =	vst v1;
	(pc) =	sbr.rel @p1 .LBB2_2-.Ltmp0, $4  }
0x32: {  	[tilespmem:s3+$0x8430] =	vst v1  }
0x33: {  	[tilespmem:s3+$0x8440] =	vst v1  }
0x34: {  	[tilespmem:s3+$0x8450] =	vst v1  }
0x35: {  	[tilespmem:s3+$0x8460] =	vst v1;
	s3 =	sshra.s32 s8, $0x2;
	s8 =	sadd.s32 $0x200, s8  }
0x36: {  	[tilespmem:s3+$0x8470] =	vst v1  }
0x37: {  	[tilespmem:s3+$0x8400] =	vst v1  }
0x38: {  	[tilespmem:s3+$0x8410] =	vst v1  }
0x39: {  	[tilespmem:s3+$0x8420] =	vst v1  }
0x3a: {  	[tilespmem:s3+$0x8430] =	vst v1  }
0x3b: {  	[tilespmem:s3+$0x8440] =	vst v1  }
0x3c: {  	[tilespmem:s3+$0x8450] =	vst v1  }
0x3d: {  	[tilespmem:s3+$0x8460] =	vst v1  }
0x3e: {  	[spmem:s7] =	stream.linear.scatter [tilespmem:s31], [sflag:$0x9], $0x1800, $0x38;
	[tilespmem:$0x1D480] =	vst v63  }
0x3f: {  	_ =	swait.ge [sflag:s0], $0x1800  }
0x40: {  	[sflag:s0] =	ssyncset.done $0x0  }
0x41: {  	s8 =	rddreg [dreg:$0x6];
	[sflag:s0] =	ssyncadd.s32 $0xFFFFE800  }
0x42: {  	[spmem:s8] =	stream.linear.scatter [tilespmem:s31], [sflag:$0x9], $0x1800, $0x38;
	[tilespmem:$0x1D480] =	vst v63  }
0x43: {  	_ =	swait.ge [sflag:s0], $0x1800  }
0x44: {  	[sflag:s0] =	ssyncset.done $0x0  }
0x45: {  	s9 =	rddreg [dreg:$0x7];
	[sflag:s0] =	ssyncadd.s32 $0xFFFFE800  }
0x46: {  	[spmem:s9] =	stream.linear.scatter [tilespmem:s31], [sflag:$0x9], $0x1800, $0x38;
	[tilespmem:$0x1D480] =	vst v63  }
0x47: {  	_ =	swait.ge [sflag:s0], $0x1800  }
0x48: {  	[sflag:s0] =	ssyncset.done $0x0  }
0x49: {  	s10 =	rddreg [dreg:$0x8];
	[sflag:s0] =	ssyncadd.s32 $0xFFFFE800  }
0x4a: {  	[spmem:s10] =	stream.linear.scatter [tilespmem:s31], [sflag:$0x9], $0x1800, $0x38;
	[tilespmem:$0x1D480] =	vst v63  }
0x4b: {  	_ =	swait.ge [sflag:s0], $0x1800  }
0x4c: {  	[sflag:s0] =	ssyncset.done $0x0  }
0x4d: {  	s12 =	rddreg [dreg:$0x9];
	[sflag:s0] =	ssyncadd.s32 $0xFFFFE800  }
0x4e: {  	[spmem:s12] =	stream.linear.scatter [tilespmem:s31], [sflag:$0x9], $0x1800, $0x38;
	[tilespmem:$0x1D480] =	vst v63  }
0x4f: {  	_ =	swait.ge [sflag:s0], $0x1800  }
0x50: {  	[sflag:s0] =	ssyncset.done $0x0  }
0x51: {  	s13 =	rddreg [dreg:$0xa];
	[sflag:s0] =	ssyncadd.s32 $0xFFFFE800  }
0x52: {  	[spmem:s13] =	stream.linear.scatter [tilespmem:s31], [sflag:$0x9], $0x1800, $0x38;
	[tilespmem:$0x1D480] =	vst v63  }
0x53: {  	_ =	swait.ge [sflag:s0], $0x1800  }
0x54: {  	[sflag:s0] =	ssyncset.done $0x0  }
0x55: {  	s14 =	rddreg [dreg:$0xb];
	[sflag:s0] =	ssyncadd.s32 $0xFFFFE800  }
0x56: {  	[spmem:s14] =	stream.linear.scatter [tilespmem:s31], [sflag:$0x9], $0x1800, $0x38;
	[tilespmem:$0x1D480] =	vst v63  }
0x57: {  	_ =	swait.ge [sflag:s0], $0x1800  }
0x58: {  	[sflag:s0] =	ssyncset.done $0x0  }
0x59: {  	s15 =	rddreg [dreg:$0xc];
	[sflag:s0] =	ssyncadd.s32 $0xFFFFE800  }
0x5a: {  	[spmem:s15] =	stream.linear.scatter [tilespmem:s31], [sflag:$0x9], $0x1800, $0x38;
	[tilespmem:$0x1D480] =	vst v63  }
0x5b: {  	_ =	swait.ge [sflag:s0], $0x1800  }
0x5c: {  	[sflag:s0] =	ssyncset.done $0x0  }
0x5d: {  	s16 =	rddreg [dreg:$0xd];
	[sflag:s0] =	ssyncadd.s32 $0xFFFFE800  }
0x5e: {  	[spmem:s16] =	stream.linear.scatter [tilespmem:s31], [sflag:$0x9], $0x1800, $0x38;
	[tilespmem:$0x1D480] =	vst v63  }
0x5f: {  	_ =	swait.ge [sflag:s0], $0x1800  }
0x60: {  	[sflag:s0] =	ssyncset.done $0x0  }
0x61: {  	s17 =	rddreg [dreg:$0xe];
	[sflag:s0] =	ssyncadd.s32 $0xFFFFE800  }
0x62: {  	[spmem:s17] =	stream.linear.scatter [tilespmem:s31], [sflag:$0x9], $0x1800, $0x38;
	[tilespmem:$0x1D480] =	vst v63  }
0x63: {  	_ =	swait.ge [sflag:s0], $0x1800  }
0x64: {  	[sflag:s0] =	ssyncset.done $0x0  }
0x65: {  	s18 =	rddreg [dreg:$0xf];
	[sflag:s0] =	ssyncadd.s32 $0xFFFFE800  }
0x66: {  	[spmem:s18] =	stream.linear.scatter [tilespmem:s31], [sflag:$0x9], $0x1800, $0x38;
	[tilespmem:$0x1D480] =	vst v63  }
0x67: {  	_ =	swait.ge [sflag:s0], $0x1800  }
0x68: {  	[sflag:s0] =	ssyncset.done $0x0  }
0x69: {  	s19 =	rddreg [dreg:$0x10];
	[sflag:s0] =	ssyncadd.s32 $0xFFFFE800  }
0x6a: {  	[spmem:s19] =	stream.linear.scatter [tilespmem:s31], [sflag:$0x9], $0x1800, $0x38;
	[tilespmem:$0x1D480] =	vst v63  }
0x6b: {  	_ =	swait.ge [sflag:s0], $0x1800  }
0x6c: {  	[sflag:s0] =	ssyncset.done $0x0  }
0x6d: {  	[sflag:s0] =	ssyncadd.s32 $0xFFFFE800  }
0x6e: {  	[spmem:s20] =	stream.linear.scatter [tilespmem:s31], [sflag:$0x9], $0x1800, $0x38;
	[tilespmem:$0x1D480] =	vst v63  }
0x6f: {  	_ =	swait.ge [sflag:s0], $0x1800  }
0x70: {  	[sflag:s0] =	ssyncset.done $0x0  }
0x71: {  	s3 =	simm.s32 @!p0 $0x8400;
	[sflag:s0] =	ssyncadd.s32 $0xFFFFE800  }
0x72: {  	[spmem:s22] =	stream.linear.scatter @!p0 [tilespmem:s3], [sflag:$0x9], $0x800, $0x38;
	[tilespmem:$0x1D480] =	vst v63  }
0x73: {  	s3 =	simm.s32 @!p0 $0x9  }
0x74: {  	_ =	swait.ge @!p0 [sflag:s3], $0x800  }
0x75: {  	[sflag:s3] =	ssyncset.done @!p0 $0x0  }
0x76: {  	[sflag:s3] =	ssyncadd.s32 @!p0 $0xFFFFF800  }
0x77: {  	[bflag:$0x0] =	sbarrier.arrive $0xFFFF  }
0x78: {  	s25 =	rddreg [dreg:$0x4]  }
0x79: {  	p1 =	sle.u32 s25, $0x0  }
0x7a: {  	s3 =	simm.s32 @!p1 $0x2  }
0x7b: {  	p2 =	por @!p1 $0x1, $0x1;
	_ =	swait.ge @!p1 [sflag:s3], $0x100  }
0x7c: {  	p2 =	por p2, p1;
	[sflag:s3] =	ssyncset.done @!p1 $0x0  }
0x7d: {  	s8 =	simm.s32 @!p2 $0x8;
	[sflag:s3] =	ssyncadd.s32 @!p1 $0xFFFFFF00  }
0x7e: {  	_ =	swait.ge @!p2 [sflag:s8], $0x4000  }
0x7f: {  	[sflag:s8] =	ssyncset.done @!p2 $0x0  }
0x80: {  	[sflag:s8] =	ssyncadd.s32 @!p2 $0xFFFFC000  }
0x81: {  	v2 =	vld @!p1 [tilespmem:$0x170]  }
0x82: {  	v3 =	vld @!p1 [tilespmem:$0x130]  }
0x83: {  	v4 =	vld @!p1 [tilespmem:$0x140]  }
0x84: {  	v5 =	vld @!p1 [tilespmem:$0x120]  }
0x85: {  	v6 =	vld @!p1 [tilespmem:$0x150]  }
0x86: {  	v8 =	vld @!p1 [tilespmem:$0x110];
	v2 =	vadd.s32 @!p1 v0, v2  }
0x87: {  	v7 =	vld @!p1 [tilespmem:$0x160];
	v3 =	vadd.s32 @!p1 v0, v3;
	[tilespmem:$0x170] =	vst @!p1 v2  }
0x88: {  	v2 =	vld @!p1 [tilespmem:$0x100];
	[tilespmem:$0x130] =	vst @!p1 v3;
	v3 =	vadd.s32 @!p1 v0, v4  }
0x89: {  	v4 =	vadd.s32 @!p1 v0, v5;
	[tilespmem:$0x140] =	vst @!p1 v3  }
0x8a: {  	[tilespmem:$0x120] =	vst @!p1 v4;
	v3 =	vadd.s32 @!p1 v0, v6  }
0x8b: {  	v4 =	vadd.s32 @!p1 v0, v8;
	[tilespmem:$0x150] =	vst @!p1 v3  }
0x8c: {  	p3 =	sle.u32 s5, $0x2;
	v3 =	vadd.s32 @!p1 v0, v7;
	[tilespmem:$0x110] =	vst @!p1 v4  }
0x8d: {  	s10 =	simm.s32 @!p3 $0x0;
	[tilespmem:$0x160] =	vst @!p1 v3;
	v2 =	vadd.s32 @!p1 v0, v2  }
0x8e: {  	s9 =	simm.s32 @!p1 $0x4400;
	s3 =	simm.s32 @!p1 $0x80;
	s8 =	simm.s32 @!p1 $0x100;
	[tilespmem:$0x100] =	vst @!p1 v2  }
0x8f: {  	[tilespmem:s9], [sflag:$0x6] =	stream.indirect.gather @!p1 [hbm4b:s4+s3], $0x80, s8, s3, $0xb8;
	[tilespmem:$0x1D480] =	vst v63  }
0x90: {  	s14 =	simm.s32 @!p3 $0x200;
	p2 =	sle.u32 s5, $0x0;
	s8 =	sadd.s32 @!p3 $0xFFFFFE00, s11  }
0x91: {  	[tilespmem:s14], [sflag:$0x3] =	stream.linear.gather @!p3 [hbm4b:s8+s10], $0x100, $0x38;
	[tilespmem:$0x1D480] =	vst v63  }
0x92: {  	s8 =	simm.s32 @!p2 $0x5  }
0x93: {  	_ =	swait.ge @!p2 [sflag:s8], $0x4000  }
0x94: {  	s12 =	simm.s32 @!p3 $0x3;
	[sflag:s8] =	ssyncset.done @!p2 $0x0  }
0x95: {  	s10 =	simm.s32 @!p2 $0x400;
	[sflag:s8] =	ssyncadd.s32 @!p2 $0xFFFFC000;
	s8 =	simm.s32 @!p2 $0x80  }
0x96: {  	[spmem:s1] =	stream.indirect.scatter.add.f32 @!p2 [tilespmem:s10], [sflag:$0x7], $0x80, s8, s8, $0xb8;
	[tilespmem:$0x1D480] =	vst v63  }
0x97: {  	_ =	swait.ge @!p3 [sflag:s12], $0x100  }
0x98: {  	[sflag:s12] =	ssyncset.done @!p3 $0x0  }
0x99: {  	s8 =	simm.s32 @!p3 $0x7;
	[sflag:s12] =	ssyncadd.s32 @!p3 $0xFFFFFF00  }
0x9a: {  	_ =	swait.ge @!p3 [sflag:s8], $0x4000  }
0x9b: {  	[sflag:s8] =	ssyncset.done @!p3 $0x0  }
0x9c: {  	[sflag:s8] =	ssyncadd.s32 @!p3 $0xFFFFC000  }
0x9d: {  	v2 =	vld @!p3 [tilespmem:$0x220]  }
0x9e: {  	v4 =	vld @!p3 [tilespmem:$0x260]  }
0x9f: {  	v3 =	vld @!p3 [tilespmem:$0x270]  }
0xa0: {  	v7 =	vld @!p3 [tilespmem:$0x210]  }
0xa1: {  	v5 =	vld @!p3 [tilespmem:$0x240]  }
0xa2: {  	v6 =	vld @!p3 [tilespmem:$0x250];
	v2 =	vadd.s32 @!p3 v0, v2  }
0xa3: {  	v8 =	vld @!p3 [tilespmem:$0x200];
	v4 =	vadd.s32 @!p3 v0, v4;
	[tilespmem:$0x220] =	vst @!p3 v2  }
0xa4: {  	v2 =	vadd.s32 @!p3 v0, v3;
	v3 =	vld @!p3 [tilespmem:$0x230];
	[tilespmem:$0x260] =	vst @!p3 v4  }
0xa5: {  	v4 =	vadd.s32 @!p3 v0, v7;
	[tilespmem:$0x270] =	vst @!p3 v2  }
0xa6: {  	v2 =	vadd.s32 @!p3 v0, v5;
	[tilespmem:$0x210] =	vst @!p3 v4  }
0xa7: {  	[tilespmem:$0x240] =	vst @!p3 v2;
	v2 =	vadd.s32 @!p3 v0, v6  }
0xa8: {  	[tilespmem:$0x250] =	vst @!p3 v2;
	v2 =	vadd.s32 @!p3 v0, v8  }
0xa9: {  	[tilespmem:$0x200] =	vst @!p3 v2;
	v2 =	vadd.s32 @!p3 v0, v3  }
0xaa: {  	s13 =	simm.s32 @!p3 $0x400;
	p2 =	sle.u32 s5, $0x3;
	s12 =	simm.s32 @!p3 $0x80;
	[tilespmem:$0x230] =	vst @!p3 v2  }
0xab: {  	[tilespmem:s13], [sflag:$0x5] =	stream.indirect.gather @!p3 [hbm4b:s4+s12], $0x80, s14, s12, $0xb8;
	[tilespmem:$0x1D480] =	vst v63  }
0xac: {  	s10 =	simm.s32 @!p2 $0x0;
	s16 =	simm.s32 @!p2 $0x300;
	s8 =	simm.s32 @!p1 $0x6  }
0xad: {  	[tilespmem:s16], [sflag:$0x4] =	stream.linear.gather @!p2 [hbm4b:s11+s10], $0x100, $0x38;
	[tilespmem:$0x1D480] =	vst v63  }
0xae: {  	_ =	swait.ge @!p1 [sflag:s8], $0x4000  }
0xaf: {  	[sflag:s8] =	ssyncset.done @!p1 $0x0  }
0xb0: {  	s10 =	simm.s32 @!p1 $0x180;
	[sflag:s8] =	ssyncadd.s32 @!p1 $0xFFFFC000;
	s8 =	simm.s32 @!p2 $0x4  }
0xb1: {  	[spmem:s1] =	stream.indirect.scatter.add.f32 @!p1 [tilespmem:s9], [sflag:$0x8], $0x80, s10, s3, $0xb8;
	[tilespmem:$0x1D480] =	vst v63  }
0xb2: {  	_ =	swait.ge @!p2 [sflag:s8], $0x100  }
0xb3: {  	[sflag:s8] =	ssyncset.done @!p2 $0x0  }
0xb4: {  	s3 =	simm.s32 @!p2 $0x8;
	[sflag:s8] =	ssyncadd.s32 @!p2 $0xFFFFFF00  }
0xb5: {  	_ =	swait.ge @!p2 [sflag:s3], $0x4000  }
0xb6: {  	[sflag:s3] =	ssyncset.done @!p2 $0x0  }
0xb7: {  	[sflag:s3] =	ssyncadd.s32 @!p2 $0xFFFFC000  }
0xb8: {  	v4 =	vld @!p2 [tilespmem:$0x300]  }
0xb9: {  	s25 =	smov.u32 s11;
	s10 =	simm.s32 $0x4;
	v3 =	vld @!p2 [tilespmem:$0x360]  }
0xba: {  	s9 =	simm.s32 $0x4;
	s8 =	smov.u32 s11;
	s3 =	simm.s32 $0x0;
	v2 =	vld @!p2 [tilespmem:$0x350]  }
.LBB2_4:
0xbb: {  	v5 =	vld @!p2 [tilespmem:$0x370]  }
0xbc: {  	v7 =	vld @!p2 [tilespmem:$0x340]  }
0xbd: {  	v6 =	vld @!p2 [tilespmem:$0x310];
	v4 =	vadd.s32 @!p2 v0, v4  }
0xbe: {  	v3 =	vadd.s32 @!p2 v0, v3;
	[tilespmem:$0x300] =	vst @!p2 v4;
	v4 =	vld @!p2 [tilespmem:$0x320]  }
0xbf: {  	v2 =	vadd.s32 @!p2 v0, v2;
	[tilespmem:$0x360] =	vst @!p2 v3;
	v3 =	vld @!p2 [tilespmem:$0x330]  }
0xc0: {  	v5 =	vadd.s32 @!p2 v0, v5;
	[tilespmem:$0x350] =	vst @!p2 v2  }
0xc1: {  	v2 =	vadd.s32 @!p2 v0, v7;
	[tilespmem:$0x370] =	vst @!p2 v5  }
0xc2: {  	v5 =	vadd.s32 @!p2 v0, v6;
	[tilespmem:$0x340] =	vst @!p2 v2  }
0xc3: {  	[tilespmem:$0x310] =	vst @!p2 v5;
	v4 =	vadd.s32 @!p2 v0, v4  }
0xc4: {  	v3 =	vadd.s32 @!p2 v0, v3;
	[tilespmem:$0x320] =	vst @!p2 v4  }
0xc5: {  	p4 =	sge.u32 s9, s5;
	s15 =	simm.s32 @!p2 $0x80;
	s17 =	simm.s32 @!p2 $0x4400;
	[tilespmem:$0x330] =	vst @!p2 v3  }
0xc6: {  	[tilespmem:s17], [sflag:$0x6] =	stream.indirect.gather @!p2 [hbm4b:s4+s15], $0x80, s16, s15, $0xb8;
	[tilespmem:$0x1D480] =	vst v63  }
0xc7: {  	s18 =	simm.s32 @!p3 $0x5;
	s19 =	sadd.s32 @!p4 $0x200, s25;
	s16 =	simm.s32 @!p4 $0x0  }
0xc8: {  	[tilespmem:s16], [sflag:$0x1] =	stream.linear.gather @!p4 [hbm4b:s19+s16], $0x100, $0x38;
	[tilespmem:$0x1D480] =	vst v63  }
0xc9: {  	_ =	swait.ge @!p3 [sflag:s18], $0x4000  }
0xca: {  	[sflag:s18] =	ssyncset.done @!p3 $0x0  }
0xcb: {  	s19 =	simm.s32 @!p3 $0x280;
	[sflag:s18] =	ssyncadd.s32 @!p3 $0xFFFFC000;
	s18 =	simm.s32 @!p4 $0x1  }
0xcc: {  	[spmem:s1] =	stream.indirect.scatter.add.f32 @!p3 [tilespmem:s13], [sflag:$0x7], $0x80, s19, s12, $0xb8;
	[tilespmem:$0x1D480] =	vst v63  }
0xcd: {  	_ =	swait.ge @!p4 [sflag:s18], $0x100  }
0xce: {  	[sflag:s18] =	ssyncset.done @!p4 $0x0  }
0xcf: {  	s12 =	simm.s32 @!p4 $0x7;
	[sflag:s18] =	ssyncadd.s32 @!p4 $0xFFFFFF00  }
0xd0: {  	_ =	swait.ge @!p4 [sflag:s12], $0x4000  }
0xd1: {  	[sflag:s12] =	ssyncset.done @!p4 $0x0  }
0xd2: {  	[sflag:s12] =	ssyncadd.s32 @!p4 $0xFFFFC000  }
0xd3: {  	v2 =	vld @!p4 [tilespmem:$0x0]  }
0xd4: {  	v3 =	vld @!p4 [tilespmem:$0x10]  }
0xd5: {  	v4 =	vld @!p4 [tilespmem:$0x20]  }
0xd6: {  	v5 =	vld @!p4 [tilespmem:$0x60]  }
0xd7: {  	v6 =	vld @!p4 [tilespmem:$0x50]  }
0xd8: {  	v7 =	vld @!p4 [tilespmem:$0x40];
	v2 =	vadd.s32 @!p4 v0, v2  }
0xd9: {  	[tilespmem:$0x0] =	vst @!p4 v2;
	v2 =	vadd.s32 @!p4 v0, v3;
	v3 =	vld @!p4 [tilespmem:$0x30]  }
0xda: {  	[tilespmem:$0x10] =	vst @!p4 v2;
	v2 =	vadd.s32 @!p4 v0, v4;
	v4 =	vld @!p4 [tilespmem:$0x70]  }
0xdb: {  	[tilespmem:$0x20] =	vst @!p4 v2;
	v2 =	vadd.s32 @!p4 v0, v5  }
0xdc: {  	v5 =	vadd.s32 @!p4 v0, v6;
	[tilespmem:$0x60] =	vst @!p4 v2  }
0xdd: {  	v2 =	vadd.s32 @!p4 v0, v7;
	[tilespmem:$0x50] =	vst @!p4 v5  }
0xde: {  	s3 =	sadd.s32 $0x5, s3;
	[tilespmem:$0x40] =	vst @!p4 v2;
	v3 =	vadd.s32 @!p4 v0, v3  }
0xdf: {  	s14 =	smov.u32 s10;
	s13 =	simm.s32 @!p4 $0x400;
	p3 =	sge.u32 s3, s5;
	[tilespmem:$0x30] =	vst @!p4 v3;
	v2 =	vadd.s32 @!p4 v0, v4  }
0xe0: {  	s3 =	smov.u32 s14;
	s14 =	simm.s32 @!p3 $0x0;
	s12 =	simm.s32 @!p4 $0x80;
	[tilespmem:$0x70] =	vst @!p4 v2  }
0xe1: {  	[tilespmem:s13], [sflag:$0x5] =	stream.indirect.gather @!p4 [hbm4b:s4+s12], $0x80, s16, s12, $0xb8;
	[tilespmem:$0x1D480] =	vst v63  }
0xe2: {  	s12 =	simm.s32 @!p2 $0x6;
	s13 =	sadd.s32 @!p3 $0x400, s25;
	s16 =	simm.s32 @!p3 $0x100  }
0xe3: {  	[tilespmem:s16], [sflag:$0x2] =	stream.linear.gather @!p3 [hbm4b:s13+s14], $0x100, $0x38;
	[tilespmem:$0x1D480] =	vst v63  }
0xe4: {  	_ =	swait.ge @!p2 [sflag:s12], $0x4000  }
0xe5: {  	s16 =	rddreg [dreg:$0x4];
	[sflag:s12] =	ssyncset.done @!p2 $0x0  }
0xe6: {  	s14 =	simm.s32 @!p2 $0x380;
	[sflag:s12] =	ssyncadd.s32 @!p2 $0xFFFFC000;
	p4 =	sge.u32 s3, s16  }
0xe7: {  	[spmem:s1] =	stream.indirect.scatter.add.f32 @!p2 [tilespmem:s17], [sflag:$0x8], $0x80, s14, s15, $0xb8;
	[tilespmem:$0x1D480] =	vst v63  }
0xe8: {  	s12 =	simm.s32 @!p4 $0x2  }
0xe9: {  	p2 =	seq.s32 @!p4 s3, $0x0;
	_ =	swait.ge @!p4 [sflag:s12], $0x100  }
0xea: {  	p2 =	por p2, p4;
	[sflag:s12] =	ssyncset.done @!p4 $0x0  }
0xeb: {  	s13 =	simm.s32 @!p2 $0x8;
	[sflag:s12] =	ssyncadd.s32 @!p4 $0xFFFFFF00  }
0xec: {  	_ =	swait.ge @!p2 [sflag:s13], $0x4000  }
0xed: {  	[sflag:s13] =	ssyncset.done @!p2 $0x0  }
0xee: {  	[sflag:s13] =	ssyncadd.s32 @!p2 $0xFFFFC000  }
0xef: {  	v4 =	vld @!p4 [tilespmem:$0x170]  }
0xf0: {  	v5 =	vld @!p4 [tilespmem:$0x130]  }
0xf1: {  	v3 =	vld @!p4 [tilespmem:$0x110]  }
0xf2: {  	v2 =	vld @!p4 [tilespmem:$0x100]  }
0xf3: {  	v6 =	vld @!p4 [tilespmem:$0x140]  }
0xf4: {  	v7 =	vld @!p4 [tilespmem:$0x120];
	v4 =	vadd.s32 @!p4 v0, v4  }
0xf5: {  	v8 =	vld @!p4 [tilespmem:$0x150];
	v5 =	vadd.s32 @!p4 v0, v5;
	[tilespmem:$0x170] =	vst @!p4 v4  }
0xf6: {  	v9 =	vld @!p4 [tilespmem:$0x160];
	v3 =	vadd.s32 @!p4 v0, v3;
	[tilespmem:$0x130] =	vst @!p4 v5  }
0xf7: {  	v2 =	vadd.s32 @!p4 v0, v2;
	[tilespmem:$0x110] =	vst @!p4 v3  }
0xf8: {  	v4 =	vadd.s32 @!p4 v0, v6;
	[tilespmem:$0x100] =	vst @!p4 v2  }
0xf9: {  	s18 =	sadd.s32 $0x2, s3;
	v5 =	vadd.s32 @!p4 v0, v7;
	[tilespmem:$0x140] =	vst @!p4 v4  }
0xfa: {  	p3 =	sge.u32 s18, s5;
	[tilespmem:$0x120] =	vst @!p4 v5;
	v4 =	vadd.s32 @!p4 v0, v8  }
0xfb: {  	s8 =	sadd.s32 $0x800, s8;
	s16 =	simm.s32 @!p3 $0x200;
	[tilespmem:$0x150] =	vst @!p4 v4;
	v4 =	vadd.s32 @!p4 v0, v9  }
0xfc: {  	s14 =	simm.s32 @!p4 $0x80;
	s15 =	simm.s32 @!p4 $0x4400;
	s12 =	simm.s32 @!p4 $0x100;
	[tilespmem:$0x160] =	vst @!p4 v4  }
0xfd: {  	[tilespmem:s15], [sflag:$0x6] =	stream.indirect.gather @!p4 [hbm4b:s4+s14], $0x80, s12, s14, $0xb8;
	[tilespmem:$0x1D480] =	vst v63  }
0xfe: {  	p2 =	sge.u32 s3, s5;
	s13 =	simm.s32 @!p3 $0x0;
	s12 =	sadd.s32 @!p3 $0xFFFFFE00, s8  }
0xff: {  	[tilespmem:s16], [sflag:$0x3] =	stream.linear.gather @!p3 [hbm4b:s12+s13], $0x100, $0x38;
	[tilespmem:$0x1D480] =	vst v63  }
0x100: {  	s12 =	simm.s32 @!p2 $0x5  }
0x101: {  	_ =	swait.ge @!p2 [sflag:s12], $0x4000  }
0x102: {  	s17 =	simm.s32 @!p3 $0x3;
	[sflag:s12] =	ssyncset.done @!p2 $0x0  }
0x103: {  	s13 =	simm.s32 @!p2 $0x400;
	[sflag:s12] =	ssyncadd.s32 @!p2 $0xFFFFC000;
	s12 =	simm.s32 @!p2 $0x80  }
0x104: {  	[spmem:s1] =	stream.indirect.scatter.add.f32 @!p2 [tilespmem:s13], [sflag:$0x7], $0x80, s12, s12, $0xb8;
	[tilespmem:$0x1D480] =	vst v63  }
0x105: {  	_ =	swait.ge @!p3 [sflag:s17], $0x100  }
0x106: {  	[sflag:s17] =	ssyncset.done @!p3 $0x0  }
0x107: {  	s12 =	simm.s32 @!p3 $0x7;
	[sflag:s17] =	ssyncadd.s32 @!p3 $0xFFFFFF00  }
0x108: {  	_ =	swait.ge @!p3 [sflag:s12], $0x4000  }
0x109: {  	[sflag:s12] =	ssyncset.done @!p3 $0x0  }
0x10a: {  	[sflag:s12] =	ssyncadd.s32 @!p3 $0xFFFFC000  }
0x10b: {  	v2 =	vld @!p3 [tilespmem:$0x220]  }
0x10c: {  	v4 =	vld @!p3 [tilespmem:$0x260]  }
0x10d: {  	v3 =	vld @!p3 [tilespmem:$0x270]  }
0x10e: {  	v7 =	vld @!p3 [tilespmem:$0x210]  }
0x10f: {  	v5 =	vld @!p3 [tilespmem:$0x240]  }
0x110: {  	v6 =	vld @!p3 [tilespmem:$0x250];
	v2 =	vadd.s32 @!p3 v0, v2  }
0x111: {  	v8 =	vld @!p3 [tilespmem:$0x200];
	v4 =	vadd.s32 @!p3 v0, v4;
	[tilespmem:$0x220] =	vst @!p3 v2  }
0x112: {  	v2 =	vadd.s32 @!p3 v0, v3;
	v3 =	vld @!p3 [tilespmem:$0x230];
	[tilespmem:$0x260] =	vst @!p3 v4  }
0x113: {  	v4 =	vadd.s32 @!p3 v0, v7;
	[tilespmem:$0x270] =	vst @!p3 v2  }
0x114: {  	v2 =	vadd.s32 @!p3 v0, v5;
	[tilespmem:$0x210] =	vst @!p3 v4  }
0x115: {  	[tilespmem:$0x240] =	vst @!p3 v2;
	v2 =	vadd.s32 @!p3 v0, v6  }
0x116: {  	[tilespmem:$0x250] =	vst @!p3 v2;
	v2 =	vadd.s32 @!p3 v0, v8  }
0x117: {  	s19 =	sadd.s32 $0x3, s3;
	[tilespmem:$0x200] =	vst @!p3 v2;
	v2 =	vadd.s32 @!p3 v0, v3  }
0x118: {  	s13 =	simm.s32 @!p3 $0x400;
	p2 =	sge.u32 s19, s5;
	s12 =	simm.s32 @!p3 $0x80;
	[tilespmem:$0x230] =	vst @!p3 v2  }
0x119: {  	[tilespmem:s13], [sflag:$0x5] =	stream.indirect.gather @!p3 [hbm4b:s4+s12], $0x80, s16, s12, $0xb8;
	[tilespmem:$0x1D480] =	vst v63  }
0x11a: {  	s18 =	simm.s32 @!p2 $0x0;
	s17 =	simm.s32 @!p4 $0x6;
	s16 =	simm.s32 @!p2 $0x300  }
0x11b: {  	[tilespmem:s16], [sflag:$0x4] =	stream.linear.gather @!p2 [hbm4b:s8+s18], $0x100, $0x38;
	[tilespmem:$0x1D480] =	vst v63  }
0x11c: {  	_ =	swait.ge @!p4 [sflag:s17], $0x4000  }
0x11d: {  	[sflag:s17] =	ssyncset.done @!p4 $0x0  }
0x11e: {  	s18 =	simm.s32 @!p4 $0x180;
	[sflag:s17] =	ssyncadd.s32 @!p4 $0xFFFFC000;
	s17 =	simm.s32 @!p2 $0x4  }
0x11f: {  	[spmem:s1] =	stream.indirect.scatter.add.f32 @!p4 [tilespmem:s15], [sflag:$0x8], $0x80, s18, s14, $0xb8;
	[tilespmem:$0x1D480] =	vst v63  }
0x120: {  	_ =	swait.ge @!p2 [sflag:s17], $0x100  }
0x121: {  	[sflag:s17] =	ssyncset.done @!p2 $0x0  }
0x122: {  	s10 =	sadd.s32 $0x4, s10;
	s19 =	simm.s32 @!p2 $0x8;
	[sflag:s17] =	ssyncadd.s32 @!p2 $0xFFFFFF00  }
0x123: {  	p1 =	sne.s32 s10, $0xA0;
	_ =	swait.ge @!p2 [sflag:s19], $0x4000  }
.Ltmp1:
0x124: {  	[sflag:s19] =	ssyncset.done @!p2 $0x0;
	(pc) =	sbr.rel @p1 .LBB2_4-.Ltmp1, $4  }
0x125: {  	[sflag:s19] =	ssyncadd.s32 @!p2 $0xFFFFC000  }
0x126: {  	v4 =	vld @!p2 [tilespmem:$0x300]  }
0x127: {  	v3 =	vld @!p2 [tilespmem:$0x360]  }
0x128: {  	s9 =	smov.u32 s10;
	s25 =	smov.u32 s8;
	v2 =	vld @!p2 [tilespmem:$0x350]  }
0x129: {  	v5 =	vld @!p2 [tilespmem:$0x370]  }
0x12a: {  	v7 =	vld @!p2 [tilespmem:$0x340]  }
0x12b: {  	v6 =	vld @!p2 [tilespmem:$0x320];
	v4 =	vadd.s32 @!p2 v0, v4  }
0x12c: {  	[tilespmem:$0x300] =	vst @!p2 v4;
	v3 =	vadd.s32 @!p2 v0, v3;
	v4 =	vld @!p2 [tilespmem:$0x330]  }
0x12d: {  	[tilespmem:$0x360] =	vst @!p2 v3;
	v3 =	vld @!p2 [tilespmem:$0x310];
	v2 =	vadd.s32 @!p2 v0, v2  }
0x12e: {  	v5 =	vadd.s32 @!p2 v0, v5;
	[tilespmem:$0x350] =	vst @!p2 v2  }
0x12f: {  	v2 =	vadd.s32 @!p2 v0, v7;
	[tilespmem:$0x370] =	vst @!p2 v5  }
0x130: {  	v5 =	vadd.s32 @!p2 v0, v6;
	[tilespmem:$0x340] =	vst @!p2 v2  }
0x131: {  	[tilespmem:$0x320] =	vst @!p2 v5;
	v4 =	vadd.s32 @!p2 v0, v4  }
0x132: {  	v2 =	vadd.s32 @!p2 v0, v3;
	[tilespmem:$0x330] =	vst @!p2 v4  }
0x133: {  	p1 =	sge.u32 s9, s5;
	s8 =	simm.s32 @!p2 $0x80;
	s9 =	simm.s32 @!p2 $0x4400;
	[tilespmem:$0x310] =	vst @!p2 v2  }
0x134: {  	[tilespmem:s9], [sflag:$0x6] =	stream.indirect.gather @!p2 [hbm4b:s4+s8], $0x80, s16, s8, $0xb8;
	[tilespmem:$0x1D480] =	vst v63  }
0x135: {  	s10 =	simm.s32 @!p3 $0x5;
	s14 =	sadd.s32 @!p1 $0x200, s25;
	s15 =	simm.s32 @!p1 $0x0  }
0x136: {  	[tilespmem:s15], [sflag:$0x1] =	stream.linear.gather @!p1 [hbm4b:s14+s15], $0x100, $0x38;
	[tilespmem:$0x1D480] =	vst v63  }
0x137: {  	_ =	swait.ge @!p3 [sflag:s10], $0x4000  }
0x138: {  	[sflag:s10] =	ssyncset.done @!p3 $0x0  }
0x139: {  	s14 =	simm.s32 @!p3 $0x280;
	[sflag:s10] =	ssyncadd.s32 @!p3 $0xFFFFC000;
	s10 =	simm.s32 @!p1 $0x1  }
0x13a: {  	[spmem:s1] =	stream.indirect.scatter.add.f32 @!p3 [tilespmem:s13], [sflag:$0x7], $0x80, s14, s12, $0xb8;
	[tilespmem:$0x1D480] =	vst v63  }
0x13b: {  	_ =	swait.ge @!p1 [sflag:s10], $0x100  }
0x13c: {  	[sflag:s10] =	ssyncset.done @!p1 $0x0  }
0x13d: {  	[sflag:s10] =	ssyncadd.s32 @!p1 $0xFFFFFF00;
	s10 =	simm.s32 @!p1 $0x7  }
0x13e: {  	_ =	swait.ge @!p1 [sflag:s10], $0x4000  }
0x13f: {  	[sflag:s10] =	ssyncset.done @!p1 $0x0  }
0x140: {  	[sflag:s10] =	ssyncadd.s32 @!p1 $0xFFFFC000  }
0x141: {  	v2 =	vld @!p1 [tilespmem:$0x0]  }
0x142: {  	v3 =	vld @!p1 [tilespmem:$0x10]  }
0x143: {  	v4 =	vld @!p1 [tilespmem:$0x20]  }
0x144: {  	v5 =	vld @!p1 [tilespmem:$0x60]  }
0x145: {  	v6 =	vld @!p1 [tilespmem:$0x50]  }
0x146: {  	v7 =	vld @!p1 [tilespmem:$0x40];
	v2 =	vadd.s32 @!p1 v0, v2  }
0x147: {  	[tilespmem:$0x0] =	vst @!p1 v2;
	v2 =	vadd.s32 @!p1 v0, v3;
	v3 =	vld @!p1 [tilespmem:$0x30]  }
0x148: {  	[tilespmem:$0x10] =	vst @!p1 v2;
	v2 =	vadd.s32 @!p1 v0, v4;
	v4 =	vld @!p1 [tilespmem:$0x70]  }
0x149: {  	[tilespmem:$0x20] =	vst @!p1 v2;
	v2 =	vadd.s32 @!p1 v0, v5  }
0x14a: {  	v5 =	vadd.s32 @!p1 v0, v6;
	[tilespmem:$0x60] =	vst @!p1 v2  }
0x14b: {  	v2 =	vadd.s32 @!p1 v0, v7;
	[tilespmem:$0x50] =	vst @!p1 v5  }
0x14c: {  	[tilespmem:$0x40] =	vst @!p1 v2;
	v3 =	vadd.s32 @!p1 v0, v3  }
0x14d: {  	[tilespmem:$0x30] =	vst @!p1 v3;
	v2 =	vadd.s32 @!p1 v0, v4  }
0x14e: {  	s3 =	sadd.s32 $0x5, s3;
	s12 =	simm.s32 @!p1 $0x400;
	s10 =	simm.s32 @!p1 $0x80;
	[tilespmem:$0x70] =	vst @!p1 v2  }
0x14f: {  	[tilespmem:s12], [sflag:$0x5] =	stream.indirect.gather @!p1 [hbm4b:s4+s10], $0x80, s15, s10, $0xb8;
	[tilespmem:$0x1D480] =	vst v63  }
0x150: {  	p1 =	sge.u32 s3, s5;
	s3 =	simm.s32 @!p2 $0x6  }
0x151: {  	s10 =	sadd.s32 @!p1 $0x400, s25;
	s12 =	simm.s32 @!p1 $0x0;
	s13 =	simm.s32 @!p1 $0x100  }
0x152: {  	[tilespmem:s13], [sflag:$0x2] =	stream.linear.gather @!p1 [hbm4b:s10+s12], $0x100, $0x38;
	[tilespmem:$0x1D480] =	vst v63  }
0x153: {  	_ =	swait.ge @!p2 [sflag:s3], $0x4000  }
0x154: {  	[sflag:s3] =	ssyncset.done @!p2 $0x0  }
0x155: {  	s10 =	simm.s32 @!p2 $0x380;
	[sflag:s3] =	ssyncadd.s32 @!p2 $0xFFFFC000  }
0x156: {  	[spmem:s1] =	stream.indirect.scatter.add.f32 @!p2 [tilespmem:s9], [sflag:$0x8], $0x80, s10, s8, $0xb8;
	[tilespmem:$0x1D480] =	vst v63  }
0x157: {  	_ =	swait.ge [sflag:s26], $0x4000  }
0x158: {  	[sflag:s26] =	ssyncset.done $0x0  }
0x159: {  	[sflag:s26] =	ssyncadd.s32 $0xFFFFC000  }
0x15a: {  	_ =	swait.ge [sflag:s29], $0x4000  }
0x15b: {  	s19 =	stileid.u32;
	[sflag:s29] =	ssyncset.done $0x0  }
0x15c: {  	s3 =	sshll.u32 s19, $0x6;
	[sflag:s29] =	ssyncadd.s32 $0xFFFFC000  }
0x15d: {  	s25 =	sshrl.u32 s7, $0x3;
	s3 =	sor.u32 $0x1C09, s3;
	[bflag:$0x0] =	sbarrier.arrive $0xFFFF  }
0x15e: {  	[hbm:s21], [sflag:s3] =	dma.local [spmem:s25], $0x2700  }
0x15f: {  	_ =	swait.ge [sflag:s0], $0x2700  }
0x160: {  	s30 =	sadd.s32 $0x1, s30;
	[sflag:s0] =	ssyncset.done $0x0  }
0x161: {  	p1 =	sne.s32 s30, s24;
	s8 =	sshrl.u32 @!p0 s22, $0x3;
	[sflag:s0] =	ssyncadd.s32 $0xFFFFD900  }
0x162: {  	[hbm:s23], [sflag:s3] =	dma.local @!p0 [spmem:s8], $0x100  }
.Ltmp2:
0x163: {  	_ = 	snop;
	(pc) =	sbr.rel @p1 .LBB2_1-.Ltmp2, $4  }
0x164: {  	s3 =	simm.s32 @!p0 $0x9  }
0x165: {  	_ =	swait.ge @!p0 [sflag:s3], $0x100  }
0x166: {  	[sflag:s3] =	ssyncset.done @!p0 $0x0  }
0x167: {  	[sflag:s3] =	ssyncadd.s32 @!p0 $0xFFFFFF00  }
0x168: {  	_ =	sfence.sel $0x180000  }
0x169: {  	[bflag:$0x0] =	sbarrier.arrive $0xFFFF  }
0x16a: {  	_ =	strace $0x9000004A  }
0x16b: {  	s0 =	stileid.u32;
	[bflag:$0x2] =	sbarrier.arrive $0xFFFF  }
0x16c: {  	p0 =	sne.s32 s0, $0x0;
	s0 =	rddreg [dreg:$0x3]  }
0x16d: {  	s0 =	sadd.s32 @!p0 $0x100000, s0  }
0x16e: {  	[sflag:s0] =	ssyncadd.tile.s32 @!p0 $0x1;
	_ =	shalt  }
.Lfunc_end2:
_tile_overlayer_lowered:
.L_overlay_start_2:
0x16f: {  	(tag) =	ssettag $0x2  }
0x170: {  	s0 =	rddreg [dreg:$0x0];
	s2 =	stileid.u32  }
0x171: {  	s1 =	rddreg [dreg:$0x1];
	p0 =	sne.s32 s2, $0x0  }
0x172: {  	s3 =	rddreg [dreg:$0x2];
	[bflag:$0x3] =	sbarrier.arrive $0xFFFF;
	s2 =	simm.s32 @!p0 $0x1C09  }
0x173: {  	[timem:s3], [sflag:s2] =	dma.local @!p0 [hbm:s0], s1  }
0x174: {  	s0 =	simm.s32 @!p0 $0x9  }
0x175: {  	_ =	swait.ge @!p0 [sflag:s0], s1  }
0x176: {  	s1 =	ssub.s32 @!p0 $0x0, s1;
	[sflag:s0] =	ssyncset.done @!p0 $0x0  }
0x177: {  	[sflag:s0] =	ssyncadd.s32 @!p0 s1  }
0x178: {  	[bflag:$0x3] =	sbarrier.arrive $0xFFFF  }
0x179: {  	_ =	shalt  }

</sc_bundles>
